<compile_context>
chip_gen: v7x
topology: tpu7x:2x2x1
jax: 0.10.2.dev20260603
libtpu: 0.0.44.dev20260713+nightly
codegen_flags: <defaults>
</compile_context>

<pallas_src>
import functools

import jax
import jax.numpy as jnp
from jax import lax
from jax.experimental import pallas as pl
from jax.experimental.pallas import tpu as pltpu
from jax.experimental.pallas import tpu_sc as plsc

N = 10000
E = 320000
D_IN = 128
D_HID = 256
D_OUT = 100

NC = 2
NS = 16
NW = NC * NS

K = 40
NBUF = 5
EPW = E // NW
NCHUNK = EPW // K
ROWS_MAIN = 640
ROWS_TAIL = N - (NS - 1) * ROWS_MAIN


def _segsum_body(with_cnt, table_hbm, idx_hbm, zrows_hbm, zn_hbm,
                 out_hbm, cnt_hbm,
                 acc_sh, cnt_sh, *bufs):
  idx_b = bufs[0:NBUF]
  rows_b = bufs[NBUF:2 * NBUF]
  ones_v = bufs[2 * NBUF]
  gsem_b = bufs[2 * NBUF + 1:3 * NBUF + 1]
  ssem_b = bufs[3 * NBUF + 1:4 * NBUF + 1]

  c = lax.axis_index("c")
  s = lax.axis_index("s")
  wid = c * NS + s

  if with_cnt:
    o = 0
    while o < K:
      ones_v[pl.ds(min(o, K - 16), 16)] = jnp.ones((16,), jnp.float32)
      o += 16

  r0 = s * ROWS_MAIN

  @pl.when(s < NS - 1)
  def _():
    pltpu.sync_copy(zrows_hbm.at[pl.ds(r0, ROWS_MAIN)],
                    acc_sh.at[pl.ds(r0, ROWS_MAIN)])

  @pl.when(s == NS - 1)
  def _():
    pltpu.sync_copy(zrows_hbm.at[pl.ds(r0, ROWS_TAIL)],
                    acc_sh.at[pl.ds(r0, ROWS_TAIL)])

  if with_cnt:
    @pl.when(s == 0)
    def _():
      pltpu.sync_copy(zn_hbm, cnt_sh)

  plsc.subcore_barrier()

  def load_idx(b, j):
    pltpu.sync_copy(idx_hbm.at[wid, j], idx_b[b])

  def gather(b, j):
    load_idx(b, j)
    pltpu.async_copy(table_hbm.at[idx_b[b].at[0]], rows_b[b], gsem_b[b])

  def wait_gather(b):
    pltpu.make_async_copy(table_hbm.at[idx_b[b].at[0]], rows_b[b],
                          gsem_b[b]).wait()

  def scatter_start(b):
    pltpu.make_async_copy(rows_b[b], acc_sh.at[idx_b[b].at[1]],
                          ssem_b[b]).start(add=True)
    if with_cnt:
      pltpu.sync_copy(ones_v, cnt_sh.at[idx_b[b].at[1]], add=True)

  def wait_scatter(b):
    pltpu.make_async_copy(rows_b[b], acc_sh.at[idx_b[b].at[1]],
                          ssem_b[b]).wait()

  for b in range(NBUF - 1):
    gather(b, b)

  def step(i, k):
    ck = NBUF * i + k
    q = ck + NBUF - 1
    bq = (k + NBUF - 1) % NBUF

    wait_gather(k)
    scatter_start(k)

    def prefetch():
      wait_scatter(bq)
      gather(bq, q)

    if k == 0:
      @pl.when(i > 0)
      def _():
        prefetch()

      @pl.when(i == 0)
      def _():
        gather(bq, q)
    else:
      @pl.when(q < NCHUNK)
      def _():
        prefetch()

  def body(i, carry):
    for k in range(NBUF):
      step(i, k)
    return carry

  lax.fori_loop(0, NCHUNK // NBUF, body, 0)
  for b in range(NBUF):
    wait_scatter(b)

  plsc.subcore_barrier()

  @pl.when(s < NS - 1)
  def _():
    pltpu.sync_copy(acc_sh.at[pl.ds(r0, ROWS_MAIN)],
                    out_hbm.at[c, pl.ds(r0, ROWS_MAIN)])

  @pl.when(s == NS - 1)
  def _():
    pltpu.sync_copy(acc_sh.at[pl.ds(r0, ROWS_TAIL)],
                    out_hbm.at[c, pl.ds(r0, ROWS_TAIL)])

  if with_cnt:
    @pl.when(s == 0)
    def _():
      pltpu.sync_copy(cnt_sh, cnt_hbm.at[c])


def _segment_sum_sc(table, idx, with_cnt):
  zrows = jnp.zeros((N, D_IN), jnp.float32)
  zn = jnp.zeros((N,), jnp.float32)
  mesh = plsc.VectorSubcoreMesh(core_axis_name="c", subcore_axis_name="s",
                                num_cores=NC, num_subcores=NS)
  f = pl.kernel(
      functools.partial(_segsum_body, with_cnt),
      out_type=(jax.ShapeDtypeStruct((NC, N, D_IN), jnp.float32),
                jax.ShapeDtypeStruct((NC, N), jnp.float32)),
      mesh=mesh,
      scratch_types=(
          [pltpu.VMEM_SHARED((N, D_IN), jnp.float32),
           pltpu.VMEM_SHARED((N,), jnp.float32)]
          + [pltpu.VMEM((2, K), jnp.int32)] * NBUF
          + [pltpu.VMEM((K, D_IN), jnp.float32)] * NBUF
          + [pltpu.VMEM((K,), jnp.float32)]
          + [pltpu.SemaphoreType.DMA] * (2 * NBUF)
      ),
  )
  return f(table, idx, zrows, zn)


BN = 1000


def _layer1_tc_body(acc, cnt2, x, w1l, w1r, b1, w2lp,
                    h_ref, g_ref, rc_ref):
  cnt = jnp.maximum(cnt2[0] + cnt2[1], 1.0)
  rc = 1.0 / cnt
  agg = (acc[0] + acc[1]) * rc
  h = (jnp.dot(agg, w1l[...], preferred_element_type=jnp.float32)
       + b1[...]
       + jnp.dot(x[...], w1r[...], preferred_element_type=jnp.float32))
  h = jnp.maximum(h, 0.0)
  h_ref[...] = h
  g_ref[...] = jnp.dot(h, w2lp[...], preferred_element_type=jnp.float32)
  rc_ref[...] = rc


def _layer2_tc_body(acc, rc, h, w2rp, b2p, o_ref):
  z = ((acc[0] + acc[1]) * rc[...]
       + jnp.dot(h[...], w2rp[...], preferred_element_type=jnp.float32)
       + b2p[...])
  o_ref[...] = jax.nn.sigmoid(z)[:, :D_OUT]


def _row_spec(d):
  return pl.BlockSpec((BN, d), lambda i: (i, 0))


def _full_spec(r, c):
  return pl.BlockSpec((r, c), lambda i: (0, 0))


def kernel(x, edge_index, W1_l, W1_r, b1, W2_l, W2_r, b2):
  idx = jnp.transpose(edge_index.reshape(2, NW, NCHUNK, K), (1, 2, 0, 3))

  acc1, cnt = _segment_sum_sc(x, idx, with_cnt=True)

  w2lp = jnp.pad(W2_l, ((0, 0), (0, D_IN - D_OUT)))
  grid = (N // BN,)
  h, g, rc = pl.pallas_call(
      _layer1_tc_body,
      grid=grid,
      in_specs=[
          pl.BlockSpec((NC, BN, D_IN), lambda i: (0, i, 0)),
          pl.BlockSpec((NC, BN, 1), lambda i: (0, i, 0)),
          _row_spec(D_IN),
          _full_spec(D_IN, D_HID), _full_spec(D_IN, D_HID),
          _full_spec(1, D_HID),
          _full_spec(D_HID, D_IN),
      ],
      out_specs=[_row_spec(D_HID), _row_spec(D_IN), _row_spec(1)],
      out_shape=[
          jax.ShapeDtypeStruct((N, D_HID), jnp.float32),
          jax.ShapeDtypeStruct((N, D_IN), jnp.float32),
          jax.ShapeDtypeStruct((N, 1), jnp.float32),
      ],
  )(acc1, cnt.reshape(NC, N, 1), x, W1_l, W1_r, b1[None, :], w2lp)

  acc2, _ = _segment_sum_sc(g, idx, with_cnt=False)

  w2rp = jnp.pad(W2_r, ((0, 0), (0, D_IN - D_OUT)))
  b2p = jnp.pad(b2, (0, D_IN - D_OUT))
  o = pl.pallas_call(
      _layer2_tc_body,
      grid=grid,
      in_specs=[
          pl.BlockSpec((NC, BN, D_IN), lambda i: (0, i, 0)),
          _row_spec(1),
          _row_spec(D_HID),
          _full_spec(D_HID, D_IN),
          _full_spec(1, D_IN),
      ],
      out_specs=_row_spec(D_OUT),
      out_shape=jax.ShapeDtypeStruct((N, D_OUT), jnp.float32),
  )(acc2, rc, h, w2rp, b2p[None, :])

  return o

# --- scband reference (transcript-rebuilt; emitter-appended) ---
"""Pipeline reference for scband-sage-sup-55009941127683 (READ-ONLY COPY).

The authoritative reference and input builder live on the scoring server;
editing this copy changes nothing except your own understanding.
"""

import jax, jax.numpy as jnp
import numpy as np

N = 10000
E = 320000
D_IN = 128
D_HID = 256
D_OUT = 100


def setup_inputs(seed: int = 0) -> dict:
    key = jax.random.key(seed)
    ks = jax.random.split(key, 8)
    x = jax.random.normal(ks[0], (N, D_IN), dtype=jnp.float32)
    edge_index = jax.random.randint(ks[1], (2, E), 0, N, dtype=jnp.int32)
    # SAGEConv params: lin_l acts on aggregated neighbors (with bias), lin_r on root
    W1_l = jax.random.normal(ks[2], (D_IN, D_HID), dtype=jnp.float32) * (1.0 / np.sqrt(D_IN))
    W1_r = jax.random.normal(ks[3], (D_IN, D_HID), dtype=jnp.float32) * (1.0 / np.sqrt(D_IN))
    b1 = jnp.zeros((D_HID,), dtype=jnp.float32)
    W2_l = jax.random.normal(ks[4], (D_HID, D_OUT), dtype=jnp.float32) * (1.0 / np.sqrt(D_HID))
    W2_r = jax.random.normal(ks[5], (D_HID, D_OUT), dtype=jnp.float32) * (1.0 / np.sqrt(D_HID))
    b2 = jnp.zeros((D_OUT,), dtype=jnp.float32)
    return {"x": x, "edge_index": edge_index, "W1_l": W1_l, "W1_r": W1_r, "b1": b1,
            "W2_l": W2_l, "W2_r": W2_r, "b2": b2}


def _sage_conv(x, edge_index, W_l, W_r, b):
    # PyG SAGEConv with mean aggregation:
    # out = lin_l(mean_{j in N(i)} x_j) + lin_r(x_i)
    src = edge_index[0]
    dst = edge_index[1]
    n = x.shape[0]
    msgs = jnp.take(x, src, axis=0)                       # gather  [E, d]
    agg = jax.ops.segment_sum(msgs, dst, num_segments=n)  # scatter-add [N, d]
    cnt = jax.ops.segment_sum(jnp.ones((edge_index.shape[1],), dtype=x.dtype), dst, num_segments=n)
    agg = agg / jnp.clip(cnt, 1.0, None)[:, None]          # mean
    return agg @ W_l + b + x @ W_r


def reference(x, edge_index, W1_l, W1_r, b1, W2_l, W2_r, b2):
    h = _sage_conv(x, edge_index, W1_l, W1_r, b1)
    h = jax.nn.relu(h)
    # dropout p=0.5 only active in training; identity in eval
    out = _sage_conv(h, edge_index, W2_l, W2_r, b2)
    return jax.nn.sigmoid(out)

if __name__ == "__main__":
    import jax
    _d = setup_inputs()
    print(jax.jit(kernel)(*tuple(_d.values())))

</pallas_src>

<mosaic_0001>
#map = affine_map<(d0, d1) -> (0, 0)>
#map1 = affine_map<(d0, d1) -> (0, 0, 0, 0)>
#map2 = affine_map<(d0, d1) -> (0)>
#map3 = affine_map<(d0, d1) -> (0, 0, 0)>
module attributes {stable_mosaic.version = 14 : i64} {
  func.func @_segsum_body(%arg0: i32, %arg1: i32, %arg2: memref<10000x128xf32, #tpu.memory_space<hbm>>, %arg3: memref<32x250x2x40xi32, #tpu.memory_space<hbm>>, %arg4: memref<10000x128xf32, #tpu.memory_space<hbm>>, %arg5: memref<10000xf32, #tpu.memory_space<hbm>>, %arg6: memref<2x10000x128xf32, #tpu.memory_space<hbm>>, %arg7: memref<2x10000xf32, #tpu.memory_space<hbm>>, %arg8: memref<10000x128xf32, #tpu.memory_space<vmem_shared>>, %arg9: memref<10000xf32, #tpu.memory_space<vmem_shared>>, %arg10: memref<2x40xi32, #tpu.memory_space<vmem>>, %arg11: memref<2x40xi32, #tpu.memory_space<vmem>>, %arg12: memref<2x40xi32, #tpu.memory_space<vmem>>, %arg13: memref<2x40xi32, #tpu.memory_space<vmem>>, %arg14: memref<2x40xi32, #tpu.memory_space<vmem>>, %arg15: memref<40x128xf32, #tpu.memory_space<vmem>>, %arg16: memref<40x128xf32, #tpu.memory_space<vmem>>, %arg17: memref<40x128xf32, #tpu.memory_space<vmem>>, %arg18: memref<40x128xf32, #tpu.memory_space<vmem>>, %arg19: memref<40x128xf32, #tpu.memory_space<vmem>>, %arg20: memref<40xf32, #tpu.memory_space<vmem>>, %arg21: memref<!tpu.dma_semaphore, #tpu.memory_space<semaphore_mem>>, %arg22: memref<!tpu.dma_semaphore, #tpu.memory_space<semaphore_mem>>, %arg23: memref<!tpu.dma_semaphore, #tpu.memory_space<semaphore_mem>>, %arg24: memref<!tpu.dma_semaphore, #tpu.memory_space<semaphore_mem>>, %arg25: memref<!tpu.dma_semaphore, #tpu.memory_space<semaphore_mem>>, %arg26: memref<!tpu.dma_semaphore, #tpu.memory_space<semaphore_mem>>, %arg27: memref<!tpu.dma_semaphore, #tpu.memory_space<semaphore_mem>>, %arg28: memref<!tpu.dma_semaphore, #tpu.memory_space<semaphore_mem>>, %arg29: memref<!tpu.dma_semaphore, #tpu.memory_space<semaphore_mem>>, %arg30: memref<!tpu.dma_semaphore, #tpu.memory_space<semaphore_mem>>) attributes {dimension_semantics = [#tpu.dimension_semantics<core_parallel>, #tpu.dimension_semantics<subcore_parallel>], iteration_bounds = array<i64: 2, 16>, scalar_prefetch = 0 : i64, scratch_operands = 23 : i64, tpu.core_type = #tpu.core_type<sc_vector_subcore>, window_params = [{transform_indices = #map}, {transform_indices = #map1}, {transform_indices = #map}, {transform_indices = #map2}, {transform_indices = #map3}, {transform_indices = #map}]} {
    %mul3A = arith.constant 16 : i32
    %mul3A_0 = arith.muli %arg0, %mul3A : i32
    %add3A = arith.addi %mul3A_0, %arg1 : i32
    %broadcast_in_dim3A = arith.constant 1.000000e+00 : f32
    %broadcast_in_dim3A_1 = vector.broadcast %broadcast_in_dim3A : f32 to vector<16xf32>
    %swap3A = arith.constant 0 : index
    %swap3A_2 = tpu.vector_load %arg20[%swap3A] {strides = array<i32>} : memref<40xf32, #tpu.memory_space<vmem>>, vector<16xf32>,
    %swap3A_3 = vector.shape_cast %swap3A_2 : vector<16xf32> to vector<16xf32>
    %swap3A_4 = vector.shape_cast %broadcast_in_dim3A_1 : vector<16xf32> to vector<16xf32>
    tpu.vector_store %arg20[%swap3A], %swap3A_4 {strides = array<i32>} : memref<40xf32, #tpu.memory_space<vmem>>, vector<16xf32>,
    %broadcast_in_dim3A_5 = arith.constant 1.000000e+00 : f32
    %broadcast_in_dim3A_6 = vector.broadcast %broadcast_in_dim3A_5 : f32 to vector<16xf32>
    %swap3A_7 = arith.constant 16 : index
    %swap3A_8 = tpu.vector_load %arg20[%swap3A_7] {strides = array<i32>} : memref<40xf32, #tpu.memory_space<vmem>>, vector<16xf32>,
    %swap3A_9 = vector.shape_cast %swap3A_8 : vector<16xf32> to vector<16xf32>
    %swap3A_10 = vector.shape_cast %broadcast_in_dim3A_6 : vector<16xf32> to vector<16xf32>
    tpu.vector_store %arg20[%swap3A_7], %swap3A_10 {strides = array<i32>} : memref<40xf32, #tpu.memory_space<vmem>>, vector<16xf32>,
    %broadcast_in_dim3A_11 = arith.constant 1.000000e+00 : f32
    %broadcast_in_dim3A_12 = vector.broadcast %broadcast_in_dim3A_11 : f32 to vector<16xf32>
    %swap3A_13 = arith.constant 24 : index
    %swap3A_14 = tpu.vector_load %arg20[%swap3A_13] {strides = array<i32>} : memref<40xf32, #tpu.memory_space<vmem>>, vector<16xf32>,
    %swap3A_15 = vector.shape_cast %swap3A_14 : vector<16xf32> to vector<16xf32>
    %swap3A_16 = vector.shape_cast %broadcast_in_dim3A_12 : vector<16xf32> to vector<16xf32>
    tpu.vector_store %arg20[%swap3A_13], %swap3A_16 {strides = array<i32>} : memref<40xf32, #tpu.memory_space<vmem>>, vector<16xf32>,
    %mul3A_17 = arith.constant 640 : i32
    %mul3A_18 = arith.muli %arg1, %mul3A_17 : i32
    %lt3A = arith.constant 15 : i32
    %lt3A_19 = arith.cmpi slt, %arg1, %lt3A : i32
    %convert_element_type3A = arith.extui %lt3A_19 : i1 to i32
    %cond3A = arith.constant 0 : i32
    %cond3A_20 = arith.cmpi ne, %convert_element_type3A, %cond3A : i32
    scf.if %cond3A_20 {
      "tpu.region"() ({
        %run_scoped3A_115 = tpu.sem_alloc : memref<!tpu.dma_semaphore, #tpu.memory_space<semaphore_mem>>
        %dma_start3A_116 = arith.constant 0 : i32
        %dma_start3A_117 = tpu.memref_slice %arg8[%mul3A_18, %dma_start3A_116] : memref<10000x128xf32, #tpu.memory_space<vmem_shared>> -> memref<640x128xf32, #tpu.memory_space<vmem_shared>>
        %dma_start3A_118 = arith.constant 0 : i32
        %dma_start3A_119 = tpu.memref_slice %arg4[%mul3A_18, %dma_start3A_118] : memref<10000x128xf32, #tpu.memory_space<hbm>> -> memref<640x128xf32, #tpu.memory_space<hbm>>
        tpu.enqueue_dma source(%dma_start3A_119 : memref<640x128xf32, #tpu.memory_space<hbm>>) target(%dma_start3A_117 : memref<640x128xf32, #tpu.memory_space<vmem_shared>>) target_semaphore(%run_scoped3A_115 : memref<!tpu.dma_semaphore, #tpu.memory_space<semaphore_mem>>)
        %dma_wait3A_120 = arith.constant 0 : i32
        %dma_wait3A_121 = tpu.memref_slice %arg8[%mul3A_18, %dma_wait3A_120] : memref<10000x128xf32, #tpu.memory_space<vmem_shared>> -> memref<640x128xf32, #tpu.memory_space<vmem_shared>>
        %dma_wait3A_122 = arith.constant 0 : i32
        %dma_wait3A_123 = tpu.memref_slice %arg4[%mul3A_18, %dma_wait3A_122] : memref<10000x128xf32, #tpu.memory_space<hbm>> -> memref<640x128xf32, #tpu.memory_space<hbm>>
        tpu.wait_dma2 semaphore(%run_scoped3A_115 : memref<!tpu.dma_semaphore, #tpu.memory_space<semaphore_mem>>) src(%dma_wait3A_123 : memref<640x128xf32, #tpu.memory_space<hbm>>) dst(%dma_wait3A_121 : memref<640x128xf32, #tpu.memory_space<vmem_shared>>)
        tpu.yield
      }) : () -> ()
    } else {
    }
    %eq3A = arith.constant 15 : i32
    %eq3A_21 = arith.cmpi eq, %arg1, %eq3A : i32
    %convert_element_type3A_22 = arith.extui %eq3A_21 : i1 to i32
    %cond3A_23 = arith.constant 0 : i32
    %cond3A_24 = arith.cmpi ne, %convert_element_type3A_22, %cond3A_23 : i32
    scf.if %cond3A_24 {
      "tpu.region"() ({
        %run_scoped3A_115 = tpu.sem_alloc : memref<!tpu.dma_semaphore, #tpu.memory_space<semaphore_mem>>
        %dma_start3A_116 = arith.constant 0 : i32
        %dma_start3A_117 = tpu.memref_slice %arg8[%mul3A_18, %dma_start3A_116] : memref<10000x128xf32, #tpu.memory_space<vmem_shared>> -> memref<400x128xf32, #tpu.memory_space<vmem_shared>>
        %dma_start3A_118 = arith.constant 0 : i32
        %dma_start3A_119 = tpu.memref_slice %arg4[%mul3A_18, %dma_start3A_118] : memref<10000x128xf32, #tpu.memory_space<hbm>> -> memref<400x128xf32, #tpu.memory_space<hbm>>
        tpu.enqueue_dma source(%dma_start3A_119 : memref<400x128xf32, #tpu.memory_space<hbm>>) target(%dma_start3A_117 : memref<400x128xf32, #tpu.memory_space<vmem_shared>>) target_semaphore(%run_scoped3A_115 : memref<!tpu.dma_semaphore, #tpu.memory_space<semaphore_mem>>)
        %dma_wait3A_120 = arith.constant 0 : i32
        %dma_wait3A_121 = tpu.memref_slice %arg8[%mul3A_18, %dma_wait3A_120] : memref<10000x128xf32, #tpu.memory_space<vmem_shared>> -> memref<400x128xf32, #tpu.memory_space<vmem_shared>>
        %dma_wait3A_122 = arith.constant 0 : i32
        %dma_wait3A_123 = tpu.memref_slice %arg4[%mul3A_18, %dma_wait3A_122] : memref<10000x128xf32, #tpu.memory_space<hbm>> -> memref<400x128xf32, #tpu.memory_space<hbm>>
        tpu.wait_dma2 semaphore(%run_scoped3A_115 : memref<!tpu.dma_semaphore, #tpu.memory_space<semaphore_mem>>) src(%dma_wait3A_123 : memref<400x128xf32, #tpu.memory_space<hbm>>) dst(%dma_wait3A_121 : memref<400x128xf32, #tpu.memory_space<vmem_shared>>)
        tpu.yield
      }) : () -> ()
    } else {
    }
    %eq3A_25 = arith.constant 0 : i32
    %eq3A_26 = arith.cmpi eq, %arg1, %eq3A_25 : i32
    %convert_element_type3A_27 = arith.extui %eq3A_26 : i1 to i32
    %cond3A_28 = arith.constant 0 : i32
    %cond3A_29 = arith.cmpi ne, %convert_element_type3A_27, %cond3A_28 : i32
    scf.if %cond3A_29 {
      "tpu.region"() ({
        %run_scoped3A_115 = tpu.sem_alloc : memref<!tpu.dma_semaphore, #tpu.memory_space<semaphore_mem>>
        tpu.enqueue_dma source(%arg5 : memref<10000xf32, #tpu.memory_space<hbm>>) target(%arg9 : memref<10000xf32, #tpu.memory_space<vmem_shared>>) target_semaphore(%run_scoped3A_115 : memref<!tpu.dma_semaphore, #tpu.memory_space<semaphore_mem>>)
        tpu.wait_dma2 semaphore(%run_scoped3A_115 : memref<!tpu.dma_semaphore, #tpu.memory_space<semaphore_mem>>) src(%arg5 : memref<10000xf32, #tpu.memory_space<hbm>>) dst(%arg9 : memref<10000xf32, #tpu.memory_space<vmem_shared>>)
        tpu.yield
      }) : () -> ()
    } else {
    }
    %barrier3A = arith.constant 0 : index
    tpu.barrier barrier_id(%barrier3A)
    %run_scoped3A = arith.constant 0 : i32
    "tpu.region"() ({
      %run_scoped3A_115 = tpu.sem_alloc : memref<!tpu.dma_semaphore, #tpu.memory_space<semaphore_mem>>
      %dma_start3A_116 = arith.constant 0 : i32
      %dma_start3A_117 = arith.constant 0 : i32
      %dma_start3A_118 = tpu.memref_slice %arg3[%add3A, %run_scoped3A, %dma_start3A_116, %dma_start3A_117] : memref<32x250x2x40xi32, #tpu.memory_space<hbm>> -> memref<1x1x2x40xi32, #tpu.memory_space<hbm>>
      %dma_start3A_119 = tpu.memref_squeeze %dma_start3A_118 : memref<1x1x2x40xi32, #tpu.memory_space<hbm>> -> memref<2x40xi32, #tpu.memory_space<hbm>>
      %dma_start3A_120 = arith.constant 0 : i32
      %dma_start3A_121 = arith.constant 0 : i32
      %dma_start3A_122 = tpu.memref_slice %arg3[%add3A, %run_scoped3A, %dma_start3A_120, %dma_start3A_121] : memref<32x250x2x40xi32, #tpu.memory_space<hbm>> -> memref<1x1x2x40xi32, #tpu.memory_space<hbm>>
      %dma_start3A_123 = tpu.memref_squeeze %dma_start3A_122 : memref<1x1x2x40xi32, #tpu.memory_space<hbm>> -> memref<2x40xi32, #tpu.memory_space<hbm>>
      tpu.enqueue_dma source(%dma_start3A_123 : memref<2x40xi32, #tpu.memory_space<hbm>>) target(%arg10 : memref<2x40xi32, #tpu.memory_space<vmem>>) target_semaphore(%run_scoped3A_115 : memref<!tpu.dma_semaphore, #tpu.memory_space<semaphore_mem>>)
      %dma_wait3A_124 = arith.constant 0 : i32
      %dma_wait3A_125 = arith.constant 0 : i32
      %dma_wait3A_126 = tpu.memref_slice %arg3[%add3A, %run_scoped3A, %dma_wait3A_124, %dma_wait3A_125] : memref<32x250x2x40xi32, #tpu.memory_space<hbm>> -> memref<1x1x2x40xi32, #tpu.memory_space<hbm>>
      %dma_wait3A_127 = tpu.memref_squeeze %dma_wait3A_126 : memref<1x1x2x40xi32, #tpu.memory_space<hbm>> -> memref<2x40xi32, #tpu.memory_space<hbm>>
      %dma_wait3A_128 = arith.constant 0 : i32
      %dma_wait3A_129 = arith.constant 0 : i32
      %dma_wait3A_130 = tpu.memref_slice %arg3[%add3A, %run_scoped3A, %dma_wait3A_128, %dma_wait3A_129] : memref<32x250x2x40xi32, #tpu.memory_space<hbm>> -> memref<1x1x2x40xi32, #tpu.memory_space<hbm>>
      %dma_wait3A_131 = tpu.memref_squeeze %dma_wait3A_130 : memref<1x1x2x40xi32, #tpu.memory_space<hbm>> -> memref<2x40xi32, #tpu.memory_space<hbm>>
      tpu.wait_dma2 semaphore(%run_scoped3A_115 : memref<!tpu.dma_semaphore, #tpu.memory_space<semaphore_mem>>) src(%dma_wait3A_131 : memref<2x40xi32, #tpu.memory_space<hbm>>) dst(%arg10 : memref<2x40xi32, #tpu.memory_space<vmem>>)
      tpu.yield
    }) : () -> ()
    %dma_start3A = arith.constant 0 : i32
    %dma_start3A_30 = arith.constant 0 : i32
    %dma_start3A_31 = tpu.memref_slice %arg10[%dma_start3A, %dma_start3A_30] : memref<2x40xi32, #tpu.memory_space<vmem>> -> memref<1x40xi32, #tpu.memory_space<vmem>>
    %dma_start3A_32 = tpu.memref_squeeze %dma_start3A_31 : memref<1x40xi32, #tpu.memory_space<vmem>> -> memref<40xi32, #tpu.memory_space<vmem>>
    %dma_start3A_33 = arith.constant 0 : i32
    %dma_start3A_34 = arith.constant 0 : i32
    %dma_start3A_35 = tpu.memref_slice %arg2[%dma_start3A_33, %dma_start3A_34] : memref<10000x128xf32, #tpu.memory_space<hbm>> -> memref<10000x128xf32, #tpu.memory_space<hbm>>
    tpu.enqueue_indirect_dma source(%dma_start3A_35 : memref<10000x128xf32, #tpu.memory_space<hbm>>) target(%arg15 : memref<40x128xf32, #tpu.memory_space<vmem>>) offsets(%dma_start3A_32 : memref<40xi32, #tpu.memory_space<vmem>>) semaphore(%arg21 : memref<!tpu.dma_semaphore, #tpu.memory_space<semaphore_mem>>)
    %run_scoped3A_36 = arith.constant 1 : i32
    "tpu.region"() ({
      %run_scoped3A_115 = tpu.sem_alloc : memref<!tpu.dma_semaphore, #tpu.memory_space<semaphore_mem>>
      %dma_start3A_116 = arith.constant 0 : i32
      %dma_start3A_117 = arith.constant 0 : i32
      %dma_start3A_118 = tpu.memref_slice %arg3[%add3A, %run_scoped3A_36, %dma_start3A_116, %dma_start3A_117] : memref<32x250x2x40xi32, #tpu.memory_space<hbm>> -> memref<1x1x2x40xi32, #tpu.memory_space<hbm>>
      %dma_start3A_119 = tpu.memref_squeeze %dma_start3A_118 : memref<1x1x2x40xi32, #tpu.memory_space<hbm>> -> memref<2x40xi32, #tpu.memory_space<hbm>>
      %dma_start3A_120 = arith.constant 0 : i32
      %dma_start3A_121 = arith.constant 0 : i32
      %dma_start3A_122 = tpu.memref_slice %arg3[%add3A, %run_scoped3A_36, %dma_start3A_120, %dma_start3A_121] : memref<32x250x2x40xi32, #tpu.memory_space<hbm>> -> memref<1x1x2x40xi32, #tpu.memory_space<hbm>>
      %dma_start3A_123 = tpu.memref_squeeze %dma_start3A_122 : memref<1x1x2x40xi32, #tpu.memory_space<hbm>> -> memref<2x40xi32, #tpu.memory_space<hbm>>
      tpu.enqueue_dma source(%dma_start3A_123 : memref<2x40xi32, #tpu.memory_space<hbm>>) target(%arg11 : memref<2x40xi32, #tpu.memory_space<vmem>>) target_semaphore(%run_scoped3A_115 : memref<!tpu.dma_semaphore, #tpu.memory_space<semaphore_mem>>)
      %dma_wait3A_124 = arith.constant 0 : i32
      %dma_wait3A_125 = arith.constant 0 : i32
      %dma_wait3A_126 = tpu.memref_slice %arg3[%add3A, %run_scoped3A_36, %dma_wait3A_124, %dma_wait3A_125] : memref<32x250x2x40xi32, #tpu.memory_space<hbm>> -> memref<1x1x2x40xi32, #tpu.memory_space<hbm>>
      %dma_wait3A_127 = tpu.memref_squeeze %dma_wait3A_126 : memref<1x1x2x40xi32, #tpu.memory_space<hbm>> -> memref<2x40xi32, #tpu.memory_space<hbm>>
      %dma_wait3A_128 = arith.constant 0 : i32
      %dma_wait3A_129 = arith.constant 0 : i32
      %dma_wait3A_130 = tpu.memref_slice %arg3[%add3A, %run_scoped3A_36, %dma_wait3A_128, %dma_wait3A_129] : memref<32x250x2x40xi32, #tpu.memory_space<hbm>> -> memref<1x1x2x40xi32, #tpu.memory_space<hbm>>
      %dma_wait3A_131 = tpu.memref_squeeze %dma_wait3A_130 : memref<1x1x2x40xi32, #tpu.memory_space<hbm>> -> memref<2x40xi32, #tpu.memory_space<hbm>>
      tpu.wait_dma2 semaphore(%run_scoped3A_115 : memref<!tpu.dma_semaphore, #tpu.memory_space<semaphore_mem>>) src(%dma_wait3A_131 : memref<2x40xi32, #tpu.memory_space<hbm>>) dst(%arg11 : memref<2x40xi32, #tpu.memory_space<vmem>>)
      tpu.yield
    }) : () -> ()
    %dma_start3A_37 = arith.constant 0 : i32
    %dma_start3A_38 = arith.constant 0 : i32
    %dma_start3A_39 = tpu.memref_slice %arg11[%dma_start3A_37, %dma_start3A_38] : memref<2x40xi32, #tpu.memory_space<vmem>> -> memref<1x40xi32, #tpu.memory_space<vmem>>
    %dma_start3A_40 = tpu.memref_squeeze %dma_start3A_39 : memref<1x40xi32, #tpu.memory_space<vmem>> -> memref<40xi32, #tpu.memory_space<vmem>>
    %dma_start3A_41 = arith.constant 0 : i32
    %dma_start3A_42 = arith.constant 0 : i32
    %dma_start3A_43 = tpu.memref_slice %arg2[%dma_start3A_41, %dma_start3A_42] : memref<10000x128xf32, #tpu.memory_space<hbm>> -> memref<10000x128xf32, #tpu.memory_space<hbm>>
    tpu.enqueue_indirect_dma source(%dma_start3A_43 : memref<10000x128xf32, #tpu.memory_space<hbm>>) target(%arg16 : memref<40x128xf32, #tpu.memory_space<vmem>>) offsets(%dma_start3A_40 : memref<40xi32, #tpu.memory_space<vmem>>) semaphore(%arg22 : memref<!tpu.dma_semaphore, #tpu.memory_space<semaphore_mem>>)
    %run_scoped3A_44 = arith.constant 2 : i32
    "tpu.region"() ({
      %run_scoped3A_115 = tpu.sem_alloc : memref<!tpu.dma_semaphore, #tpu.memory_space<semaphore_mem>>
      %dma_start3A_116 = arith.constant 0 : i32
      %dma_start3A_117 = arith.constant 0 : i32
      %dma_start3A_118 = tpu.memref_slice %arg3[%add3A, %run_scoped3A_44, %dma_start3A_116, %dma_start3A_117] : memref<32x250x2x40xi32, #tpu.memory_space<hbm>> -> memref<1x1x2x40xi32, #tpu.memory_space<hbm>>
      %dma_start3A_119 = tpu.memref_squeeze %dma_start3A_118 : memref<1x1x2x40xi32, #tpu.memory_space<hbm>> -> memref<2x40xi32, #tpu.memory_space<hbm>>
      %dma_start3A_120 = arith.constant 0 : i32
      %dma_start3A_121 = arith.constant 0 : i32
      %dma_start3A_122 = tpu.memref_slice %arg3[%add3A, %run_scoped3A_44, %dma_start3A_120, %dma_start3A_121] : memref<32x250x2x40xi32, #tpu.memory_space<hbm>> -> memref<1x1x2x40xi32, #tpu.memory_space<hbm>>
      %dma_start3A_123 = tpu.memref_squeeze %dma_start3A_122 : memref<1x1x2x40xi32, #tpu.memory_space<hbm>> -> memref<2x40xi32, #tpu.memory_space<hbm>>
      tpu.enqueue_dma source(%dma_start3A_123 : memref<2x40xi32, #tpu.memory_space<hbm>>) target(%arg12 : memref<2x40xi32, #tpu.memory_space<vmem>>) target_semaphore(%run_scoped3A_115 : memref<!tpu.dma_semaphore, #tpu.memory_space<semaphore_mem>>)
      %dma_wait3A_124 = arith.constant 0 : i32
      %dma_wait3A_125 = arith.constant 0 : i32
      %dma_wait3A_126 = tpu.memref_slice %arg3[%add3A, %run_scoped3A_44, %dma_wait3A_124, %dma_wait3A_125] : memref<32x250x2x40xi32, #tpu.memory_space<hbm>> -> memref<1x1x2x40xi32, #tpu.memory_space<hbm>>
      %dma_wait3A_127 = tpu.memref_squeeze %dma_wait3A_126 : memref<1x1x2x40xi32, #tpu.memory_space<hbm>> -> memref<2x40xi32, #tpu.memory_space<hbm>>
      %dma_wait3A_128 = arith.constant 0 : i32
      %dma_wait3A_129 = arith.constant 0 : i32
      %dma_wait3A_130 = tpu.memref_slice %arg3[%add3A, %run_scoped3A_44, %dma_wait3A_128, %dma_wait3A_129] : memref<32x250x2x40xi32, #tpu.memory_space<hbm>> -> memref<1x1x2x40xi32, #tpu.memory_space<hbm>>
      %dma_wait3A_131 = tpu.memref_squeeze %dma_wait3A_130 : memref<1x1x2x40xi32, #tpu.memory_space<hbm>> -> memref<2x40xi32, #tpu.memory_space<hbm>>
      tpu.wait_dma2 semaphore(%run_scoped3A_115 : memref<!tpu.dma_semaphore, #tpu.memory_space<semaphore_mem>>) src(%dma_wait3A_131 : memref<2x40xi32, #tpu.memory_space<hbm>>) dst(%arg12 : memref<2x40xi32, #tpu.memory_space<vmem>>)
      tpu.yield
    }) : () -> ()
    %dma_start3A_45 = arith.constant 0 : i32
    %dma_start3A_46 = arith.constant 0 : i32
    %dma_start3A_47 = tpu.memref_slice %arg12[%dma_start3A_45, %dma_start3A_46] : memref<2x40xi32, #tpu.memory_space<vmem>> -> memref<1x40xi32, #tpu.memory_space<vmem>>
    %dma_start3A_48 = tpu.memref_squeeze %dma_start3A_47 : memref<1x40xi32, #tpu.memory_space<vmem>> -> memref<40xi32, #tpu.memory_space<vmem>>
    %dma_start3A_49 = arith.constant 0 : i32
    %dma_start3A_50 = arith.constant 0 : i32
    %dma_start3A_51 = tpu.memref_slice %arg2[%dma_start3A_49, %dma_start3A_50] : memref<10000x128xf32, #tpu.memory_space<hbm>> -> memref<10000x128xf32, #tpu.memory_space<hbm>>
    tpu.enqueue_indirect_dma source(%dma_start3A_51 : memref<10000x128xf32, #tpu.memory_space<hbm>>) target(%arg17 : memref<40x128xf32, #tpu.memory_space<vmem>>) offsets(%dma_start3A_48 : memref<40xi32, #tpu.memory_space<vmem>>) semaphore(%arg23 : memref<!tpu.dma_semaphore, #tpu.memory_space<semaphore_mem>>)
    %run_scoped3A_52 = arith.constant 3 : i32
    "tpu.region"() ({
      %run_scoped3A_115 = tpu.sem_alloc : memref<!tpu.dma_semaphore, #tpu.memory_space<semaphore_mem>>
      %dma_start3A_116 = arith.constant 0 : i32
      %dma_start3A_117 = arith.constant 0 : i32
      %dma_start3A_118 = tpu.memref_slice %arg3[%add3A, %run_scoped3A_52, %dma_start3A_116, %dma_start3A_117] : memref<32x250x2x40xi32, #tpu.memory_space<hbm>> -> memref<1x1x2x40xi32, #tpu.memory_space<hbm>>
      %dma_start3A_119 = tpu.memref_squeeze %dma_start3A_118 : memref<1x1x2x40xi32, #tpu.memory_space<hbm>> -> memref<2x40xi32, #tpu.memory_space<hbm>>
      %dma_start3A_120 = arith.constant 0 : i32
      %dma_start3A_121 = arith.constant 0 : i32
      %dma_start3A_122 = tpu.memref_slice %arg3[%add3A, %run_scoped3A_52, %dma_start3A_120, %dma_start3A_121] : memref<32x250x2x40xi32, #tpu.memory_space<hbm>> -> memref<1x1x2x40xi32, #tpu.memory_space<hbm>>
      %dma_start3A_123 = tpu.memref_squeeze %dma_start3A_122 : memref<1x1x2x40xi32, #tpu.memory_space<hbm>> -> memref<2x40xi32, #tpu.memory_space<hbm>>
      tpu.enqueue_dma source(%dma_start3A_123 : memref<2x40xi32, #tpu.memory_space<hbm>>) target(%arg13 : memref<2x40xi32, #tpu.memory_space<vmem>>) target_semaphore(%run_scoped3A_115 : memref<!tpu.dma_semaphore, #tpu.memory_space<semaphore_mem>>)
      %dma_wait3A_124 = arith.constant 0 : i32
      %dma_wait3A_125 = arith.constant 0 : i32
      %dma_wait3A_126 = tpu.memref_slice %arg3[%add3A, %run_scoped3A_52, %dma_wait3A_124, %dma_wait3A_125] : memref<32x250x2x40xi32, #tpu.memory_space<hbm>> -> memref<1x1x2x40xi32, #tpu.memory_space<hbm>>
      %dma_wait3A_127 = tpu.memref_squeeze %dma_wait3A_126 : memref<1x1x2x40xi32, #tpu.memory_space<hbm>> -> memref<2x40xi32, #tpu.memory_space<hbm>>
      %dma_wait3A_128 = arith.constant 0 : i32
      %dma_wait3A_129 = arith.constant 0 : i32
      %dma_wait3A_130 = tpu.memref_slice %arg3[%add3A, %run_scoped3A_52, %dma_wait3A_128, %dma_wait3A_129] : memref<32x250x2x40xi32, #tpu.memory_space<hbm>> -> memref<1x1x2x40xi32, #tpu.memory_space<hbm>>
      %dma_wait3A_131 = tpu.memref_squeeze %dma_wait3A_130 : memref<1x1x2x40xi32, #tpu.memory_space<hbm>> -> memref<2x40xi32, #tpu.memory_space<hbm>>
      tpu.wait_dma2 semaphore(%run_scoped3A_115 : memref<!tpu.dma_semaphore, #tpu.memory_space<semaphore_mem>>) src(%dma_wait3A_131 : memref<2x40xi32, #tpu.memory_space<hbm>>) dst(%arg13 : memref<2x40xi32, #tpu.memory_space<vmem>>)
      tpu.yield
    }) : () -> ()
    %dma_start3A_53 = arith.constant 0 : i32
    %dma_start3A_54 = arith.constant 0 : i32
    %dma_start3A_55 = tpu.memref_slice %arg13[%dma_start3A_53, %dma_start3A_54] : memref<2x40xi32, #tpu.memory_space<vmem>> -> memref<1x40xi32, #tpu.memory_space<vmem>>
    %dma_start3A_56 = tpu.memref_squeeze %dma_start3A_55 : memref<1x40xi32, #tpu.memory_space<vmem>> -> memref<40xi32, #tpu.memory_space<vmem>>
    %dma_start3A_57 = arith.constant 0 : i32
    %dma_start3A_58 = arith.constant 0 : i32
    %dma_start3A_59 = tpu.memref_slice %arg2[%dma_start3A_57, %dma_start3A_58] : memref<10000x128xf32, #tpu.memory_space<hbm>> -> memref<10000x128xf32, #tpu.memory_space<hbm>>
    tpu.enqueue_indirect_dma source(%dma_start3A_59 : memref<10000x128xf32, #tpu.memory_space<hbm>>) target(%arg18 : memref<40x128xf32, #tpu.memory_space<vmem>>) offsets(%dma_start3A_56 : memref<40xi32, #tpu.memory_space<vmem>>) semaphore(%arg24 : memref<!tpu.dma_semaphore, #tpu.memory_space<semaphore_mem>>)
    %scan3A = arith.constant 0 : i32
    %scan3A_60 = arith.constant 0 : i32
    %scan3A_61 = arith.constant 50 : i32
    %scan3A_62 = arith.addi %scan3A_60, %scan3A_61 : i32
    %scan3A_63 = arith.constant 1 : i32
    scf.for %scan3A_115 = %scan3A_60 to %scan3A_62 step %scan3A_63  : i32 {
      %mul3A_116 = arith.constant 5 : i32
      %mul3A_117 = arith.muli %mul3A_116, %scan3A_115 : i32
      %add3A_118 = arith.constant 0 : i32
      %add3A_119 = arith.addi %mul3A_117, %add3A_118 : i32
      %add3A_120 = arith.constant 5 : i32
      %add3A_121 = arith.addi %add3A_119, %add3A_120 : i32
      %sub3A = arith.constant 1 : i32
      %sub3A_122 = arith.subi %add3A_121, %sub3A : i32
      %dma_wait3A_123 = arith.constant 0 : i32
      %dma_wait3A_124 = arith.constant 0 : i32
      %dma_wait3A_125 = tpu.memref_slice %arg10[%dma_wait3A_123, %dma_wait3A_124] : memref<2x40xi32, #tpu.memory_space<vmem>> -> memref<1x40xi32, #tpu.memory_space<vmem>>
      %dma_wait3A_126 = tpu.memref_squeeze %dma_wait3A_125 : memref<1x40xi32, #tpu.memory_space<vmem>> -> memref<40xi32, #tpu.memory_space<vmem>>
      %dma_wait3A_127 = arith.constant 0 : i32
      %dma_wait3A_128 = arith.constant 0 : i32
      %dma_wait3A_129 = tpu.memref_slice %arg2[%dma_wait3A_127, %dma_wait3A_128] : memref<10000x128xf32, #tpu.memory_space<hbm>> -> memref<10000x128xf32, #tpu.memory_space<hbm>>
      tpu.wait_indirect_dma semaphore(%arg21 : memref<!tpu.dma_semaphore, #tpu.memory_space<semaphore_mem>>) src(%dma_wait3A_129 : memref<10000x128xf32, #tpu.memory_space<hbm>>) dst(%arg15 : memref<40x128xf32, #tpu.memory_space<vmem>>)
      %dma_start3A_130 = arith.constant 1 : i32
      %dma_start3A_131 = arith.constant 0 : i32
      %dma_start3A_132 = tpu.memref_slice %arg10[%dma_start3A_130, %dma_start3A_131] : memref<2x40xi32, #tpu.memory_space<vmem>> -> memref<1x40xi32, #tpu.memory_space<vmem>>
      %dma_start3A_133 = tpu.memref_squeeze %dma_start3A_132 : memref<1x40xi32, #tpu.memory_space<vmem>> -> memref<40xi32, #tpu.memory_space<vmem>>
      %dma_start3A_134 = arith.constant 0 : i32
      %dma_start3A_135 = arith.constant 0 : i32
      %dma_start3A_136 = tpu.memref_slice %arg8[%dma_start3A_134, %dma_start3A_135] : memref<10000x128xf32, #tpu.memory_space<vmem_shared>> -> memref<10000x128xf32, #tpu.memory_space<vmem_shared>>
      tpu.enqueue_indirect_dma source(%arg15 : memref<40x128xf32, #tpu.memory_space<vmem>>) target(%dma_start3A_136 : memref<10000x128xf32, #tpu.memory_space<vmem_shared>>) offsets(%dma_start3A_133 : memref<40xi32, #tpu.memory_space<vmem>>) semaphore(%arg26 : memref<!tpu.dma_semaphore, #tpu.memory_space<semaphore_mem>>) {add = true}
      %run_scoped3A_137 = arith.constant 1 : i32
      "tpu.region"() ({
        %run_scoped3A_259 = tpu.sem_alloc : memref<!tpu.dma_semaphore, #tpu.memory_space<semaphore_mem>>
        %dma_start3A_260 = arith.constant 0 : i32
        %dma_start3A_261 = tpu.memref_slice %arg10[%run_scoped3A_137, %dma_start3A_260] : memref<2x40xi32, #tpu.memory_space<vmem>> -> memref<1x40xi32, #tpu.memory_space<vmem>>
        %dma_start3A_262 = tpu.memref_squeeze %dma_start3A_261 : memref<1x40xi32, #tpu.memory_space<vmem>> -> memref<40xi32, #tpu.memory_space<vmem>>
        %dma_start3A_263 = arith.constant 0 : i32
        %dma_start3A_264 = tpu.memref_slice %arg9[%dma_start3A_263] : memref<10000xf32, #tpu.memory_space<vmem_shared>> -> memref<10000xf32, #tpu.memory_space<vmem_shared>>
        tpu.enqueue_indirect_dma source(%arg20 : memref<40xf32, #tpu.memory_space<vmem>>) target(%dma_start3A_264 : memref<10000xf32, #tpu.memory_space<vmem_shared>>) offsets(%dma_start3A_262 : memref<40xi32, #tpu.memory_space<vmem>>) semaphore(%run_scoped3A_259 : memref<!tpu.dma_semaphore, #tpu.memory_space<semaphore_mem>>) {add = true}
        %dma_wait3A_265 = arith.constant 0 : i32
        %dma_wait3A_266 = tpu.memref_slice %arg10[%run_scoped3A_137, %dma_wait3A_265] : memref<2x40xi32, #tpu.memory_space<vmem>> -> memref<1x40xi32, #tpu.memory_space<vmem>>
        %dma_wait3A_267 = tpu.memref_squeeze %dma_wait3A_266 : memref<1x40xi32, #tpu.memory_space<vmem>> -> memref<40xi32, #tpu.memory_space<vmem>>
        %dma_wait3A_268 = arith.constant 0 : i32
        %dma_wait3A_269 = tpu.memref_slice %arg9[%dma_wait3A_268] : memref<10000xf32, #tpu.memory_space<vmem_shared>> -> memref<10000xf32, #tpu.memory_space<vmem_shared>>
        tpu.wait_indirect_dma semaphore(%run_scoped3A_259 : memref<!tpu.dma_semaphore, #tpu.memory_space<semaphore_mem>>) src(%arg20 : memref<40xf32, #tpu.memory_space<vmem>>) dst(%dma_wait3A_269 : memref<10000xf32, #tpu.memory_space<vmem_shared>>)
        tpu.yield
      }) : () -> ()
      %gt3A = arith.constant 0 : i32
      %gt3A_138 = arith.cmpi sgt, %scan3A_115, %gt3A : i32
      %convert_element_type3A_139 = arith.extui %gt3A_138 : i1 to i32
      %cond3A_140 = arith.constant 0 : i32
      %cond3A_141 = arith.cmpi ne, %convert_element_type3A_139, %cond3A_140 : i32
      scf.if %cond3A_141 {
        %dma_wait3A_259 = arith.constant 1 : i32
        %dma_wait3A_260 = arith.constant 0 : i32
        %dma_wait3A_261 = tpu.memref_slice %arg14[%dma_wait3A_259, %dma_wait3A_260] : memref<2x40xi32, #tpu.memory_space<vmem>> -> memref<1x40xi32, #tpu.memory_space<vmem>>
        %dma_wait3A_262 = tpu.memref_squeeze %dma_wait3A_261 : memref<1x40xi32, #tpu.memory_space<vmem>> -> memref<40xi32, #tpu.memory_space<vmem>>
        %dma_wait3A_263 = arith.constant 0 : i32
        %dma_wait3A_264 = arith.constant 0 : i32
        %dma_wait3A_265 = tpu.memref_slice %arg8[%dma_wait3A_263, %dma_wait3A_264] : memref<10000x128xf32, #tpu.memory_space<vmem_shared>> -> memref<10000x128xf32, #tpu.memory_space<vmem_shared>>
        tpu.wait_indirect_dma semaphore(%arg30 : memref<!tpu.dma_semaphore, #tpu.memory_space<semaphore_mem>>) src(%arg19 : memref<40x128xf32, #tpu.memory_space<vmem>>) dst(%dma_wait3A_265 : memref<10000x128xf32, #tpu.memory_space<vmem_shared>>)
        "tpu.region"() ({
          %run_scoped3A_273 = tpu.sem_alloc : memref<!tpu.dma_semaphore, #tpu.memory_space<semaphore_mem>>
          %dma_start3A_274 = arith.constant 0 : i32
          %dma_start3A_275 = arith.constant 0 : i32
          %dma_start3A_276 = tpu.memref_slice %arg3[%add3A, %sub3A_122, %dma_start3A_274, %dma_start3A_275] : memref<32x250x2x40xi32, #tpu.memory_space<hbm>> -> memref<1x1x2x40xi32, #tpu.memory_space<hbm>>
          %dma_start3A_277 = tpu.memref_squeeze %dma_start3A_276 : memref<1x1x2x40xi32, #tpu.memory_space<hbm>> -> memref<2x40xi32, #tpu.memory_space<hbm>>
          %dma_start3A_278 = arith.constant 0 : i32
          %dma_start3A_279 = arith.constant 0 : i32
          %dma_start3A_280 = tpu.memref_slice %arg3[%add3A, %sub3A_122, %dma_start3A_278, %dma_start3A_279] : memref<32x250x2x40xi32, #tpu.memory_space<hbm>> -> memref<1x1x2x40xi32, #tpu.memory_space<hbm>>
          %dma_start3A_281 = tpu.memref_squeeze %dma_start3A_280 : memref<1x1x2x40xi32, #tpu.memory_space<hbm>> -> memref<2x40xi32, #tpu.memory_space<hbm>>
          tpu.enqueue_dma source(%dma_start3A_281 : memref<2x40xi32, #tpu.memory_space<hbm>>) target(%arg14 : memref<2x40xi32, #tpu.memory_space<vmem>>) target_semaphore(%run_scoped3A_273 : memref<!tpu.dma_semaphore, #tpu.memory_space<semaphore_mem>>)
          %dma_wait3A_282 = arith.constant 0 : i32
          %dma_wait3A_283 = arith.constant 0 : i32
          %dma_wait3A_284 = tpu.memref_slice %arg3[%add3A, %sub3A_122, %dma_wait3A_282, %dma_wait3A_283] : memref<32x250x2x40xi32, #tpu.memory_space<hbm>> -> memref<1x1x2x40xi32, #tpu.memory_space<hbm>>
          %dma_wait3A_285 = tpu.memref_squeeze %dma_wait3A_284 : memref<1x1x2x40xi32, #tpu.memory_space<hbm>> -> memref<2x40xi32, #tpu.memory_space<hbm>>
          %dma_wait3A_286 = arith.constant 0 : i32
          %dma_wait3A_287 = arith.constant 0 : i32
          %dma_wait3A_288 = tpu.memref_slice %arg3[%add3A, %sub3A_122, %dma_wait3A_286, %dma_wait3A_287] : memref<32x250x2x40xi32, #tpu.memory_space<hbm>> -> memref<1x1x2x40xi32, #tpu.memory_space<hbm>>
          %dma_wait3A_289 = tpu.memref_squeeze %dma_wait3A_288 : memref<1x1x2x40xi32, #tpu.memory_space<hbm>> -> memref<2x40xi32, #tpu.memory_space<hbm>>
          tpu.wait_dma2 semaphore(%run_scoped3A_273 : memref<!tpu.dma_semaphore, #tpu.memory_space<semaphore_mem>>) src(%dma_wait3A_289 : memref<2x40xi32, #tpu.memory_space<hbm>>) dst(%arg14 : memref<2x40xi32, #tpu.memory_space<vmem>>)
          tpu.yield
        }) : () -> ()
        %dma_start3A_266 = arith.constant 0 : i32
        %dma_start3A_267 = arith.constant 0 : i32
        %dma_start3A_268 = tpu.memref_slice %arg14[%dma_start3A_266, %dma_start3A_267] : memref<2x40xi32, #tpu.memory_space<vmem>> -> memref<1x40xi32, #tpu.memory_space<vmem>>
        %dma_start3A_269 = tpu.memref_squeeze %dma_start3A_268 : memref<1x40xi32, #tpu.memory_space<vmem>> -> memref<40xi32, #tpu.memory_space<vmem>>
        %dma_start3A_270 = arith.constant 0 : i32
        %dma_start3A_271 = arith.constant 0 : i32
        %dma_start3A_272 = tpu.memref_slice %arg2[%dma_start3A_270, %dma_start3A_271] : memref<10000x128xf32, #tpu.memory_space<hbm>> -> memref<10000x128xf32, #tpu.memory_space<hbm>>
        tpu.enqueue_indirect_dma source(%dma_start3A_272 : memref<10000x128xf32, #tpu.memory_space<hbm>>) target(%arg19 : memref<40x128xf32, #tpu.memory_space<vmem>>) offsets(%dma_start3A_269 : memref<40xi32, #tpu.memory_space<vmem>>) semaphore(%arg25 : memref<!tpu.dma_semaphore, #tpu.memory_space<semaphore_mem>>)
      } else {
      }
      %eq3A_142 = arith.constant 0 : i32
      %eq3A_143 = arith.cmpi eq, %scan3A_115, %eq3A_142 : i32
      %convert_element_type3A_144 = arith.extui %eq3A_143 : i1 to i32
      %cond3A_145 = arith.constant 0 : i32
      %cond3A_146 = arith.cmpi ne, %convert_element_type3A_144, %cond3A_145 : i32
      scf.if %cond3A_146 {
        "tpu.region"() ({
          %run_scoped3A_266 = tpu.sem_alloc : memref<!tpu.dma_semaphore, #tpu.memory_space<semaphore_mem>>
          %dma_start3A_267 = arith.constant 0 : i32
          %dma_start3A_268 = arith.constant 0 : i32
          %dma_start3A_269 = tpu.memref_slice %arg3[%add3A, %sub3A_122, %dma_start3A_267, %dma_start3A_268] : memref<32x250x2x40xi32, #tpu.memory_space<hbm>> -> memref<1x1x2x40xi32, #tpu.memory_space<hbm>>
          %dma_start3A_270 = tpu.memref_squeeze %dma_start3A_269 : memref<1x1x2x40xi32, #tpu.memory_space<hbm>> -> memref<2x40xi32, #tpu.memory_space<hbm>>
          %dma_start3A_271 = arith.constant 0 : i32
          %dma_start3A_272 = arith.constant 0 : i32
          %dma_start3A_273 = tpu.memref_slice %arg3[%add3A, %sub3A_122, %dma_start3A_271, %dma_start3A_272] : memref<32x250x2x40xi32, #tpu.memory_space<hbm>> -> memref<1x1x2x40xi32, #tpu.memory_space<hbm>>
          %dma_start3A_274 = tpu.memref_squeeze %dma_start3A_273 : memref<1x1x2x40xi32, #tpu.memory_space<hbm>> -> memref<2x40xi32, #tpu.memory_space<hbm>>
          tpu.enqueue_dma source(%dma_start3A_274 : memref<2x40xi32, #tpu.memory_space<hbm>>) target(%arg14 : memref<2x40xi32, #tpu.memory_space<vmem>>) target_semaphore(%run_scoped3A_266 : memref<!tpu.dma_semaphore, #tpu.memory_space<semaphore_mem>>)
          %dma_wait3A_275 = arith.constant 0 : i32
          %dma_wait3A_276 = arith.constant 0 : i32
          %dma_wait3A_277 = tpu.memref_slice %arg3[%add3A, %sub3A_122, %dma_wait3A_275, %dma_wait3A_276] : memref<32x250x2x40xi32, #tpu.memory_space<hbm>> -> memref<1x1x2x40xi32, #tpu.memory_space<hbm>>
          %dma_wait3A_278 = tpu.memref_squeeze %dma_wait3A_277 : memref<1x1x2x40xi32, #tpu.memory_space<hbm>> -> memref<2x40xi32, #tpu.memory_space<hbm>>
          %dma_wait3A_279 = arith.constant 0 : i32
          %dma_wait3A_280 = arith.constant 0 : i32
          %dma_wait3A_281 = tpu.memref_slice %arg3[%add3A, %sub3A_122, %dma_wait3A_279, %dma_wait3A_280] : memref<32x250x2x40xi32, #tpu.memory_space<hbm>> -> memref<1x1x2x40xi32, #tpu.memory_space<hbm>>
          %dma_wait3A_282 = tpu.memref_squeeze %dma_wait3A_281 : memref<1x1x2x40xi32, #tpu.memory_space<hbm>> -> memref<2x40xi32, #tpu.memory_space<hbm>>
          tpu.wait_dma2 semaphore(%run_scoped3A_266 : memref<!tpu.dma_semaphore, #tpu.memory_space<semaphore_mem>>) src(%dma_wait3A_282 : memref<2x40xi32, #tpu.memory_space<hbm>>) dst(%arg14 : memref<2x40xi32, #tpu.memory_space<vmem>>)
          tpu.yield
        }) : () -> ()
        %dma_start3A_259 = arith.constant 0 : i32
        %dma_start3A_260 = arith.constant 0 : i32
        %dma_start3A_261 = tpu.memref_slice %arg14[%dma_start3A_259, %dma_start3A_260] : memref<2x40xi32, #tpu.memory_space<vmem>> -> memref<1x40xi32, #tpu.memory_space<vmem>>
        %dma_start3A_262 = tpu.memref_squeeze %dma_start3A_261 : memref<1x40xi32, #tpu.memory_space<vmem>> -> memref<40xi32, #tpu.memory_space<vmem>>
        %dma_start3A_263 = arith.constant 0 : i32
        %dma_start3A_264 = arith.constant 0 : i32
        %dma_start3A_265 = tpu.memref_slice %arg2[%dma_start3A_263, %dma_start3A_264] : memref<10000x128xf32, #tpu.memory_space<hbm>> -> memref<10000x128xf32, #tpu.memory_space<hbm>>
        tpu.enqueue_indirect_dma source(%dma_start3A_265 : memref<10000x128xf32, #tpu.memory_space<hbm>>) target(%arg19 : memref<40x128xf32, #tpu.memory_space<vmem>>) offsets(%dma_start3A_262 : memref<40xi32, #tpu.memory_space<vmem>>) semaphore(%arg25 : memref<!tpu.dma_semaphore, #tpu.memory_space<semaphore_mem>>)
      } else {
      }
      %mul3A_147 = arith.constant 5 : i32
      %mul3A_148 = arith.muli %mul3A_147, %scan3A_115 : i32
      %add3A_149 = arith.constant 1 : i32
      %add3A_150 = arith.addi %mul3A_148, %add3A_149 : i32
      %add3A_151 = arith.constant 5 : i32
      %add3A_152 = arith.addi %add3A_150, %add3A_151 : i32
      %sub3A_153 = arith.constant 1 : i32
      %sub3A_154 = arith.subi %add3A_152, %sub3A_153 : i32
      %dma_wait3A_155 = arith.constant 0 : i32
      %dma_wait3A_156 = arith.constant 0 : i32
      %dma_wait3A_157 = tpu.memref_slice %arg11[%dma_wait3A_155, %dma_wait3A_156] : memref<2x40xi32, #tpu.memory_space<vmem>> -> memref<1x40xi32, #tpu.memory_space<vmem>>
      %dma_wait3A_158 = tpu.memref_squeeze %dma_wait3A_157 : memref<1x40xi32, #tpu.memory_space<vmem>> -> memref<40xi32, #tpu.memory_space<vmem>>
      %dma_wait3A_159 = arith.constant 0 : i32
      %dma_wait3A_160 = arith.constant 0 : i32
      %dma_wait3A_161 = tpu.memref_slice %arg2[%dma_wait3A_159, %dma_wait3A_160] : memref<10000x128xf32, #tpu.memory_space<hbm>> -> memref<10000x128xf32, #tpu.memory_space<hbm>>
      tpu.wait_indirect_dma semaphore(%arg22 : memref<!tpu.dma_semaphore, #tpu.memory_space<semaphore_mem>>) src(%dma_wait3A_161 : memref<10000x128xf32, #tpu.memory_space<hbm>>) dst(%arg16 : memref<40x128xf32, #tpu.memory_space<vmem>>)
      %dma_start3A_162 = arith.constant 1 : i32
      %dma_start3A_163 = arith.constant 0 : i32
      %dma_start3A_164 = tpu.memref_slice %arg11[%dma_start3A_162, %dma_start3A_163] : memref<2x40xi32, #tpu.memory_space<vmem>> -> memref<1x40xi32, #tpu.memory_space<vmem>>
      %dma_start3A_165 = tpu.memref_squeeze %dma_start3A_164 : memref<1x40xi32, #tpu.memory_space<vmem>> -> memref<40xi32, #tpu.memory_space<vmem>>
      %dma_start3A_166 = arith.constant 0 : i32
      %dma_start3A_167 = arith.constant 0 : i32
      %dma_start3A_168 = tpu.memref_slice %arg8[%dma_start3A_166, %dma_start3A_167] : memref<10000x128xf32, #tpu.memory_space<vmem_shared>> -> memref<10000x128xf32, #tpu.memory_space<vmem_shared>>
      tpu.enqueue_indirect_dma source(%arg16 : memref<40x128xf32, #tpu.memory_space<vmem>>) target(%dma_start3A_168 : memref<10000x128xf32, #tpu.memory_space<vmem_shared>>) offsets(%dma_start3A_165 : memref<40xi32, #tpu.memory_space<vmem>>) semaphore(%arg27 : memref<!tpu.dma_semaphore, #tpu.memory_space<semaphore_mem>>) {add = true}
      %run_scoped3A_169 = arith.constant 1 : i32
      "tpu.region"() ({
        %run_scoped3A_259 = tpu.sem_alloc : memref<!tpu.dma_semaphore, #tpu.memory_space<semaphore_mem>>
        %dma_start3A_260 = arith.constant 0 : i32
        %dma_start3A_261 = tpu.memref_slice %arg11[%run_scoped3A_169, %dma_start3A_260] : memref<2x40xi32, #tpu.memory_space<vmem>> -> memref<1x40xi32, #tpu.memory_space<vmem>>
        %dma_start3A_262 = tpu.memref_squeeze %dma_start3A_261 : memref<1x40xi32, #tpu.memory_space<vmem>> -> memref<40xi32, #tpu.memory_space<vmem>>
        %dma_start3A_263 = arith.constant 0 : i32
        %dma_start3A_264 = tpu.memref_slice %arg9[%dma_start3A_263] : memref<10000xf32, #tpu.memory_space<vmem_shared>> -> memref<10000xf32, #tpu.memory_space<vmem_shared>>
        tpu.enqueue_indirect_dma source(%arg20 : memref<40xf32, #tpu.memory_space<vmem>>) target(%dma_start3A_264 : memref<10000xf32, #tpu.memory_space<vmem_shared>>) offsets(%dma_start3A_262 : memref<40xi32, #tpu.memory_space<vmem>>) semaphore(%run_scoped3A_259 : memref<!tpu.dma_semaphore, #tpu.memory_space<semaphore_mem>>) {add = true}
        %dma_wait3A_265 = arith.constant 0 : i32
        %dma_wait3A_266 = tpu.memref_slice %arg11[%run_scoped3A_169, %dma_wait3A_265] : memref<2x40xi32, #tpu.memory_space<vmem>> -> memref<1x40xi32, #tpu.memory_space<vmem>>
        %dma_wait3A_267 = tpu.memref_squeeze %dma_wait3A_266 : memref<1x40xi32, #tpu.memory_space<vmem>> -> memref<40xi32, #tpu.memory_space<vmem>>
        %dma_wait3A_268 = arith.constant 0 : i32
        %dma_wait3A_269 = tpu.memref_slice %arg9[%dma_wait3A_268] : memref<10000xf32, #tpu.memory_space<vmem_shared>> -> memref<10000xf32, #tpu.memory_space<vmem_shared>>
        tpu.wait_indirect_dma semaphore(%run_scoped3A_259 : memref<!tpu.dma_semaphore, #tpu.memory_space<semaphore_mem>>) src(%arg20 : memref<40xf32, #tpu.memory_space<vmem>>) dst(%dma_wait3A_269 : memref<10000xf32, #tpu.memory_space<vmem_shared>>)
        tpu.yield
      }) : () -> ()
      %lt3A_170 = arith.constant 250 : i32
      %lt3A_171 = arith.cmpi slt, %sub3A_154, %lt3A_170 : i32
      %convert_element_type3A_172 = arith.extui %lt3A_171 : i1 to i32
      %cond3A_173 = arith.constant 0 : i32
      %cond3A_174 = arith.cmpi ne, %convert_element_type3A_172, %cond3A_173 : i32
      scf.if %cond3A_174 {
        %dma_wait3A_259 = arith.constant 1 : i32
        %dma_wait3A_260 = arith.constant 0 : i32
        %dma_wait3A_261 = tpu.memref_slice %arg10[%dma_wait3A_259, %dma_wait3A_260] : memref<2x40xi32, #tpu.memory_space<vmem>> -> memref<1x40xi32, #tpu.memory_space<vmem>>
        %dma_wait3A_262 = tpu.memref_squeeze %dma_wait3A_261 : memref<1x40xi32, #tpu.memory_space<vmem>> -> memref<40xi32, #tpu.memory_space<vmem>>
        %dma_wait3A_263 = arith.constant 0 : i32
        %dma_wait3A_264 = arith.constant 0 : i32
        %dma_wait3A_265 = tpu.memref_slice %arg8[%dma_wait3A_263, %dma_wait3A_264] : memref<10000x128xf32, #tpu.memory_space<vmem_shared>> -> memref<10000x128xf32, #tpu.memory_space<vmem_shared>>
        tpu.wait_indirect_dma semaphore(%arg26 : memref<!tpu.dma_semaphore, #tpu.memory_space<semaphore_mem>>) src(%arg15 : memref<40x128xf32, #tpu.memory_space<vmem>>) dst(%dma_wait3A_265 : memref<10000x128xf32, #tpu.memory_space<vmem_shared>>)
        "tpu.region"() ({
          %run_scoped3A_273 = tpu.sem_alloc : memref<!tpu.dma_semaphore, #tpu.memory_space<semaphore_mem>>
          %dma_start3A_274 = arith.constant 0 : i32
          %dma_start3A_275 = arith.constant 0 : i32
          %dma_start3A_276 = tpu.memref_slice %arg3[%add3A, %sub3A_154, %dma_start3A_274, %dma_start3A_275] : memref<32x250x2x40xi32, #tpu.memory_space<hbm>> -> memref<1x1x2x40xi32, #tpu.memory_space<hbm>>
          %dma_start3A_277 = tpu.memref_squeeze %dma_start3A_276 : memref<1x1x2x40xi32, #tpu.memory_space<hbm>> -> memref<2x40xi32, #tpu.memory_space<hbm>>
          %dma_start3A_278 = arith.constant 0 : i32
          %dma_start3A_279 = arith.constant 0 : i32
          %dma_start3A_280 = tpu.memref_slice %arg3[%add3A, %sub3A_154, %dma_start3A_278, %dma_start3A_279] : memref<32x250x2x40xi32, #tpu.memory_space<hbm>> -> memref<1x1x2x40xi32, #tpu.memory_space<hbm>>
          %dma_start3A_281 = tpu.memref_squeeze %dma_start3A_280 : memref<1x1x2x40xi32, #tpu.memory_space<hbm>> -> memref<2x40xi32, #tpu.memory_space<hbm>>
          tpu.enqueue_dma source(%dma_start3A_281 : memref<2x40xi32, #tpu.memory_space<hbm>>) target(%arg10 : memref<2x40xi32, #tpu.memory_space<vmem>>) target_semaphore(%run_scoped3A_273 : memref<!tpu.dma_semaphore, #tpu.memory_space<semaphore_mem>>)
          %dma_wait3A_282 = arith.constant 0 : i32
          %dma_wait3A_283 = arith.constant 0 : i32
          %dma_wait3A_284 = tpu.memref_slice %arg3[%add3A, %sub3A_154, %dma_wait3A_282, %dma_wait3A_283] : memref<32x250x2x40xi32, #tpu.memory_space<hbm>> -> memref<1x1x2x40xi32, #tpu.memory_space<hbm>>
          %dma_wait3A_285 = tpu.memref_squeeze %dma_wait3A_284 : memref<1x1x2x40xi32, #tpu.memory_space<hbm>> -> memref<2x40xi32, #tpu.memory_space<hbm>>
          %dma_wait3A_286 = arith.constant 0 : i32
          %dma_wait3A_287 = arith.constant 0 : i32
          %dma_wait3A_288 = tpu.memref_slice %arg3[%add3A, %sub3A_154, %dma_wait3A_286, %dma_wait3A_287] : memref<32x250x2x40xi32, #tpu.memory_space<hbm>> -> memref<1x1x2x40xi32, #tpu.memory_space<hbm>>
          %dma_wait3A_289 = tpu.memref_squeeze %dma_wait3A_288 : memref<1x1x2x40xi32, #tpu.memory_space<hbm>> -> memref<2x40xi32, #tpu.memory_space<hbm>>
          tpu.wait_dma2 semaphore(%run_scoped3A_273 : memref<!tpu.dma_semaphore, #tpu.memory_space<semaphore_mem>>) src(%dma_wait3A_289 : memref<2x40xi32, #tpu.memory_space<hbm>>) dst(%arg10 : memref<2x40xi32, #tpu.memory_space<vmem>>)
          tpu.yield
        }) : () -> ()
        %dma_start3A_266 = arith.constant 0 : i32
        %dma_start3A_267 = arith.constant 0 : i32
        %dma_start3A_268 = tpu.memref_slice %arg10[%dma_start3A_266, %dma_start3A_267] : memref<2x40xi32, #tpu.memory_space<vmem>> -> memref<1x40xi32, #tpu.memory_space<vmem>>
        %dma_start3A_269 = tpu.memref_squeeze %dma_start3A_268 : memref<1x40xi32, #tpu.memory_space<vmem>> -> memref<40xi32, #tpu.memory_space<vmem>>
        %dma_start3A_270 = arith.constant 0 : i32
        %dma_start3A_271 = arith.constant 0 : i32
        %dma_start3A_272 = tpu.memref_slice %arg2[%dma_start3A_270, %dma_start3A_271] : memref<10000x128xf32, #tpu.memory_space<hbm>> -> memref<10000x128xf32, #tpu.memory_space<hbm>>
        tpu.enqueue_indirect_dma source(%dma_start3A_272 : memref<10000x128xf32, #tpu.memory_space<hbm>>) target(%arg15 : memref<40x128xf32, #tpu.memory_space<vmem>>) offsets(%dma_start3A_269 : memref<40xi32, #tpu.memory_space<vmem>>) semaphore(%arg21 : memref<!tpu.dma_semaphore, #tpu.memory_space<semaphore_mem>>)
      } else {
      }
      %mul3A_175 = arith.constant 5 : i32
      %mul3A_176 = arith.muli %mul3A_175, %scan3A_115 : i32
      %add3A_177 = arith.constant 2 : i32
      %add3A_178 = arith.addi %mul3A_176, %add3A_177 : i32
      %add3A_179 = arith.constant 5 : i32
      %add3A_180 = arith.addi %add3A_178, %add3A_179 : i32
      %sub3A_181 = arith.constant 1 : i32
      %sub3A_182 = arith.subi %add3A_180, %sub3A_181 : i32
      %dma_wait3A_183 = arith.constant 0 : i32
      %dma_wait3A_184 = arith.constant 0 : i32
      %dma_wait3A_185 = tpu.memref_slice %arg12[%dma_wait3A_183, %dma_wait3A_184] : memref<2x40xi32, #tpu.memory_space<vmem>> -> memref<1x40xi32, #tpu.memory_space<vmem>>
      %dma_wait3A_186 = tpu.memref_squeeze %dma_wait3A_185 : memref<1x40xi32, #tpu.memory_space<vmem>> -> memref<40xi32, #tpu.memory_space<vmem>>
      %dma_wait3A_187 = arith.constant 0 : i32
      %dma_wait3A_188 = arith.constant 0 : i32
      %dma_wait3A_189 = tpu.memref_slice %arg2[%dma_wait3A_187, %dma_wait3A_188] : memref<10000x128xf32, #tpu.memory_space<hbm>> -> memref<10000x128xf32, #tpu.memory_space<hbm>>
      tpu.wait_indirect_dma semaphore(%arg23 : memref<!tpu.dma_semaphore, #tpu.memory_space<semaphore_mem>>) src(%dma_wait3A_189 : memref<10000x128xf32, #tpu.memory_space<hbm>>) dst(%arg17 : memref<40x128xf32, #tpu.memory_space<vmem>>)
      %dma_start3A_190 = arith.constant 1 : i32
      %dma_start3A_191 = arith.constant 0 : i32
      %dma_start3A_192 = tpu.memref_slice %arg12[%dma_start3A_190, %dma_start3A_191] : memref<2x40xi32, #tpu.memory_space<vmem>> -> memref<1x40xi32, #tpu.memory_space<vmem>>
      %dma_start3A_193 = tpu.memref_squeeze %dma_start3A_192 : memref<1x40xi32, #tpu.memory_space<vmem>> -> memref<40xi32, #tpu.memory_space<vmem>>
      %dma_start3A_194 = arith.constant 0 : i32
      %dma_start3A_195 = arith.constant 0 : i32
      %dma_start3A_196 = tpu.memref_slice %arg8[%dma_start3A_194, %dma_start3A_195] : memref<10000x128xf32, #tpu.memory_space<vmem_shared>> -> memref<10000x128xf32, #tpu.memory_space<vmem_shared>>
      tpu.enqueue_indirect_dma source(%arg17 : memref<40x128xf32, #tpu.memory_space<vmem>>) target(%dma_start3A_196 : memref<10000x128xf32, #tpu.memory_space<vmem_shared>>) offsets(%dma_start3A_193 : memref<40xi32, #tpu.memory_space<vmem>>) semaphore(%arg28 : memref<!tpu.dma_semaphore, #tpu.memory_space<semaphore_mem>>) {add = true}
      %run_scoped3A_197 = arith.constant 1 : i32
      "tpu.region"() ({
        %run_scoped3A_259 = tpu.sem_alloc : memref<!tpu.dma_semaphore, #tpu.memory_space<semaphore_mem>>
        %dma_start3A_260 = arith.constant 0 : i32
        %dma_start3A_261 = tpu.memref_slice %arg12[%run_scoped3A_197, %dma_start3A_260] : memref<2x40xi32, #tpu.memory_space<vmem>> -> memref<1x40xi32, #tpu.memory_space<vmem>>
        %dma_start3A_262 = tpu.memref_squeeze %dma_start3A_261 : memref<1x40xi32, #tpu.memory_space<vmem>> -> memref<40xi32, #tpu.memory_space<vmem>>
        %dma_start3A_263 = arith.constant 0 : i32
        %dma_start3A_264 = tpu.memref_slice %arg9[%dma_start3A_263] : memref<10000xf32, #tpu.memory_space<vmem_shared>> -> memref<10000xf32, #tpu.memory_space<vmem_shared>>
        tpu.enqueue_indirect_dma source(%arg20 : memref<40xf32, #tpu.memory_space<vmem>>) target(%dma_start3A_264 : memref<10000xf32, #tpu.memory_space<vmem_shared>>) offsets(%dma_start3A_262 : memref<40xi32, #tpu.memory_space<vmem>>) semaphore(%run_scoped3A_259 : memref<!tpu.dma_semaphore, #tpu.memory_space<semaphore_mem>>) {add = true}
        %dma_wait3A_265 = arith.constant 0 : i32
        %dma_wait3A_266 = tpu.memref_slice %arg12[%run_scoped3A_197, %dma_wait3A_265] : memref<2x40xi32, #tpu.memory_space<vmem>> -> memref<1x40xi32, #tpu.memory_space<vmem>>
        %dma_wait3A_267 = tpu.memref_squeeze %dma_wait3A_266 : memref<1x40xi32, #tpu.memory_space<vmem>> -> memref<40xi32, #tpu.memory_space<vmem>>
        %dma_wait3A_268 = arith.constant 0 : i32
        %dma_wait3A_269 = tpu.memref_slice %arg9[%dma_wait3A_268] : memref<10000xf32, #tpu.memory_space<vmem_shared>> -> memref<10000xf32, #tpu.memory_space<vmem_shared>>
        tpu.wait_indirect_dma semaphore(%run_scoped3A_259 : memref<!tpu.dma_semaphore, #tpu.memory_space<semaphore_mem>>) src(%arg20 : memref<40xf32, #tpu.memory_space<vmem>>) dst(%dma_wait3A_269 : memref<10000xf32, #tpu.memory_space<vmem_shared>>)
        tpu.yield
      }) : () -> ()
      %lt3A_198 = arith.constant 250 : i32
      %lt3A_199 = arith.cmpi slt, %sub3A_182, %lt3A_198 : i32
      %convert_element_type3A_200 = arith.extui %lt3A_199 : i1 to i32
      %cond3A_201 = arith.constant 0 : i32
      %cond3A_202 = arith.cmpi ne, %convert_element_type3A_200, %cond3A_201 : i32
      scf.if %cond3A_202 {
        %dma_wait3A_259 = arith.constant 1 : i32
        %dma_wait3A_260 = arith.constant 0 : i32
        %dma_wait3A_261 = tpu.memref_slice %arg11[%dma_wait3A_259, %dma_wait3A_260] : memref<2x40xi32, #tpu.memory_space<vmem>> -> memref<1x40xi32, #tpu.memory_space<vmem>>
        %dma_wait3A_262 = tpu.memref_squeeze %dma_wait3A_261 : memref<1x40xi32, #tpu.memory_space<vmem>> -> memref<40xi32, #tpu.memory_space<vmem>>
        %dma_wait3A_263 = arith.constant 0 : i32
        %dma_wait3A_264 = arith.constant 0 : i32
        %dma_wait3A_265 = tpu.memref_slice %arg8[%dma_wait3A_263, %dma_wait3A_264] : memref<10000x128xf32, #tpu.memory_space<vmem_shared>> -> memref<10000x128xf32, #tpu.memory_space<vmem_shared>>
        tpu.wait_indirect_dma semaphore(%arg27 : memref<!tpu.dma_semaphore, #tpu.memory_space<semaphore_mem>>) src(%arg16 : memref<40x128xf32, #tpu.memory_space<vmem>>) dst(%dma_wait3A_265 : memref<10000x128xf32, #tpu.memory_space<vmem_shared>>)
        "tpu.region"() ({
          %run_scoped3A_273 = tpu.sem_alloc : memref<!tpu.dma_semaphore, #tpu.memory_space<semaphore_mem>>
          %dma_start3A_274 = arith.constant 0 : i32
          %dma_start3A_275 = arith.constant 0 : i32
          %dma_start3A_276 = tpu.memref_slice %arg3[%add3A, %sub3A_182, %dma_start3A_274, %dma_start3A_275] : memref<32x250x2x40xi32, #tpu.memory_space<hbm>> -> memref<1x1x2x40xi32, #tpu.memory_space<hbm>>
          %dma_start3A_277 = tpu.memref_squeeze %dma_start3A_276 : memref<1x1x2x40xi32, #tpu.memory_space<hbm>> -> memref<2x40xi32, #tpu.memory_space<hbm>>
          %dma_start3A_278 = arith.constant 0 : i32
          %dma_start3A_279 = arith.constant 0 : i32
          %dma_start3A_280 = tpu.memref_slice %arg3[%add3A, %sub3A_182, %dma_start3A_278, %dma_start3A_279] : memref<32x250x2x40xi32, #tpu.memory_space<hbm>> -> memref<1x1x2x40xi32, #tpu.memory_space<hbm>>
          %dma_start3A_281 = tpu.memref_squeeze %dma_start3A_280 : memref<1x1x2x40xi32, #tpu.memory_space<hbm>> -> memref<2x40xi32, #tpu.memory_space<hbm>>
          tpu.enqueue_dma source(%dma_start3A_281 : memref<2x40xi32, #tpu.memory_space<hbm>>) target(%arg11 : memref<2x40xi32, #tpu.memory_space<vmem>>) target_semaphore(%run_scoped3A_273 : memref<!tpu.dma_semaphore, #tpu.memory_space<semaphore_mem>>)
          %dma_wait3A_282 = arith.constant 0 : i32
          %dma_wait3A_283 = arith.constant 0 : i32
          %dma_wait3A_284 = tpu.memref_slice %arg3[%add3A, %sub3A_182, %dma_wait3A_282, %dma_wait3A_283] : memref<32x250x2x40xi32, #tpu.memory_space<hbm>> -> memref<1x1x2x40xi32, #tpu.memory_space<hbm>>
          %dma_wait3A_285 = tpu.memref_squeeze %dma_wait3A_284 : memref<1x1x2x40xi32, #tpu.memory_space<hbm>> -> memref<2x40xi32, #tpu.memory_space<hbm>>
          %dma_wait3A_286 = arith.constant 0 : i32
          %dma_wait3A_287 = arith.constant 0 : i32
          %dma_wait3A_288 = tpu.memref_slice %arg3[%add3A, %sub3A_182, %dma_wait3A_286, %dma_wait3A_287] : memref<32x250x2x40xi32, #tpu.memory_space<hbm>> -> memref<1x1x2x40xi32, #tpu.memory_space<hbm>>
          %dma_wait3A_289 = tpu.memref_squeeze %dma_wait3A_288 : memref<1x1x2x40xi32, #tpu.memory_space<hbm>> -> memref<2x40xi32, #tpu.memory_space<hbm>>
          tpu.wait_dma2 semaphore(%run_scoped3A_273 : memref<!tpu.dma_semaphore, #tpu.memory_space<semaphore_mem>>) src(%dma_wait3A_289 : memref<2x40xi32, #tpu.memory_space<hbm>>) dst(%arg11 : memref<2x40xi32, #tpu.memory_space<vmem>>)
          tpu.yield
        }) : () -> ()
        %dma_start3A_266 = arith.constant 0 : i32
        %dma_start3A_267 = arith.constant 0 : i32
        %dma_start3A_268 = tpu.memref_slice %arg11[%dma_start3A_266, %dma_start3A_267] : memref<2x40xi32, #tpu.memory_space<vmem>> -> memref<1x40xi32, #tpu.memory_space<vmem>>
        %dma_start3A_269 = tpu.memref_squeeze %dma_start3A_268 : memref<1x40xi32, #tpu.memory_space<vmem>> -> memref<40xi32, #tpu.memory_space<vmem>>
        %dma_start3A_270 = arith.constant 0 : i32
        %dma_start3A_271 = arith.constant 0 : i32
        %dma_start3A_272 = tpu.memref_slice %arg2[%dma_start3A_270, %dma_start3A_271] : memref<10000x128xf32, #tpu.memory_space<hbm>> -> memref<10000x128xf32, #tpu.memory_space<hbm>>
        tpu.enqueue_indirect_dma source(%dma_start3A_272 : memref<10000x128xf32, #tpu.memory_space<hbm>>) target(%arg16 : memref<40x128xf32, #tpu.memory_space<vmem>>) offsets(%dma_start3A_269 : memref<40xi32, #tpu.memory_space<vmem>>) semaphore(%arg22 : memref<!tpu.dma_semaphore, #tpu.memory_space<semaphore_mem>>)
      } else {
      }
      %mul3A_203 = arith.constant 5 : i32
      %mul3A_204 = arith.muli %mul3A_203, %scan3A_115 : i32
      %add3A_205 = arith.constant 3 : i32
      %add3A_206 = arith.addi %mul3A_204, %add3A_205 : i32
      %add3A_207 = arith.constant 5 : i32
      %add3A_208 = arith.addi %add3A_206, %add3A_207 : i32
      %sub3A_209 = arith.constant 1 : i32
      %sub3A_210 = arith.subi %add3A_208, %sub3A_209 : i32
      %dma_wait3A_211 = arith.constant 0 : i32
      %dma_wait3A_212 = arith.constant 0 : i32
      %dma_wait3A_213 = tpu.memref_slice %arg13[%dma_wait3A_211, %dma_wait3A_212] : memref<2x40xi32, #tpu.memory_space<vmem>> -> memref<1x40xi32, #tpu.memory_space<vmem>>
      %dma_wait3A_214 = tpu.memref_squeeze %dma_wait3A_213 : memref<1x40xi32, #tpu.memory_space<vmem>> -> memref<40xi32, #tpu.memory_space<vmem>>
      %dma_wait3A_215 = arith.constant 0 : i32
      %dma_wait3A_216 = arith.constant 0 : i32
      %dma_wait3A_217 = tpu.memref_slice %arg2[%dma_wait3A_215, %dma_wait3A_216] : memref<10000x128xf32, #tpu.memory_space<hbm>> -> memref<10000x128xf32, #tpu.memory_space<hbm>>
      tpu.wait_indirect_dma semaphore(%arg24 : memref<!tpu.dma_semaphore, #tpu.memory_space<semaphore_mem>>) src(%dma_wait3A_217 : memref<10000x128xf32, #tpu.memory_space<hbm>>) dst(%arg18 : memref<40x128xf32, #tpu.memory_space<vmem>>)
      %dma_start3A_218 = arith.constant 1 : i32
      %dma_start3A_219 = arith.constant 0 : i32
      %dma_start3A_220 = tpu.memref_slice %arg13[%dma_start3A_218, %dma_start3A_219] : memref<2x40xi32, #tpu.memory_space<vmem>> -> memref<1x40xi32, #tpu.memory_space<vmem>>
      %dma_start3A_221 = tpu.memref_squeeze %dma_start3A_220 : memref<1x40xi32, #tpu.memory_space<vmem>> -> memref<40xi32, #tpu.memory_space<vmem>>
      %dma_start3A_222 = arith.constant 0 : i32
      %dma_start3A_223 = arith.constant 0 : i32
      %dma_start3A_224 = tpu.memref_slice %arg8[%dma_start3A_222, %dma_start3A_223] : memref<10000x128xf32, #tpu.memory_space<vmem_shared>> -> memref<10000x128xf32, #tpu.memory_space<vmem_shared>>
      tpu.enqueue_indirect_dma source(%arg18 : memref<40x128xf32, #tpu.memory_space<vmem>>) target(%dma_start3A_224 : memref<10000x128xf32, #tpu.memory_space<vmem_shared>>) offsets(%dma_start3A_221 : memref<40xi32, #tpu.memory_space<vmem>>) semaphore(%arg29 : memref<!tpu.dma_semaphore, #tpu.memory_space<semaphore_mem>>) {add = true}
      %run_scoped3A_225 = arith.constant 1 : i32
      "tpu.region"() ({
        %run_scoped3A_259 = tpu.sem_alloc : memref<!tpu.dma_semaphore, #tpu.memory_space<semaphore_mem>>
        %dma_start3A_260 = arith.constant 0 : i32
        %dma_start3A_261 = tpu.memref_slice %arg13[%run_scoped3A_225, %dma_start3A_260] : memref<2x40xi32, #tpu.memory_space<vmem>> -> memref<1x40xi32, #tpu.memory_space<vmem>>
        %dma_start3A_262 = tpu.memref_squeeze %dma_start3A_261 : memref<1x40xi32, #tpu.memory_space<vmem>> -> memref<40xi32, #tpu.memory_space<vmem>>
        %dma_start3A_263 = arith.constant 0 : i32
        %dma_start3A_264 = tpu.memref_slice %arg9[%dma_start3A_263] : memref<10000xf32, #tpu.memory_space<vmem_shared>> -> memref<10000xf32, #tpu.memory_space<vmem_shared>>
        tpu.enqueue_indirect_dma source(%arg20 : memref<40xf32, #tpu.memory_space<vmem>>) target(%dma_start3A_264 : memref<10000xf32, #tpu.memory_space<vmem_shared>>) offsets(%dma_start3A_262 : memref<40xi32, #tpu.memory_space<vmem>>) semaphore(%run_scoped3A_259 : memref<!tpu.dma_semaphore, #tpu.memory_space<semaphore_mem>>) {add = true}
        %dma_wait3A_265 = arith.constant 0 : i32
        %dma_wait3A_266 = tpu.memref_slice %arg13[%run_scoped3A_225, %dma_wait3A_265] : memref<2x40xi32, #tpu.memory_space<vmem>> -> memref<1x40xi32, #tpu.memory_space<vmem>>
        %dma_wait3A_267 = tpu.memref_squeeze %dma_wait3A_266 : memref<1x40xi32, #tpu.memory_space<vmem>> -> memref<40xi32, #tpu.memory_space<vmem>>
        %dma_wait3A_268 = arith.constant 0 : i32
        %dma_wait3A_269 = tpu.memref_slice %arg9[%dma_wait3A_268] : memref<10000xf32, #tpu.memory_space<vmem_shared>> -> memref<10000xf32, #tpu.memory_space<vmem_shared>>
        tpu.wait_indirect_dma semaphore(%run_scoped3A_259 : memref<!tpu.dma_semaphore, #tpu.memory_space<semaphore_mem>>) src(%arg20 : memref<40xf32, #tpu.memory_space<vmem>>) dst(%dma_wait3A_269 : memref<10000xf32, #tpu.memory_space<vmem_shared>>)
        tpu.yield
      }) : () -> ()
      %lt3A_226 = arith.constant 250 : i32
      %lt3A_227 = arith.cmpi slt, %sub3A_210, %lt3A_226 : i32
      %convert_element_type3A_228 = arith.extui %lt3A_227 : i1 to i32
      %cond3A_229 = arith.constant 0 : i32
      %cond3A_230 = arith.cmpi ne, %convert_element_type3A_228, %cond3A_229 : i32
      scf.if %cond3A_230 {
        %dma_wait3A_259 = arith.constant 1 : i32
        %dma_wait3A_260 = arith.constant 0 : i32
        %dma_wait3A_261 = tpu.memref_slice %arg12[%dma_wait3A_259, %dma_wait3A_260] : memref<2x40xi32, #tpu.memory_space<vmem>> -> memref<1x40xi32, #tpu.memory_space<vmem>>
        %dma_wait3A_262 = tpu.memref_squeeze %dma_wait3A_261 : memref<1x40xi32, #tpu.memory_space<vmem>> -> memref<40xi32, #tpu.memory_space<vmem>>
        %dma_wait3A_263 = arith.constant 0 : i32
        %dma_wait3A_264 = arith.constant 0 : i32
        %dma_wait3A_265 = tpu.memref_slice %arg8[%dma_wait3A_263, %dma_wait3A_264] : memref<10000x128xf32, #tpu.memory_space<vmem_shared>> -> memref<10000x128xf32, #tpu.memory_space<vmem_shared>>
        tpu.wait_indirect_dma semaphore(%arg28 : memref<!tpu.dma_semaphore, #tpu.memory_space<semaphore_mem>>) src(%arg17 : memref<40x128xf32, #tpu.memory_space<vmem>>) dst(%dma_wait3A_265 : memref<10000x128xf32, #tpu.memory_space<vmem_shared>>)
        "tpu.region"() ({
          %run_scoped3A_273 = tpu.sem_alloc : memref<!tpu.dma_semaphore, #tpu.memory_space<semaphore_mem>>
          %dma_start3A_274 = arith.constant 0 : i32
          %dma_start3A_275 = arith.constant 0 : i32
          %dma_start3A_276 = tpu.memref_slice %arg3[%add3A, %sub3A_210, %dma_start3A_274, %dma_start3A_275] : memref<32x250x2x40xi32, #tpu.memory_space<hbm>> -> memref<1x1x2x40xi32, #tpu.memory_space<hbm>>
          %dma_start3A_277 = tpu.memref_squeeze %dma_start3A_276 : memref<1x1x2x40xi32, #tpu.memory_space<hbm>> -> memref<2x40xi32, #tpu.memory_space<hbm>>
          %dma_start3A_278 = arith.constant 0 : i32
          %dma_start3A_279 = arith.constant 0 : i32
          %dma_start3A_280 = tpu.memref_slice %arg3[%add3A, %sub3A_210, %dma_start3A_278, %dma_start3A_279] : memref<32x250x2x40xi32, #tpu.memory_space<hbm>> -> memref<1x1x2x40xi32, #tpu.memory_space<hbm>>
          %dma_start3A_281 = tpu.memref_squeeze %dma_start3A_280 : memref<1x1x2x40xi32, #tpu.memory_space<hbm>> -> memref<2x40xi32, #tpu.memory_space<hbm>>
          tpu.enqueue_dma source(%dma_start3A_281 : memref<2x40xi32, #tpu.memory_space<hbm>>) target(%arg12 : memref<2x40xi32, #tpu.memory_space<vmem>>) target_semaphore(%run_scoped3A_273 : memref<!tpu.dma_semaphore, #tpu.memory_space<semaphore_mem>>)
          %dma_wait3A_282 = arith.constant 0 : i32
          %dma_wait3A_283 = arith.constant 0 : i32
          %dma_wait3A_284 = tpu.memref_slice %arg3[%add3A, %sub3A_210, %dma_wait3A_282, %dma_wait3A_283] : memref<32x250x2x40xi32, #tpu.memory_space<hbm>> -> memref<1x1x2x40xi32, #tpu.memory_space<hbm>>
          %dma_wait3A_285 = tpu.memref_squeeze %dma_wait3A_284 : memref<1x1x2x40xi32, #tpu.memory_space<hbm>> -> memref<2x40xi32, #tpu.memory_space<hbm>>
          %dma_wait3A_286 = arith.constant 0 : i32
          %dma_wait3A_287 = arith.constant 0 : i32
          %dma_wait3A_288 = tpu.memref_slice %arg3[%add3A, %sub3A_210, %dma_wait3A_286, %dma_wait3A_287] : memref<32x250x2x40xi32, #tpu.memory_space<hbm>> -> memref<1x1x2x40xi32, #tpu.memory_space<hbm>>
          %dma_wait3A_289 = tpu.memref_squeeze %dma_wait3A_288 : memref<1x1x2x40xi32, #tpu.memory_space<hbm>> -> memref<2x40xi32, #tpu.memory_space<hbm>>
          tpu.wait_dma2 semaphore(%run_scoped3A_273 : memref<!tpu.dma_semaphore, #tpu.memory_space<semaphore_mem>>) src(%dma_wait3A_289 : memref<2x40xi32, #tpu.memory_space<hbm>>) dst(%arg12 : memref<2x40xi32, #tpu.memory_space<vmem>>)
          tpu.yield
        }) : () -> ()
        %dma_start3A_266 = arith.constant 0 : i32
        %dma_start3A_267 = arith.constant 0 : i32
        %dma_start3A_268 = tpu.memref_slice %arg12[%dma_start3A_266, %dma_start3A_267] : memref<2x40xi32, #tpu.memory_space<vmem>> -> memref<1x40xi32, #tpu.memory_space<vmem>>
        %dma_start3A_269 = tpu.memref_squeeze %dma_start3A_268 : memref<1x40xi32, #tpu.memory_space<vmem>> -> memref<40xi32, #tpu.memory_space<vmem>>
        %dma_start3A_270 = arith.constant 0 : i32
        %dma_start3A_271 = arith.constant 0 : i32
        %dma_start3A_272 = tpu.memref_slice %arg2[%dma_start3A_270, %dma_start3A_271] : memref<10000x128xf32, #tpu.memory_space<hbm>> -> memref<10000x128xf32, #tpu.memory_space<hbm>>
        tpu.enqueue_indirect_dma source(%dma_start3A_272 : memref<10000x128xf32, #tpu.memory_space<hbm>>) target(%arg17 : memref<40x128xf32, #tpu.memory_space<vmem>>) offsets(%dma_start3A_269 : memref<40xi32, #tpu.memory_space<vmem>>) semaphore(%arg23 : memref<!tpu.dma_semaphore, #tpu.memory_space<semaphore_mem>>)
      } else {
      }
      %mul3A_231 = arith.constant 5 : i32
      %mul3A_232 = arith.muli %mul3A_231, %scan3A_115 : i32
      %add3A_233 = arith.constant 4 : i32
      %add3A_234 = arith.addi %mul3A_232, %add3A_233 : i32
      %add3A_235 = arith.constant 5 : i32
      %add3A_236 = arith.addi %add3A_234, %add3A_235 : i32
      %sub3A_237 = arith.constant 1 : i32
      %sub3A_238 = arith.subi %add3A_236, %sub3A_237 : i32
      %dma_wait3A_239 = arith.constant 0 : i32
      %dma_wait3A_240 = arith.constant 0 : i32
      %dma_wait3A_241 = tpu.memref_slice %arg14[%dma_wait3A_239, %dma_wait3A_240] : memref<2x40xi32, #tpu.memory_space<vmem>> -> memref<1x40xi32, #tpu.memory_space<vmem>>
      %dma_wait3A_242 = tpu.memref_squeeze %dma_wait3A_241 : memref<1x40xi32, #tpu.memory_space<vmem>> -> memref<40xi32, #tpu.memory_space<vmem>>
      %dma_wait3A_243 = arith.constant 0 : i32
      %dma_wait3A_244 = arith.constant 0 : i32
      %dma_wait3A_245 = tpu.memref_slice %arg2[%dma_wait3A_243, %dma_wait3A_244] : memref<10000x128xf32, #tpu.memory_space<hbm>> -> memref<10000x128xf32, #tpu.memory_space<hbm>>
      tpu.wait_indirect_dma semaphore(%arg25 : memref<!tpu.dma_semaphore, #tpu.memory_space<semaphore_mem>>) src(%dma_wait3A_245 : memref<10000x128xf32, #tpu.memory_space<hbm>>) dst(%arg19 : memref<40x128xf32, #tpu.memory_space<vmem>>)
      %dma_start3A_246 = arith.constant 1 : i32
      %dma_start3A_247 = arith.constant 0 : i32
      %dma_start3A_248 = tpu.memref_slice %arg14[%dma_start3A_246, %dma_start3A_247] : memref<2x40xi32, #tpu.memory_space<vmem>> -> memref<1x40xi32, #tpu.memory_space<vmem>>
      %dma_start3A_249 = tpu.memref_squeeze %dma_start3A_248 : memref<1x40xi32, #tpu.memory_space<vmem>> -> memref<40xi32, #tpu.memory_space<vmem>>
      %dma_start3A_250 = arith.constant 0 : i32
      %dma_start3A_251 = arith.constant 0 : i32
      %dma_start3A_252 = tpu.memref_slice %arg8[%dma_start3A_250, %dma_start3A_251] : memref<10000x128xf32, #tpu.memory_space<vmem_shared>> -> memref<10000x128xf32, #tpu.memory_space<vmem_shared>>
      tpu.enqueue_indirect_dma source(%arg19 : memref<40x128xf32, #tpu.memory_space<vmem>>) target(%dma_start3A_252 : memref<10000x128xf32, #tpu.memory_space<vmem_shared>>) offsets(%dma_start3A_249 : memref<40xi32, #tpu.memory_space<vmem>>) semaphore(%arg30 : memref<!tpu.dma_semaphore, #tpu.memory_space<semaphore_mem>>) {add = true}
      %run_scoped3A_253 = arith.constant 1 : i32
      "tpu.region"() ({
        %run_scoped3A_259 = tpu.sem_alloc : memref<!tpu.dma_semaphore, #tpu.memory_space<semaphore_mem>>
        %dma_start3A_260 = arith.constant 0 : i32
        %dma_start3A_261 = tpu.memref_slice %arg14[%run_scoped3A_253, %dma_start3A_260] : memref<2x40xi32, #tpu.memory_space<vmem>> -> memref<1x40xi32, #tpu.memory_space<vmem>>
        %dma_start3A_262 = tpu.memref_squeeze %dma_start3A_261 : memref<1x40xi32, #tpu.memory_space<vmem>> -> memref<40xi32, #tpu.memory_space<vmem>>
        %dma_start3A_263 = arith.constant 0 : i32
        %dma_start3A_264 = tpu.memref_slice %arg9[%dma_start3A_263] : memref<10000xf32, #tpu.memory_space<vmem_shared>> -> memref<10000xf32, #tpu.memory_space<vmem_shared>>
        tpu.enqueue_indirect_dma source(%arg20 : memref<40xf32, #tpu.memory_space<vmem>>) target(%dma_start3A_264 : memref<10000xf32, #tpu.memory_space<vmem_shared>>) offsets(%dma_start3A_262 : memref<40xi32, #tpu.memory_space<vmem>>) semaphore(%run_scoped3A_259 : memref<!tpu.dma_semaphore, #tpu.memory_space<semaphore_mem>>) {add = true}
        %dma_wait3A_265 = arith.constant 0 : i32
        %dma_wait3A_266 = tpu.memref_slice %arg14[%run_scoped3A_253, %dma_wait3A_265] : memref<2x40xi32, #tpu.memory_space<vmem>> -> memref<1x40xi32, #tpu.memory_space<vmem>>
        %dma_wait3A_267 = tpu.memref_squeeze %dma_wait3A_266 : memref<1x40xi32, #tpu.memory_space<vmem>> -> memref<40xi32, #tpu.memory_space<vmem>>
        %dma_wait3A_268 = arith.constant 0 : i32
        %dma_wait3A_269 = tpu.memref_slice %arg9[%dma_wait3A_268] : memref<10000xf32, #tpu.memory_space<vmem_shared>> -> memref<10000xf32, #tpu.memory_space<vmem_shared>>
        tpu.wait_indirect_dma semaphore(%run_scoped3A_259 : memref<!tpu.dma_semaphore, #tpu.memory_space<semaphore_mem>>) src(%arg20 : memref<40xf32, #tpu.memory_space<vmem>>) dst(%dma_wait3A_269 : memref<10000xf32, #tpu.memory_space<vmem_shared>>)
        tpu.yield
      }) : () -> ()
      %lt3A_254 = arith.constant 250 : i32
      %lt3A_255 = arith.cmpi slt, %sub3A_238, %lt3A_254 : i32
      %convert_element_type3A_256 = arith.extui %lt3A_255 : i1 to i32
      %cond3A_257 = arith.constant 0 : i32
      %cond3A_258 = arith.cmpi ne, %convert_element_type3A_256, %cond3A_257 : i32
      scf.if %cond3A_258 {
        %dma_wait3A_259 = arith.constant 1 : i32
        %dma_wait3A_260 = arith.constant 0 : i32
        %dma_wait3A_261 = tpu.memref_slice %arg13[%dma_wait3A_259, %dma_wait3A_260] : memref<2x40xi32, #tpu.memory_space<vmem>> -> memref<1x40xi32, #tpu.memory_space<vmem>>
        %dma_wait3A_262 = tpu.memref_squeeze %dma_wait3A_261 : memref<1x40xi32, #tpu.memory_space<vmem>> -> memref<40xi32, #tpu.memory_space<vmem>>
        %dma_wait3A_263 = arith.constant 0 : i32
        %dma_wait3A_264 = arith.constant 0 : i32
        %dma_wait3A_265 = tpu.memref_slice %arg8[%dma_wait3A_263, %dma_wait3A_264] : memref<10000x128xf32, #tpu.memory_space<vmem_shared>> -> memref<10000x128xf32, #tpu.memory_space<vmem_shared>>
        tpu.wait_indirect_dma semaphore(%arg29 : memref<!tpu.dma_semaphore, #tpu.memory_space<semaphore_mem>>) src(%arg18 : memref<40x128xf32, #tpu.memory_space<vmem>>) dst(%dma_wait3A_265 : memref<10000x128xf32, #tpu.memory_space<vmem_shared>>)
        "tpu.region"() ({
          %run_scoped3A_273 = tpu.sem_alloc : memref<!tpu.dma_semaphore, #tpu.memory_space<semaphore_mem>>
          %dma_start3A_274 = arith.constant 0 : i32
          %dma_start3A_275 = arith.constant 0 : i32
          %dma_start3A_276 = tpu.memref_slice %arg3[%add3A, %sub3A_238, %dma_start3A_274, %dma_start3A_275] : memref<32x250x2x40xi32, #tpu.memory_space<hbm>> -> memref<1x1x2x40xi32, #tpu.memory_space<hbm>>
          %dma_start3A_277 = tpu.memref_squeeze %dma_start3A_276 : memref<1x1x2x40xi32, #tpu.memory_space<hbm>> -> memref<2x40xi32, #tpu.memory_space<hbm>>
          %dma_start3A_278 = arith.constant 0 : i32
          %dma_start3A_279 = arith.constant 0 : i32
          %dma_start3A_280 = tpu.memref_slice %arg3[%add3A, %sub3A_238, %dma_start3A_278, %dma_start3A_279] : memref<32x250x2x40xi32, #tpu.memory_space<hbm>> -> memref<1x1x2x40xi32, #tpu.memory_space<hbm>>
          %dma_start3A_281 = tpu.memref_squeeze %dma_start3A_280 : memref<1x1x2x40xi32, #tpu.memory_space<hbm>> -> memref<2x40xi32, #tpu.memory_space<hbm>>
          tpu.enqueue_dma source(%dma_start3A_281 : memref<2x40xi32, #tpu.memory_space<hbm>>) target(%arg13 : memref<2x40xi32, #tpu.memory_space<vmem>>) target_semaphore(%run_scoped3A_273 : memref<!tpu.dma_semaphore, #tpu.memory_space<semaphore_mem>>)
          %dma_wait3A_282 = arith.constant 0 : i32
          %dma_wait3A_283 = arith.constant 0 : i32
          %dma_wait3A_284 = tpu.memref_slice %arg3[%add3A, %sub3A_238, %dma_wait3A_282, %dma_wait3A_283] : memref<32x250x2x40xi32, #tpu.memory_space<hbm>> -> memref<1x1x2x40xi32, #tpu.memory_space<hbm>>
          %dma_wait3A_285 = tpu.memref_squeeze %dma_wait3A_284 : memref<1x1x2x40xi32, #tpu.memory_space<hbm>> -> memref<2x40xi32, #tpu.memory_space<hbm>>
          %dma_wait3A_286 = arith.constant 0 : i32
          %dma_wait3A_287 = arith.constant 0 : i32
          %dma_wait3A_288 = tpu.memref_slice %arg3[%add3A, %sub3A_238, %dma_wait3A_286, %dma_wait3A_287] : memref<32x250x2x40xi32, #tpu.memory_space<hbm>> -> memref<1x1x2x40xi32, #tpu.memory_space<hbm>>
          %dma_wait3A_289 = tpu.memref_squeeze %dma_wait3A_288 : memref<1x1x2x40xi32, #tpu.memory_space<hbm>> -> memref<2x40xi32, #tpu.memory_space<hbm>>
          tpu.wait_dma2 semaphore(%run_scoped3A_273 : memref<!tpu.dma_semaphore, #tpu.memory_space<semaphore_mem>>) src(%dma_wait3A_289 : memref<2x40xi32, #tpu.memory_space<hbm>>) dst(%arg13 : memref<2x40xi32, #tpu.memory_space<vmem>>)
          tpu.yield
        }) : () -> ()
        %dma_start3A_266 = arith.constant 0 : i32
        %dma_start3A_267 = arith.constant 0 : i32
        %dma_start3A_268 = tpu.memref_slice %arg13[%dma_start3A_266, %dma_start3A_267] : memref<2x40xi32, #tpu.memory_space<vmem>> -> memref<1x40xi32, #tpu.memory_space<vmem>>
        %dma_start3A_269 = tpu.memref_squeeze %dma_start3A_268 : memref<1x40xi32, #tpu.memory_space<vmem>> -> memref<40xi32, #tpu.memory_space<vmem>>
        %dma_start3A_270 = arith.constant 0 : i32
        %dma_start3A_271 = arith.constant 0 : i32
        %dma_start3A_272 = tpu.memref_slice %arg2[%dma_start3A_270, %dma_start3A_271] : memref<10000x128xf32, #tpu.memory_space<hbm>> -> memref<10000x128xf32, #tpu.memory_space<hbm>>
        tpu.enqueue_indirect_dma source(%dma_start3A_272 : memref<10000x128xf32, #tpu.memory_space<hbm>>) target(%arg18 : memref<40x128xf32, #tpu.memory_space<vmem>>) offsets(%dma_start3A_269 : memref<40xi32, #tpu.memory_space<vmem>>) semaphore(%arg24 : memref<!tpu.dma_semaphore, #tpu.memory_space<semaphore_mem>>)
      } else {
      }
    }
    %scan3A_64 = arith.constant 50 : i32
    %dma_wait3A = arith.constant 1 : i32
    %dma_wait3A_65 = arith.constant 0 : i32
    %dma_wait3A_66 = tpu.memref_slice %arg10[%dma_wait3A, %dma_wait3A_65] : memref<2x40xi32, #tpu.memory_space<vmem>> -> memref<1x40xi32, #tpu.memory_space<vmem>>
    %dma_wait3A_67 = tpu.memref_squeeze %dma_wait3A_66 : memref<1x40xi32, #tpu.memory_space<vmem>> -> memref<40xi32, #tpu.memory_space<vmem>>
    %dma_wait3A_68 = arith.constant 0 : i32
    %dma_wait3A_69 = arith.constant 0 : i32
    %dma_wait3A_70 = tpu.memref_slice %arg8[%dma_wait3A_68, %dma_wait3A_69] : memref<10000x128xf32, #tpu.memory_space<vmem_shared>> -> memref<10000x128xf32, #tpu.memory_space<vmem_shared>>
    tpu.wait_indirect_dma semaphore(%arg26 : memref<!tpu.dma_semaphore, #tpu.memory_space<semaphore_mem>>) src(%arg15 : memref<40x128xf32, #tpu.memory_space<vmem>>) dst(%dma_wait3A_70 : memref<10000x128xf32, #tpu.memory_space<vmem_shared>>)
    %dma_wait3A_71 = arith.constant 1 : i32
    %dma_wait3A_72 = arith.constant 0 : i32
    %dma_wait3A_73 = tpu.memref_slice %arg11[%dma_wait3A_71, %dma_wait3A_72] : memref<2x40xi32, #tpu.memory_space<vmem>> -> memref<1x40xi32, #tpu.memory_space<vmem>>
    %dma_wait3A_74 = tpu.memref_squeeze %dma_wait3A_73 : memref<1x40xi32, #tpu.memory_space<vmem>> -> memref<40xi32, #tpu.memory_space<vmem>>
    %dma_wait3A_75 = arith.constant 0 : i32
    %dma_wait3A_76 = arith.constant 0 : i32
    %dma_wait3A_77 = tpu.memref_slice %arg8[%dma_wait3A_75, %dma_wait3A_76] : memref<10000x128xf32, #tpu.memory_space<vmem_shared>> -> memref<10000x128xf32, #tpu.memory_space<vmem_shared>>
    tpu.wait_indirect_dma semaphore(%arg27 : memref<!tpu.dma_semaphore, #tpu.memory_space<semaphore_mem>>) src(%arg16 : memref<40x128xf32, #tpu.memory_space<vmem>>) dst(%dma_wait3A_77 : memref<10000x128xf32, #tpu.memory_space<vmem_shared>>)
    %dma_wait3A_78 = arith.constant 1 : i32
    %dma_wait3A_79 = arith.constant 0 : i32
    %dma_wait3A_80 = tpu.memref_slice %arg12[%dma_wait3A_78, %dma_wait3A_79] : memref<2x40xi32, #tpu.memory_space<vmem>> -> memref<1x40xi32, #tpu.memory_space<vmem>>
    %dma_wait3A_81 = tpu.memref_squeeze %dma_wait3A_80 : memref<1x40xi32, #tpu.memory_space<vmem>> -> memref<40xi32, #tpu.memory_space<vmem>>
    %dma_wait3A_82 = arith.constant 0 : i32
    %dma_wait3A_83 = arith.constant 0 : i32
    %dma_wait3A_84 = tpu.memref_slice %arg8[%dma_wait3A_82, %dma_wait3A_83] : memref<10000x128xf32, #tpu.memory_space<vmem_shared>> -> memref<10000x128xf32, #tpu.memory_space<vmem_shared>>
    tpu.wait_indirect_dma semaphore(%arg28 : memref<!tpu.dma_semaphore, #tpu.memory_space<semaphore_mem>>) src(%arg17 : memref<40x128xf32, #tpu.memory_space<vmem>>) dst(%dma_wait3A_84 : memref<10000x128xf32, #tpu.memory_space<vmem_shared>>)
    %dma_wait3A_85 = arith.constant 1 : i32
    %dma_wait3A_86 = arith.constant 0 : i32
    %dma_wait3A_87 = tpu.memref_slice %arg13[%dma_wait3A_85, %dma_wait3A_86] : memref<2x40xi32, #tpu.memory_space<vmem>> -> memref<1x40xi32, #tpu.memory_space<vmem>>
    %dma_wait3A_88 = tpu.memref_squeeze %dma_wait3A_87 : memref<1x40xi32, #tpu.memory_space<vmem>> -> memref<40xi32, #tpu.memory_space<vmem>>
    %dma_wait3A_89 = arith.constant 0 : i32
    %dma_wait3A_90 = arith.constant 0 : i32
    %dma_wait3A_91 = tpu.memref_slice %arg8[%dma_wait3A_89, %dma_wait3A_90] : memref<10000x128xf32, #tpu.memory_space<vmem_shared>> -> memref<10000x128xf32, #tpu.memory_space<vmem_shared>>
    tpu.wait_indirect_dma semaphore(%arg29 : memref<!tpu.dma_semaphore, #tpu.memory_space<semaphore_mem>>) src(%arg18 : memref<40x128xf32, #tpu.memory_space<vmem>>) dst(%dma_wait3A_91 : memref<10000x128xf32, #tpu.memory_space<vmem_shared>>)
    %dma_wait3A_92 = arith.constant 1 : i32
    %dma_wait3A_93 = arith.constant 0 : i32
    %dma_wait3A_94 = tpu.memref_slice %arg14[%dma_wait3A_92, %dma_wait3A_93] : memref<2x40xi32, #tpu.memory_space<vmem>> -> memref<1x40xi32, #tpu.memory_space<vmem>>
    %dma_wait3A_95 = tpu.memref_squeeze %dma_wait3A_94 : memref<1x40xi32, #tpu.memory_space<vmem>> -> memref<40xi32, #tpu.memory_space<vmem>>
    %dma_wait3A_96 = arith.constant 0 : i32
    %dma_wait3A_97 = arith.constant 0 : i32
    %dma_wait3A_98 = tpu.memref_slice %arg8[%dma_wait3A_96, %dma_wait3A_97] : memref<10000x128xf32, #tpu.memory_space<vmem_shared>> -> memref<10000x128xf32, #tpu.memory_space<vmem_shared>>
    tpu.wait_indirect_dma semaphore(%arg30 : memref<!tpu.dma_semaphore, #tpu.memory_space<semaphore_mem>>) src(%arg19 : memref<40x128xf32, #tpu.memory_space<vmem>>) dst(%dma_wait3A_98 : memref<10000x128xf32, #tpu.memory_space<vmem_shared>>)
    %barrier3A_99 = arith.constant 0 : index
    tpu.barrier barrier_id(%barrier3A_99)
    %lt3A_100 = arith.constant 15 : i32
    %lt3A_101 = arith.cmpi slt, %arg1, %lt3A_100 : i32
    %convert_element_type3A_102 = arith.extui %lt3A_101 : i1 to i32
    %cond3A_103 = arith.constant 0 : i32
    %cond3A_104 = arith.cmpi ne, %convert_element_type3A_102, %cond3A_103 : i32
    scf.if %cond3A_104 {
      "tpu.region"() ({
        %run_scoped3A_115 = tpu.sem_alloc : memref<!tpu.dma_semaphore, #tpu.memory_space<semaphore_mem>>
        %dma_start3A_116 = arith.constant 0 : i32
        %dma_start3A_117 = tpu.memref_slice %arg6[%arg0, %mul3A_18, %dma_start3A_116] : memref<2x10000x128xf32, #tpu.memory_space<hbm>> -> memref<1x640x128xf32, #tpu.memory_space<hbm>>
        %dma_start3A_118 = tpu.memref_squeeze %dma_start3A_117 : memref<1x640x128xf32, #tpu.memory_space<hbm>> -> memref<640x128xf32, #tpu.memory_space<hbm>>
        %dma_start3A_119 = arith.constant 0 : i32
        %dma_start3A_120 = tpu.memref_slice %arg8[%mul3A_18, %dma_start3A_119] : memref<10000x128xf32, #tpu.memory_space<vmem_shared>> -> memref<640x128xf32, #tpu.memory_space<vmem_shared>>
        tpu.enqueue_dma source(%dma_start3A_120 : memref<640x128xf32, #tpu.memory_space<vmem_shared>>) target(%dma_start3A_118 : memref<640x128xf32, #tpu.memory_space<hbm>>) target_semaphore(%run_scoped3A_115 : memref<!tpu.dma_semaphore, #tpu.memory_space<semaphore_mem>>)
        %dma_wait3A_121 = arith.constant 0 : i32
        %dma_wait3A_122 = tpu.memref_slice %arg6[%arg0, %mul3A_18, %dma_wait3A_121] : memref<2x10000x128xf32, #tpu.memory_space<hbm>> -> memref<1x640x128xf32, #tpu.memory_space<hbm>>
        %dma_wait3A_123 = tpu.memref_squeeze %dma_wait3A_122 : memref<1x640x128xf32, #tpu.memory_space<hbm>> -> memref<640x128xf32, #tpu.memory_space<hbm>>
        %dma_wait3A_124 = arith.constant 0 : i32
        %dma_wait3A_125 = tpu.memref_slice %arg8[%mul3A_18, %dma_wait3A_124] : memref<10000x128xf32, #tpu.memory_space<vmem_shared>> -> memref<640x128xf32, #tpu.memory_space<vmem_shared>>
        tpu.wait_dma2 semaphore(%run_scoped3A_115 : memref<!tpu.dma_semaphore, #tpu.memory_space<semaphore_mem>>) src(%dma_wait3A_125 : memref<640x128xf32, #tpu.memory_space<vmem_shared>>) dst(%dma_wait3A_123 : memref<640x128xf32, #tpu.memory_space<hbm>>)
        tpu.yield
      }) : () -> ()
    } else {
    }
    %eq3A_105 = arith.constant 15 : i32
    %eq3A_106 = arith.cmpi eq, %arg1, %eq3A_105 : i32
    %convert_element_type3A_107 = arith.extui %eq3A_106 : i1 to i32
    %cond3A_108 = arith.constant 0 : i32
    %cond3A_109 = arith.cmpi ne, %convert_element_type3A_107, %cond3A_108 : i32
    scf.if %cond3A_109 {
      "tpu.region"() ({
        %run_scoped3A_115 = tpu.sem_alloc : memref<!tpu.dma_semaphore, #tpu.memory_space<semaphore_mem>>
        %dma_start3A_116 = arith.constant 0 : i32
        %dma_start3A_117 = tpu.memref_slice %arg6[%arg0, %mul3A_18, %dma_start3A_116] : memref<2x10000x128xf32, #tpu.memory_space<hbm>> -> memref<1x400x128xf32, #tpu.memory_space<hbm>>
        %dma_start3A_118 = tpu.memref_squeeze %dma_start3A_117 : memref<1x400x128xf32, #tpu.memory_space<hbm>> -> memref<400x128xf32, #tpu.memory_space<hbm>>
        %dma_start3A_119 = arith.constant 0 : i32
        %dma_start3A_120 = tpu.memref_slice %arg8[%mul3A_18, %dma_start3A_119] : memref<10000x128xf32, #tpu.memory_space<vmem_shared>> -> memref<400x128xf32, #tpu.memory_space<vmem_shared>>
        tpu.enqueue_dma source(%dma_start3A_120 : memref<400x128xf32, #tpu.memory_space<vmem_shared>>) target(%dma_start3A_118 : memref<400x128xf32, #tpu.memory_space<hbm>>) target_semaphore(%run_scoped3A_115 : memref<!tpu.dma_semaphore, #tpu.memory_space<semaphore_mem>>)
        %dma_wait3A_121 = arith.constant 0 : i32
        %dma_wait3A_122 = tpu.memref_slice %arg6[%arg0, %mul3A_18, %dma_wait3A_121] : memref<2x10000x128xf32, #tpu.memory_space<hbm>> -> memref<1x400x128xf32, #tpu.memory_space<hbm>>
        %dma_wait3A_123 = tpu.memref_squeeze %dma_wait3A_122 : memref<1x400x128xf32, #tpu.memory_space<hbm>> -> memref<400x128xf32, #tpu.memory_space<hbm>>
        %dma_wait3A_124 = arith.constant 0 : i32
        %dma_wait3A_125 = tpu.memref_slice %arg8[%mul3A_18, %dma_wait3A_124] : memref<10000x128xf32, #tpu.memory_space<vmem_shared>> -> memref<400x128xf32, #tpu.memory_space<vmem_shared>>
        tpu.wait_dma2 semaphore(%run_scoped3A_115 : memref<!tpu.dma_semaphore, #tpu.memory_space<semaphore_mem>>) src(%dma_wait3A_125 : memref<400x128xf32, #tpu.memory_space<vmem_shared>>) dst(%dma_wait3A_123 : memref<400x128xf32, #tpu.memory_space<hbm>>)
        tpu.yield
      }) : () -> ()
    } else {
    }
    %eq3A_110 = arith.constant 0 : i32
    %eq3A_111 = arith.cmpi eq, %arg1, %eq3A_110 : i32
    %convert_element_type3A_112 = arith.extui %eq3A_111 : i1 to i32
    %cond3A_113 = arith.constant 0 : i32
    %cond3A_114 = arith.cmpi ne, %convert_element_type3A_112, %cond3A_113 : i32
    scf.if %cond3A_114 {
      "tpu.region"() ({
        %run_scoped3A_115 = tpu.sem_alloc : memref<!tpu.dma_semaphore, #tpu.memory_space<semaphore_mem>>
        %dma_start3A_116 = arith.constant 0 : i32
        %dma_start3A_117 = tpu.memref_slice %arg7[%arg0, %dma_start3A_116] : memref<2x10000xf32, #tpu.memory_space<hbm>> -> memref<1x10000xf32, #tpu.memory_space<hbm>>
        %dma_start3A_118 = tpu.memref_squeeze %dma_start3A_117 : memref<1x10000xf32, #tpu.memory_space<hbm>> -> memref<10000xf32, #tpu.memory_space<hbm>>
        tpu.enqueue_dma source(%arg9 : memref<10000xf32, #tpu.memory_space<vmem_shared>>) target(%dma_start3A_118 : memref<10000xf32, #tpu.memory_space<hbm>>) target_semaphore(%run_scoped3A_115 : memref<!tpu.dma_semaphore, #tpu.memory_space<semaphore_mem>>)
        %dma_wait3A_119 = arith.constant 0 : i32
        %dma_wait3A_120 = tpu.memref_slice %arg7[%arg0, %dma_wait3A_119] : memref<2x10000xf32, #tpu.memory_space<hbm>> -> memref<1x10000xf32, #tpu.memory_space<hbm>>
        %dma_wait3A_121 = tpu.memref_squeeze %dma_wait3A_120 : memref<1x10000xf32, #tpu.memory_space<hbm>> -> memref<10000xf32, #tpu.memory_space<hbm>>
        tpu.wait_dma2 semaphore(%run_scoped3A_115 : memref<!tpu.dma_semaphore, #tpu.memory_space<semaphore_mem>>) src(%arg9 : memref<10000xf32, #tpu.memory_space<vmem_shared>>) dst(%dma_wait3A_121 : memref<10000xf32, #tpu.memory_space<hbm>>)
        tpu.yield
      }) : () -> ()
    } else {
    }
    return
  }
}

#map = affine_map<(d0, d1) -> (0, 0)>
#map1 = affine_map<(d0, d1) -> (0, 0, 0, 0)>
#map2 = affine_map<(d0, d1) -> (0)>
#map3 = affine_map<(d0, d1) -> (0, 0, 0)>
module attributes {stable_mosaic.version = 14 : i64} {
  func.func @_segsum_body(%arg0: i32, %arg1: i32, %arg2: memref<10000x128xf32, #tpu.memory_space<hbm>>, %arg3: memref<32x250x2x40xi32, #tpu.memory_space<hbm>>, %arg4: memref<10000x128xf32, #tpu.memory_space<hbm>>, %arg5: memref<10000xf32, #tpu.memory_space<hbm>>, %arg6: memref<2x10000x128xf32, #tpu.memory_space<hbm>>, %arg7: memref<2x10000xf32, #tpu.memory_space<hbm>>, %arg8: memref<10000x128xf32, #tpu.memory_space<vmem_shared>>, %arg9: memref<10000xf32, #tpu.memory_space<vmem_shared>>, %arg10: memref<2x40xi32, #tpu.memory_space<vmem>>, %arg11: memref<2x40xi32, #tpu.memory_space<vmem>>, %arg12: memref<2x40xi32, #tpu.memory_space<vmem>>, %arg13: memref<2x40xi32, #tpu.memory_space<vmem>>, %arg14: memref<2x40xi32, #tpu.memory_space<vmem>>, %arg15: memref<40x128xf32, #tpu.memory_space<vmem>>, %arg16: memref<40x128xf32, #tpu.memory_space<vmem>>, %arg17: memref<40x128xf32, #tpu.memory_space<vmem>>, %arg18: memref<40x128xf32, #tpu.memory_space<vmem>>, %arg19: memref<40x128xf32, #tpu.memory_space<vmem>>, %arg20: memref<40xf32, #tpu.memory_space<vmem>>, %arg21: memref<!tpu.dma_semaphore, #tpu.memory_space<semaphore_mem>>, %arg22: memref<!tpu.dma_semaphore, #tpu.memory_space<semaphore_mem>>, %arg23: memref<!tpu.dma_semaphore, #tpu.memory_space<semaphore_mem>>, %arg24: memref<!tpu.dma_semaphore, #tpu.memory_space<semaphore_mem>>, %arg25: memref<!tpu.dma_semaphore, #tpu.memory_space<semaphore_mem>>, %arg26: memref<!tpu.dma_semaphore, #tpu.memory_space<semaphore_mem>>, %arg27: memref<!tpu.dma_semaphore, #tpu.memory_space<semaphore_mem>>, %arg28: memref<!tpu.dma_semaphore, #tpu.memory_space<semaphore_mem>>, %arg29: memref<!tpu.dma_semaphore, #tpu.memory_space<semaphore_mem>>, %arg30: memref<!tpu.dma_semaphore, #tpu.memory_space<semaphore_mem>>) attributes {dimension_semantics = [#tpu.dimension_semantics<core_parallel>, #tpu.dimension_semantics<subcore_parallel>], iteration_bounds = array<i64: 2, 16>, scalar_prefetch = 0 : i64, scratch_operands = 23 : i64, tpu.core_type = #tpu.core_type<sc_vector_subcore>, window_params = [{transform_indices = #map}, {transform_indices = #map1}, {transform_indices = #map}, {transform_indices = #map2}, {transform_indices = #map3}, {transform_indices = #map}]} {
    %mul3A = arith.constant 16 : i32
    %mul3A_0 = arith.muli %arg0, %mul3A : i32
    %add3A = arith.addi %mul3A_0, %arg1 : i32
    %mul3A_1 = arith.constant 640 : i32
    %mul3A_2 = arith.muli %arg1, %mul3A_1 : i32
    %lt3A = arith.constant 15 : i32
    %lt3A_3 = arith.cmpi slt, %arg1, %lt3A : i32
    %convert_element_type3A = arith.extui %lt3A_3 : i1 to i32
    %cond3A = arith.constant 0 : i32
    %cond3A_4 = arith.cmpi ne, %convert_element_type3A, %cond3A : i32
    scf.if %cond3A_4 {
      "tpu.region"() ({
        %run_scoped3A_89 = tpu.sem_alloc : memref<!tpu.dma_semaphore, #tpu.memory_space<semaphore_mem>>
        %dma_start3A_90 = arith.constant 0 : i32
        %dma_start3A_91 = tpu.memref_slice %arg8[%mul3A_2, %dma_start3A_90] : memref<10000x128xf32, #tpu.memory_space<vmem_shared>> -> memref<640x128xf32, #tpu.memory_space<vmem_shared>>
        %dma_start3A_92 = arith.constant 0 : i32
        %dma_start3A_93 = tpu.memref_slice %arg4[%mul3A_2, %dma_start3A_92] : memref<10000x128xf32, #tpu.memory_space<hbm>> -> memref<640x128xf32, #tpu.memory_space<hbm>>
        tpu.enqueue_dma source(%dma_start3A_93 : memref<640x128xf32, #tpu.memory_space<hbm>>) target(%dma_start3A_91 : memref<640x128xf32, #tpu.memory_space<vmem_shared>>) target_semaphore(%run_scoped3A_89 : memref<!tpu.dma_semaphore, #tpu.memory_space<semaphore_mem>>)
        %dma_wait3A_94 = arith.constant 0 : i32
        %dma_wait3A_95 = tpu.memref_slice %arg8[%mul3A_2, %dma_wait3A_94] : memref<10000x128xf32, #tpu.memory_space<vmem_shared>> -> memref<640x128xf32, #tpu.memory_space<vmem_shared>>
        %dma_wait3A_96 = arith.constant 0 : i32
        %dma_wait3A_97 = tpu.memref_slice %arg4[%mul3A_2, %dma_wait3A_96] : memref<10000x128xf32, #tpu.memory_space<hbm>> -> memref<640x128xf32, #tpu.memory_space<hbm>>
        tpu.wait_dma2 semaphore(%run_scoped3A_89 : memref<!tpu.dma_semaphore, #tpu.memory_space<semaphore_mem>>) src(%dma_wait3A_97 : memref<640x128xf32, #tpu.memory_space<hbm>>) dst(%dma_wait3A_95 : memref<640x128xf32, #tpu.memory_space<vmem_shared>>)
        tpu.yield
      }) : () -> ()
    } else {
    }
    %eq3A = arith.constant 15 : i32
    %eq3A_5 = arith.cmpi eq, %arg1, %eq3A : i32
    %convert_element_type3A_6 = arith.extui %eq3A_5 : i1 to i32
    %cond3A_7 = arith.constant 0 : i32
    %cond3A_8 = arith.cmpi ne, %convert_element_type3A_6, %cond3A_7 : i32
    scf.if %cond3A_8 {
      "tpu.region"() ({
        %run_scoped3A_89 = tpu.sem_alloc : memref<!tpu.dma_semaphore, #tpu.memory_space<semaphore_mem>>
        %dma_start3A_90 = arith.constant 0 : i32
        %dma_start3A_91 = tpu.memref_slice %arg8[%mul3A_2, %dma_start3A_90] : memref<10000x128xf32, #tpu.memory_space<vmem_shared>> -> memref<400x128xf32, #tpu.memory_space<vmem_shared>>
        %dma_start3A_92 = arith.constant 0 : i32
        %dma_start3A_93 = tpu.memref_slice %arg4[%mul3A_2, %dma_start3A_92] : memref<10000x128xf32, #tpu.memory_space<hbm>> -> memref<400x128xf32, #tpu.memory_space<hbm>>
        tpu.enqueue_dma source(%dma_start3A_93 : memref<400x128xf32, #tpu.memory_space<hbm>>) target(%dma_start3A_91 : memref<400x128xf32, #tpu.memory_space<vmem_shared>>) target_semaphore(%run_scoped3A_89 : memref<!tpu.dma_semaphore, #tpu.memory_space<semaphore_mem>>)
        %dma_wait3A_94 = arith.constant 0 : i32
        %dma_wait3A_95 = tpu.memref_slice %arg8[%mul3A_2, %dma_wait3A_94] : memref<10000x128xf32, #tpu.memory_space<vmem_shared>> -> memref<400x128xf32, #tpu.memory_space<vmem_shared>>
        %dma_wait3A_96 = arith.constant 0 : i32
        %dma_wait3A_97 = tpu.memref_slice %arg4[%mul3A_2, %dma_wait3A_96] : memref<10000x128xf32, #tpu.memory_space<hbm>> -> memref<400x128xf32, #tpu.memory_space<hbm>>
        tpu.wait_dma2 semaphore(%run_scoped3A_89 : memref<!tpu.dma_semaphore, #tpu.memory_space<semaphore_mem>>) src(%dma_wait3A_97 : memref<400x128xf32, #tpu.memory_space<hbm>>) dst(%dma_wait3A_95 : memref<400x128xf32, #tpu.memory_space<vmem_shared>>)
        tpu.yield
      }) : () -> ()
    } else {
    }
    %barrier3A = arith.constant 0 : index
    tpu.barrier barrier_id(%barrier3A)
    %run_scoped3A = arith.constant 0 : i32
    "tpu.region"() ({
      %run_scoped3A_89 = tpu.sem_alloc : memref<!tpu.dma_semaphore, #tpu.memory_space<semaphore_mem>>
      %dma_start3A_90 = arith.constant 0 : i32
      %dma_start3A_91 = arith.constant 0 : i32
      %dma_start3A_92 = tpu.memref_slice %arg3[%add3A, %run_scoped3A, %dma_start3A_90, %dma_start3A_91] : memref<32x250x2x40xi32, #tpu.memory_space<hbm>> -> memref<1x1x2x40xi32, #tpu.memory_space<hbm>>
      %dma_start3A_93 = tpu.memref_squeeze %dma_start3A_92 : memref<1x1x2x40xi32, #tpu.memory_space<hbm>> -> memref<2x40xi32, #tpu.memory_space<hbm>>
      %dma_start3A_94 = arith.constant 0 : i32
      %dma_start3A_95 = arith.constant 0 : i32
      %dma_start3A_96 = tpu.memref_slice %arg3[%add3A, %run_scoped3A, %dma_start3A_94, %dma_start3A_95] : memref<32x250x2x40xi32, #tpu.memory_space<hbm>> -> memref<1x1x2x40xi32, #tpu.memory_space<hbm>>
      %dma_start3A_97 = tpu.memref_squeeze %dma_start3A_96 : memref<1x1x2x40xi32, #tpu.memory_space<hbm>> -> memref<2x40xi32, #tpu.memory_space<hbm>>
      tpu.enqueue_dma source(%dma_start3A_97 : memref<2x40xi32, #tpu.memory_space<hbm>>) target(%arg10 : memref<2x40xi32, #tpu.memory_space<vmem>>) target_semaphore(%run_scoped3A_89 : memref<!tpu.dma_semaphore, #tpu.memory_space<semaphore_mem>>)
      %dma_wait3A_98 = arith.constant 0 : i32
      %dma_wait3A_99 = arith.constant 0 : i32
      %dma_wait3A_100 = tpu.memref_slice %arg3[%add3A, %run_scoped3A, %dma_wait3A_98, %dma_wait3A_99] : memref<32x250x2x40xi32, #tpu.memory_space<hbm>> -> memref<1x1x2x40xi32, #tpu.memory_space<hbm>>
      %dma_wait3A_101 = tpu.memref_squeeze %dma_wait3A_100 : memref<1x1x2x40xi32, #tpu.memory_space<hbm>> -> memref<2x40xi32, #tpu.memory_space<hbm>>
      %dma_wait3A_102 = arith.constant 0 : i32
      %dma_wait3A_103 = arith.constant 0 : i32
      %dma_wait3A_104 = tpu.memref_slice %arg3[%add3A, %run_scoped3A, %dma_wait3A_102, %dma_wait3A_103] : memref<32x250x2x40xi32, #tpu.memory_space<hbm>> -> memref<1x1x2x40xi32, #tpu.memory_space<hbm>>
      %dma_wait3A_105 = tpu.memref_squeeze %dma_wait3A_104 : memref<1x1x2x40xi32, #tpu.memory_space<hbm>> -> memref<2x40xi32, #tpu.memory_space<hbm>>
      tpu.wait_dma2 semaphore(%run_scoped3A_89 : memref<!tpu.dma_semaphore, #tpu.memory_space<semaphore_mem>>) src(%dma_wait3A_105 : memref<2x40xi32, #tpu.memory_space<hbm>>) dst(%arg10 : memref<2x40xi32, #tpu.memory_space<vmem>>)
      tpu.yield
    }) : () -> ()
    %dma_start3A = arith.constant 0 : i32
    %dma_start3A_9 = arith.constant 0 : i32
    %dma_start3A_10 = tpu.memref_slice %arg10[%dma_start3A, %dma_start3A_9] : memref<2x40xi32, #tpu.memory_space<vmem>> -> memref<1x40xi32, #tpu.memory_space<vmem>>
    %dma_start3A_11 = tpu.memref_squeeze %dma_start3A_10 : memref<1x40xi32, #tpu.memory_space<vmem>> -> memref<40xi32, #tpu.memory_space<vmem>>
    %dma_start3A_12 = arith.constant 0 : i32
    %dma_start3A_13 = arith.constant 0 : i32
    %dma_start3A_14 = tpu.memref_slice %arg2[%dma_start3A_12, %dma_start3A_13] : memref<10000x128xf32, #tpu.memory_space<hbm>> -> memref<10000x128xf32, #tpu.memory_space<hbm>>
    tpu.enqueue_indirect_dma source(%dma_start3A_14 : memref<10000x128xf32, #tpu.memory_space<hbm>>) target(%arg15 : memref<40x128xf32, #tpu.memory_space<vmem>>) offsets(%dma_start3A_11 : memref<40xi32, #tpu.memory_space<vmem>>) semaphore(%arg21 : memref<!tpu.dma_semaphore, #tpu.memory_space<semaphore_mem>>)
    %run_scoped3A_15 = arith.constant 1 : i32
    "tpu.region"() ({
      %run_scoped3A_89 = tpu.sem_alloc : memref<!tpu.dma_semaphore, #tpu.memory_space<semaphore_mem>>
      %dma_start3A_90 = arith.constant 0 : i32
      %dma_start3A_91 = arith.constant 0 : i32
      %dma_start3A_92 = tpu.memref_slice %arg3[%add3A, %run_scoped3A_15, %dma_start3A_90, %dma_start3A_91] : memref<32x250x2x40xi32, #tpu.memory_space<hbm>> -> memref<1x1x2x40xi32, #tpu.memory_space<hbm>>
      %dma_start3A_93 = tpu.memref_squeeze %dma_start3A_92 : memref<1x1x2x40xi32, #tpu.memory_space<hbm>> -> memref<2x40xi32, #tpu.memory_space<hbm>>
      %dma_start3A_94 = arith.constant 0 : i32
      %dma_start3A_95 = arith.constant 0 : i32
      %dma_start3A_96 = tpu.memref_slice %arg3[%add3A, %run_scoped3A_15, %dma_start3A_94, %dma_start3A_95] : memref<32x250x2x40xi32, #tpu.memory_space<hbm>> -> memref<1x1x2x40xi32, #tpu.memory_space<hbm>>
      %dma_start3A_97 = tpu.memref_squeeze %dma_start3A_96 : memref<1x1x2x40xi32, #tpu.memory_space<hbm>> -> memref<2x40xi32, #tpu.memory_space<hbm>>
      tpu.enqueue_dma source(%dma_start3A_97 : memref<2x40xi32, #tpu.memory_space<hbm>>) target(%arg11 : memref<2x40xi32, #tpu.memory_space<vmem>>) target_semaphore(%run_scoped3A_89 : memref<!tpu.dma_semaphore, #tpu.memory_space<semaphore_mem>>)
      %dma_wait3A_98 = arith.constant 0 : i32
      %dma_wait3A_99 = arith.constant 0 : i32
      %dma_wait3A_100 = tpu.memref_slice %arg3[%add3A, %run_scoped3A_15, %dma_wait3A_98, %dma_wait3A_99] : memref<32x250x2x40xi32, #tpu.memory_space<hbm>> -> memref<1x1x2x40xi32, #tpu.memory_space<hbm>>
      %dma_wait3A_101 = tpu.memref_squeeze %dma_wait3A_100 : memref<1x1x2x40xi32, #tpu.memory_space<hbm>> -> memref<2x40xi32, #tpu.memory_space<hbm>>
      %dma_wait3A_102 = arith.constant 0 : i32
      %dma_wait3A_103 = arith.constant 0 : i32
      %dma_wait3A_104 = tpu.memref_slice %arg3[%add3A, %run_scoped3A_15, %dma_wait3A_102, %dma_wait3A_103] : memref<32x250x2x40xi32, #tpu.memory_space<hbm>> -> memref<1x1x2x40xi32, #tpu.memory_space<hbm>>
      %dma_wait3A_105 = tpu.memref_squeeze %dma_wait3A_104 : memref<1x1x2x40xi32, #tpu.memory_space<hbm>> -> memref<2x40xi32, #tpu.memory_space<hbm>>
      tpu.wait_dma2 semaphore(%run_scoped3A_89 : memref<!tpu.dma_semaphore, #tpu.memory_space<semaphore_mem>>) src(%dma_wait3A_105 : memref<2x40xi32, #tpu.memory_space<hbm>>) dst(%arg11 : memref<2x40xi32, #tpu.memory_space<vmem>>)
      tpu.yield
    }) : () -> ()
    %dma_start3A_16 = arith.constant 0 : i32
    %dma_start3A_17 = arith.constant 0 : i32
    %dma_start3A_18 = tpu.memref_slice %arg11[%dma_start3A_16, %dma_start3A_17] : memref<2x40xi32, #tpu.memory_space<vmem>> -> memref<1x40xi32, #tpu.memory_space<vmem>>
    %dma_start3A_19 = tpu.memref_squeeze %dma_start3A_18 : memref<1x40xi32, #tpu.memory_space<vmem>> -> memref<40xi32, #tpu.memory_space<vmem>>
    %dma_start3A_20 = arith.constant 0 : i32
    %dma_start3A_21 = arith.constant 0 : i32
    %dma_start3A_22 = tpu.memref_slice %arg2[%dma_start3A_20, %dma_start3A_21] : memref<10000x128xf32, #tpu.memory_space<hbm>> -> memref<10000x128xf32, #tpu.memory_space<hbm>>
    tpu.enqueue_indirect_dma source(%dma_start3A_22 : memref<10000x128xf32, #tpu.memory_space<hbm>>) target(%arg16 : memref<40x128xf32, #tpu.memory_space<vmem>>) offsets(%dma_start3A_19 : memref<40xi32, #tpu.memory_space<vmem>>) semaphore(%arg22 : memref<!tpu.dma_semaphore, #tpu.memory_space<semaphore_mem>>)
    %run_scoped3A_23 = arith.constant 2 : i32
    "tpu.region"() ({
      %run_scoped3A_89 = tpu.sem_alloc : memref<!tpu.dma_semaphore, #tpu.memory_space<semaphore_mem>>
      %dma_start3A_90 = arith.constant 0 : i32
      %dma_start3A_91 = arith.constant 0 : i32
      %dma_start3A_92 = tpu.memref_slice %arg3[%add3A, %run_scoped3A_23, %dma_start3A_90, %dma_start3A_91] : memref<32x250x2x40xi32, #tpu.memory_space<hbm>> -> memref<1x1x2x40xi32, #tpu.memory_space<hbm>>
      %dma_start3A_93 = tpu.memref_squeeze %dma_start3A_92 : memref<1x1x2x40xi32, #tpu.memory_space<hbm>> -> memref<2x40xi32, #tpu.memory_space<hbm>>
      %dma_start3A_94 = arith.constant 0 : i32
      %dma_start3A_95 = arith.constant 0 : i32
      %dma_start3A_96 = tpu.memref_slice %arg3[%add3A, %run_scoped3A_23, %dma_start3A_94, %dma_start3A_95] : memref<32x250x2x40xi32, #tpu.memory_space<hbm>> -> memref<1x1x2x40xi32, #tpu.memory_space<hbm>>
      %dma_start3A_97 = tpu.memref_squeeze %dma_start3A_96 : memref<1x1x2x40xi32, #tpu.memory_space<hbm>> -> memref<2x40xi32, #tpu.memory_space<hbm>>
      tpu.enqueue_dma source(%dma_start3A_97 : memref<2x40xi32, #tpu.memory_space<hbm>>) target(%arg12 : memref<2x40xi32, #tpu.memory_space<vmem>>) target_semaphore(%run_scoped3A_89 : memref<!tpu.dma_semaphore, #tpu.memory_space<semaphore_mem>>)
      %dma_wait3A_98 = arith.constant 0 : i32
      %dma_wait3A_99 = arith.constant 0 : i32
      %dma_wait3A_100 = tpu.memref_slice %arg3[%add3A, %run_scoped3A_23, %dma_wait3A_98, %dma_wait3A_99] : memref<32x250x2x40xi32, #tpu.memory_space<hbm>> -> memref<1x1x2x40xi32, #tpu.memory_space<hbm>>
      %dma_wait3A_101 = tpu.memref_squeeze %dma_wait3A_100 : memref<1x1x2x40xi32, #tpu.memory_space<hbm>> -> memref<2x40xi32, #tpu.memory_space<hbm>>
      %dma_wait3A_102 = arith.constant 0 : i32
      %dma_wait3A_103 = arith.constant 0 : i32
      %dma_wait3A_104 = tpu.memref_slice %arg3[%add3A, %run_scoped3A_23, %dma_wait3A_102, %dma_wait3A_103] : memref<32x250x2x40xi32, #tpu.memory_space<hbm>> -> memref<1x1x2x40xi32, #tpu.memory_space<hbm>>
      %dma_wait3A_105 = tpu.memref_squeeze %dma_wait3A_104 : memref<1x1x2x40xi32, #tpu.memory_space<hbm>> -> memref<2x40xi32, #tpu.memory_space<hbm>>
      tpu.wait_dma2 semaphore(%run_scoped3A_89 : memref<!tpu.dma_semaphore, #tpu.memory_space<semaphore_mem>>) src(%dma_wait3A_105 : memref<2x40xi32, #tpu.memory_space<hbm>>) dst(%arg12 : memref<2x40xi32, #tpu.memory_space<vmem>>)
      tpu.yield
    }) : () -> ()
    %dma_start3A_24 = arith.constant 0 : i32
    %dma_start3A_25 = arith.constant 0 : i32
    %dma_start3A_26 = tpu.memref_slice %arg12[%dma_start3A_24, %dma_start3A_25] : memref<2x40xi32, #tpu.memory_space<vmem>> -> memref<1x40xi32, #tpu.memory_space<vmem>>
    %dma_start3A_27 = tpu.memref_squeeze %dma_start3A_26 : memref<1x40xi32, #tpu.memory_space<vmem>> -> memref<40xi32, #tpu.memory_space<vmem>>
    %dma_start3A_28 = arith.constant 0 : i32
    %dma_start3A_29 = arith.constant 0 : i32
    %dma_start3A_30 = tpu.memref_slice %arg2[%dma_start3A_28, %dma_start3A_29] : memref<10000x128xf32, #tpu.memory_space<hbm>> -> memref<10000x128xf32, #tpu.memory_space<hbm>>
    tpu.enqueue_indirect_dma source(%dma_start3A_30 : memref<10000x128xf32, #tpu.memory_space<hbm>>) target(%arg17 : memref<40x128xf32, #tpu.memory_space<vmem>>) offsets(%dma_start3A_27 : memref<40xi32, #tpu.memory_space<vmem>>) semaphore(%arg23 : memref<!tpu.dma_semaphore, #tpu.memory_space<semaphore_mem>>)
    %run_scoped3A_31 = arith.constant 3 : i32
    "tpu.region"() ({
      %run_scoped3A_89 = tpu.sem_alloc : memref<!tpu.dma_semaphore, #tpu.memory_space<semaphore_mem>>
      %dma_start3A_90 = arith.constant 0 : i32
      %dma_start3A_91 = arith.constant 0 : i32
      %dma_start3A_92 = tpu.memref_slice %arg3[%add3A, %run_scoped3A_31, %dma_start3A_90, %dma_start3A_91] : memref<32x250x2x40xi32, #tpu.memory_space<hbm>> -> memref<1x1x2x40xi32, #tpu.memory_space<hbm>>
      %dma_start3A_93 = tpu.memref_squeeze %dma_start3A_92 : memref<1x1x2x40xi32, #tpu.memory_space<hbm>> -> memref<2x40xi32, #tpu.memory_space<hbm>>
      %dma_start3A_94 = arith.constant 0 : i32
      %dma_start3A_95 = arith.constant 0 : i32
      %dma_start3A_96 = tpu.memref_slice %arg3[%add3A, %run_scoped3A_31, %dma_start3A_94, %dma_start3A_95] : memref<32x250x2x40xi32, #tpu.memory_space<hbm>> -> memref<1x1x2x40xi32, #tpu.memory_space<hbm>>
      %dma_start3A_97 = tpu.memref_squeeze %dma_start3A_96 : memref<1x1x2x40xi32, #tpu.memory_space<hbm>> -> memref<2x40xi32, #tpu.memory_space<hbm>>
      tpu.enqueue_dma source(%dma_start3A_97 : memref<2x40xi32, #tpu.memory_space<hbm>>) target(%arg13 : memref<2x40xi32, #tpu.memory_space<vmem>>) target_semaphore(%run_scoped3A_89 : memref<!tpu.dma_semaphore, #tpu.memory_space<semaphore_mem>>)
      %dma_wait3A_98 = arith.constant 0 : i32
      %dma_wait3A_99 = arith.constant 0 : i32
      %dma_wait3A_100 = tpu.memref_slice %arg3[%add3A, %run_scoped3A_31, %dma_wait3A_98, %dma_wait3A_99] : memref<32x250x2x40xi32, #tpu.memory_space<hbm>> -> memref<1x1x2x40xi32, #tpu.memory_space<hbm>>
      %dma_wait3A_101 = tpu.memref_squeeze %dma_wait3A_100 : memref<1x1x2x40xi32, #tpu.memory_space<hbm>> -> memref<2x40xi32, #tpu.memory_space<hbm>>
      %dma_wait3A_102 = arith.constant 0 : i32
      %dma_wait3A_103 = arith.constant 0 : i32
      %dma_wait3A_104 = tpu.memref_slice %arg3[%add3A, %run_scoped3A_31, %dma_wait3A_102, %dma_wait3A_103] : memref<32x250x2x40xi32, #tpu.memory_space<hbm>> -> memref<1x1x2x40xi32, #tpu.memory_space<hbm>>
      %dma_wait3A_105 = tpu.memref_squeeze %dma_wait3A_104 : memref<1x1x2x40xi32, #tpu.memory_space<hbm>> -> memref<2x40xi32, #tpu.memory_space<hbm>>
      tpu.wait_dma2 semaphore(%run_scoped3A_89 : memref<!tpu.dma_semaphore, #tpu.memory_space<semaphore_mem>>) src(%dma_wait3A_105 : memref<2x40xi32, #tpu.memory_space<hbm>>) dst(%arg13 : memref<2x40xi32, #tpu.memory_space<vmem>>)
      tpu.yield
    }) : () -> ()
    %dma_start3A_32 = arith.constant 0 : i32
    %dma_start3A_33 = arith.constant 0 : i32
    %dma_start3A_34 = tpu.memref_slice %arg13[%dma_start3A_32, %dma_start3A_33] : memref<2x40xi32, #tpu.memory_space<vmem>> -> memref<1x40xi32, #tpu.memory_space<vmem>>
    %dma_start3A_35 = tpu.memref_squeeze %dma_start3A_34 : memref<1x40xi32, #tpu.memory_space<vmem>> -> memref<40xi32, #tpu.memory_space<vmem>>
    %dma_start3A_36 = arith.constant 0 : i32
    %dma_start3A_37 = arith.constant 0 : i32
    %dma_start3A_38 = tpu.memref_slice %arg2[%dma_start3A_36, %dma_start3A_37] : memref<10000x128xf32, #tpu.memory_space<hbm>> -> memref<10000x128xf32, #tpu.memory_space<hbm>>
    tpu.enqueue_indirect_dma source(%dma_start3A_38 : memref<10000x128xf32, #tpu.memory_space<hbm>>) target(%arg18 : memref<40x128xf32, #tpu.memory_space<vmem>>) offsets(%dma_start3A_35 : memref<40xi32, #tpu.memory_space<vmem>>) semaphore(%arg24 : memref<!tpu.dma_semaphore, #tpu.memory_space<semaphore_mem>>)
    %scan3A = arith.constant 0 : i32
    %scan3A_39 = arith.constant 0 : i32
    %scan3A_40 = arith.constant 50 : i32
    %scan3A_41 = arith.addi %scan3A_39, %scan3A_40 : i32
    %scan3A_42 = arith.constant 1 : i32
    scf.for %scan3A_89 = %scan3A_39 to %scan3A_41 step %scan3A_42  : i32 {
      %mul3A_90 = arith.constant 5 : i32
      %mul3A_91 = arith.muli %mul3A_90, %scan3A_89 : i32
      %add3A_92 = arith.constant 0 : i32
      %add3A_93 = arith.addi %mul3A_91, %add3A_92 : i32
      %add3A_94 = arith.constant 5 : i32
      %add3A_95 = arith.addi %add3A_93, %add3A_94 : i32
      %sub3A = arith.constant 1 : i32
      %sub3A_96 = arith.subi %add3A_95, %sub3A : i32
      %dma_wait3A_97 = arith.constant 0 : i32
      %dma_wait3A_98 = arith.constant 0 : i32
      %dma_wait3A_99 = tpu.memref_slice %arg10[%dma_wait3A_97, %dma_wait3A_98] : memref<2x40xi32, #tpu.memory_space<vmem>> -> memref<1x40xi32, #tpu.memory_space<vmem>>
      %dma_wait3A_100 = tpu.memref_squeeze %dma_wait3A_99 : memref<1x40xi32, #tpu.memory_space<vmem>> -> memref<40xi32, #tpu.memory_space<vmem>>
      %dma_wait3A_101 = arith.constant 0 : i32
      %dma_wait3A_102 = arith.constant 0 : i32
      %dma_wait3A_103 = tpu.memref_slice %arg2[%dma_wait3A_101, %dma_wait3A_102] : memref<10000x128xf32, #tpu.memory_space<hbm>> -> memref<10000x128xf32, #tpu.memory_space<hbm>>
      tpu.wait_indirect_dma semaphore(%arg21 : memref<!tpu.dma_semaphore, #tpu.memory_space<semaphore_mem>>) src(%dma_wait3A_103 : memref<10000x128xf32, #tpu.memory_space<hbm>>) dst(%arg15 : memref<40x128xf32, #tpu.memory_space<vmem>>)
      %dma_start3A_104 = arith.constant 1 : i32
      %dma_start3A_105 = arith.constant 0 : i32
      %dma_start3A_106 = tpu.memref_slice %arg10[%dma_start3A_104, %dma_start3A_105] : memref<2x40xi32, #tpu.memory_space<vmem>> -> memref<1x40xi32, #tpu.memory_space<vmem>>
      %dma_start3A_107 = tpu.memref_squeeze %dma_start3A_106 : memref<1x40xi32, #tpu.memory_space<vmem>> -> memref<40xi32, #tpu.memory_space<vmem>>
      %dma_start3A_108 = arith.constant 0 : i32
      %dma_start3A_109 = arith.constant 0 : i32
      %dma_start3A_110 = tpu.memref_slice %arg8[%dma_start3A_108, %dma_start3A_109] : memref<10000x128xf32, #tpu.memory_space<vmem_shared>> -> memref<10000x128xf32, #tpu.memory_space<vmem_shared>>
      tpu.enqueue_indirect_dma source(%arg15 : memref<40x128xf32, #tpu.memory_space<vmem>>) target(%dma_start3A_110 : memref<10000x128xf32, #tpu.memory_space<vmem_shared>>) offsets(%dma_start3A_107 : memref<40xi32, #tpu.memory_space<vmem>>) semaphore(%arg26 : memref<!tpu.dma_semaphore, #tpu.memory_space<semaphore_mem>>) {add = true}
      %gt3A = arith.constant 0 : i32
      %gt3A_111 = arith.cmpi sgt, %scan3A_89, %gt3A : i32
      %convert_element_type3A_112 = arith.extui %gt3A_111 : i1 to i32
      %cond3A_113 = arith.constant 0 : i32
      %cond3A_114 = arith.cmpi ne, %convert_element_type3A_112, %cond3A_113 : i32
      scf.if %cond3A_114 {
        %dma_wait3A_228 = arith.constant 1 : i32
        %dma_wait3A_229 = arith.constant 0 : i32
        %dma_wait3A_230 = tpu.memref_slice %arg14[%dma_wait3A_228, %dma_wait3A_229] : memref<2x40xi32, #tpu.memory_space<vmem>> -> memref<1x40xi32, #tpu.memory_space<vmem>>
        %dma_wait3A_231 = tpu.memref_squeeze %dma_wait3A_230 : memref<1x40xi32, #tpu.memory_space<vmem>> -> memref<40xi32, #tpu.memory_space<vmem>>
        %dma_wait3A_232 = arith.constant 0 : i32
        %dma_wait3A_233 = arith.constant 0 : i32
        %dma_wait3A_234 = tpu.memref_slice %arg8[%dma_wait3A_232, %dma_wait3A_233] : memref<10000x128xf32, #tpu.memory_space<vmem_shared>> -> memref<10000x128xf32, #tpu.memory_space<vmem_shared>>
        tpu.wait_indirect_dma semaphore(%arg30 : memref<!tpu.dma_semaphore, #tpu.memory_space<semaphore_mem>>) src(%arg19 : memref<40x128xf32, #tpu.memory_space<vmem>>) dst(%dma_wait3A_234 : memref<10000x128xf32, #tpu.memory_space<vmem_shared>>)
        "tpu.region"() ({
          %run_scoped3A_242 = tpu.sem_alloc : memref<!tpu.dma_semaphore, #tpu.memory_space<semaphore_mem>>
          %dma_start3A_243 = arith.constant 0 : i32
          %dma_start3A_244 = arith.constant 0 : i32
          %dma_start3A_245 = tpu.memref_slice %arg3[%add3A, %sub3A_96, %dma_start3A_243, %dma_start3A_244] : memref<32x250x2x40xi32, #tpu.memory_space<hbm>> -> memref<1x1x2x40xi32, #tpu.memory_space<hbm>>
          %dma_start3A_246 = tpu.memref_squeeze %dma_start3A_245 : memref<1x1x2x40xi32, #tpu.memory_space<hbm>> -> memref<2x40xi32, #tpu.memory_space<hbm>>
          %dma_start3A_247 = arith.constant 0 : i32
          %dma_start3A_248 = arith.constant 0 : i32
          %dma_start3A_249 = tpu.memref_slice %arg3[%add3A, %sub3A_96, %dma_start3A_247, %dma_start3A_248] : memref<32x250x2x40xi32, #tpu.memory_space<hbm>> -> memref<1x1x2x40xi32, #tpu.memory_space<hbm>>
          %dma_start3A_250 = tpu.memref_squeeze %dma_start3A_249 : memref<1x1x2x40xi32, #tpu.memory_space<hbm>> -> memref<2x40xi32, #tpu.memory_space<hbm>>
          tpu.enqueue_dma source(%dma_start3A_250 : memref<2x40xi32, #tpu.memory_space<hbm>>) target(%arg14 : memref<2x40xi32, #tpu.memory_space<vmem>>) target_semaphore(%run_scoped3A_242 : memref<!tpu.dma_semaphore, #tpu.memory_space<semaphore_mem>>)
          %dma_wait3A_251 = arith.constant 0 : i32
          %dma_wait3A_252 = arith.constant 0 : i32
          %dma_wait3A_253 = tpu.memref_slice %arg3[%add3A, %sub3A_96, %dma_wait3A_251, %dma_wait3A_252] : memref<32x250x2x40xi32, #tpu.memory_space<hbm>> -> memref<1x1x2x40xi32, #tpu.memory_space<hbm>>
          %dma_wait3A_254 = tpu.memref_squeeze %dma_wait3A_253 : memref<1x1x2x40xi32, #tpu.memory_space<hbm>> -> memref<2x40xi32, #tpu.memory_space<hbm>>
          %dma_wait3A_255 = arith.constant 0 : i32
          %dma_wait3A_256 = arith.constant 0 : i32
          %dma_wait3A_257 = tpu.memref_slice %arg3[%add3A, %sub3A_96, %dma_wait3A_255, %dma_wait3A_256] : memref<32x250x2x40xi32, #tpu.memory_space<hbm>> -> memref<1x1x2x40xi32, #tpu.memory_space<hbm>>
          %dma_wait3A_258 = tpu.memref_squeeze %dma_wait3A_257 : memref<1x1x2x40xi32, #tpu.memory_space<hbm>> -> memref<2x40xi32, #tpu.memory_space<hbm>>
          tpu.wait_dma2 semaphore(%run_scoped3A_242 : memref<!tpu.dma_semaphore, #tpu.memory_space<semaphore_mem>>) src(%dma_wait3A_258 : memref<2x40xi32, #tpu.memory_space<hbm>>) dst(%arg14 : memref<2x40xi32, #tpu.memory_space<vmem>>)
          tpu.yield
        }) : () -> ()
        %dma_start3A_235 = arith.constant 0 : i32
        %dma_start3A_236 = arith.constant 0 : i32
        %dma_start3A_237 = tpu.memref_slice %arg14[%dma_start3A_235, %dma_start3A_236] : memref<2x40xi32, #tpu.memory_space<vmem>> -> memref<1x40xi32, #tpu.memory_space<vmem>>
        %dma_start3A_238 = tpu.memref_squeeze %dma_start3A_237 : memref<1x40xi32, #tpu.memory_space<vmem>> -> memref<40xi32, #tpu.memory_space<vmem>>
        %dma_start3A_239 = arith.constant 0 : i32
        %dma_start3A_240 = arith.constant 0 : i32
        %dma_start3A_241 = tpu.memref_slice %arg2[%dma_start3A_239, %dma_start3A_240] : memref<10000x128xf32, #tpu.memory_space<hbm>> -> memref<10000x128xf32, #tpu.memory_space<hbm>>
        tpu.enqueue_indirect_dma source(%dma_start3A_241 : memref<10000x128xf32, #tpu.memory_space<hbm>>) target(%arg19 : memref<40x128xf32, #tpu.memory_space<vmem>>) offsets(%dma_start3A_238 : memref<40xi32, #tpu.memory_space<vmem>>) semaphore(%arg25 : memref<!tpu.dma_semaphore, #tpu.memory_space<semaphore_mem>>)
      } else {
      }
      %eq3A_115 = arith.constant 0 : i32
      %eq3A_116 = arith.cmpi eq, %scan3A_89, %eq3A_115 : i32
      %convert_element_type3A_117 = arith.extui %eq3A_116 : i1 to i32
      %cond3A_118 = arith.constant 0 : i32
      %cond3A_119 = arith.cmpi ne, %convert_element_type3A_117, %cond3A_118 : i32
      scf.if %cond3A_119 {
        "tpu.region"() ({
          %run_scoped3A_235 = tpu.sem_alloc : memref<!tpu.dma_semaphore, #tpu.memory_space<semaphore_mem>>
          %dma_start3A_236 = arith.constant 0 : i32
          %dma_start3A_237 = arith.constant 0 : i32
          %dma_start3A_238 = tpu.memref_slice %arg3[%add3A, %sub3A_96, %dma_start3A_236, %dma_start3A_237] : memref<32x250x2x40xi32, #tpu.memory_space<hbm>> -> memref<1x1x2x40xi32, #tpu.memory_space<hbm>>
          %dma_start3A_239 = tpu.memref_squeeze %dma_start3A_238 : memref<1x1x2x40xi32, #tpu.memory_space<hbm>> -> memref<2x40xi32, #tpu.memory_space<hbm>>
          %dma_start3A_240 = arith.constant 0 : i32
          %dma_start3A_241 = arith.constant 0 : i32
          %dma_start3A_242 = tpu.memref_slice %arg3[%add3A, %sub3A_96, %dma_start3A_240, %dma_start3A_241] : memref<32x250x2x40xi32, #tpu.memory_space<hbm>> -> memref<1x1x2x40xi32, #tpu.memory_space<hbm>>
          %dma_start3A_243 = tpu.memref_squeeze %dma_start3A_242 : memref<1x1x2x40xi32, #tpu.memory_space<hbm>> -> memref<2x40xi32, #tpu.memory_space<hbm>>
          tpu.enqueue_dma source(%dma_start3A_243 : memref<2x40xi32, #tpu.memory_space<hbm>>) target(%arg14 : memref<2x40xi32, #tpu.memory_space<vmem>>) target_semaphore(%run_scoped3A_235 : memref<!tpu.dma_semaphore, #tpu.memory_space<semaphore_mem>>)
          %dma_wait3A_244 = arith.constant 0 : i32
          %dma_wait3A_245 = arith.constant 0 : i32
          %dma_wait3A_246 = tpu.memref_slice %arg3[%add3A, %sub3A_96, %dma_wait3A_244, %dma_wait3A_245] : memref<32x250x2x40xi32, #tpu.memory_space<hbm>> -> memref<1x1x2x40xi32, #tpu.memory_space<hbm>>
          %dma_wait3A_247 = tpu.memref_squeeze %dma_wait3A_246 : memref<1x1x2x40xi32, #tpu.memory_space<hbm>> -> memref<2x40xi32, #tpu.memory_space<hbm>>
          %dma_wait3A_248 = arith.constant 0 : i32
          %dma_wait3A_249 = arith.constant 0 : i32
          %dma_wait3A_250 = tpu.memref_slice %arg3[%add3A, %sub3A_96, %dma_wait3A_248, %dma_wait3A_249] : memref<32x250x2x40xi32, #tpu.memory_space<hbm>> -> memref<1x1x2x40xi32, #tpu.memory_space<hbm>>
          %dma_wait3A_251 = tpu.memref_squeeze %dma_wait3A_250 : memref<1x1x2x40xi32, #tpu.memory_space<hbm>> -> memref<2x40xi32, #tpu.memory_space<hbm>>
          tpu.wait_dma2 semaphore(%run_scoped3A_235 : memref<!tpu.dma_semaphore, #tpu.memory_space<semaphore_mem>>) src(%dma_wait3A_251 : memref<2x40xi32, #tpu.memory_space<hbm>>) dst(%arg14 : memref<2x40xi32, #tpu.memory_space<vmem>>)
          tpu.yield
        }) : () -> ()
        %dma_start3A_228 = arith.constant 0 : i32
        %dma_start3A_229 = arith.constant 0 : i32
        %dma_start3A_230 = tpu.memref_slice %arg14[%dma_start3A_228, %dma_start3A_229] : memref<2x40xi32, #tpu.memory_space<vmem>> -> memref<1x40xi32, #tpu.memory_space<vmem>>
        %dma_start3A_231 = tpu.memref_squeeze %dma_start3A_230 : memref<1x40xi32, #tpu.memory_space<vmem>> -> memref<40xi32, #tpu.memory_space<vmem>>
        %dma_start3A_232 = arith.constant 0 : i32
        %dma_start3A_233 = arith.constant 0 : i32
        %dma_start3A_234 = tpu.memref_slice %arg2[%dma_start3A_232, %dma_start3A_233] : memref<10000x128xf32, #tpu.memory_space<hbm>> -> memref<10000x128xf32, #tpu.memory_space<hbm>>
        tpu.enqueue_indirect_dma source(%dma_start3A_234 : memref<10000x128xf32, #tpu.memory_space<hbm>>) target(%arg19 : memref<40x128xf32, #tpu.memory_space<vmem>>) offsets(%dma_start3A_231 : memref<40xi32, #tpu.memory_space<vmem>>) semaphore(%arg25 : memref<!tpu.dma_semaphore, #tpu.memory_space<semaphore_mem>>)
      } else {
      }
      %mul3A_120 = arith.constant 5 : i32
      %mul3A_121 = arith.muli %mul3A_120, %scan3A_89 : i32
      %add3A_122 = arith.constant 1 : i32
      %add3A_123 = arith.addi %mul3A_121, %add3A_122 : i32
      %add3A_124 = arith.constant 5 : i32
      %add3A_125 = arith.addi %add3A_123, %add3A_124 : i32
      %sub3A_126 = arith.constant 1 : i32
      %sub3A_127 = arith.subi %add3A_125, %sub3A_126 : i32
      %dma_wait3A_128 = arith.constant 0 : i32
      %dma_wait3A_129 = arith.constant 0 : i32
      %dma_wait3A_130 = tpu.memref_slice %arg11[%dma_wait3A_128, %dma_wait3A_129] : memref<2x40xi32, #tpu.memory_space<vmem>> -> memref<1x40xi32, #tpu.memory_space<vmem>>
      %dma_wait3A_131 = tpu.memref_squeeze %dma_wait3A_130 : memref<1x40xi32, #tpu.memory_space<vmem>> -> memref<40xi32, #tpu.memory_space<vmem>>
      %dma_wait3A_132 = arith.constant 0 : i32
      %dma_wait3A_133 = arith.constant 0 : i32
      %dma_wait3A_134 = tpu.memref_slice %arg2[%dma_wait3A_132, %dma_wait3A_133] : memref<10000x128xf32, #tpu.memory_space<hbm>> -> memref<10000x128xf32, #tpu.memory_space<hbm>>
      tpu.wait_indirect_dma semaphore(%arg22 : memref<!tpu.dma_semaphore, #tpu.memory_space<semaphore_mem>>) src(%dma_wait3A_134 : memref<10000x128xf32, #tpu.memory_space<hbm>>) dst(%arg16 : memref<40x128xf32, #tpu.memory_space<vmem>>)
      %dma_start3A_135 = arith.constant 1 : i32
      %dma_start3A_136 = arith.constant 0 : i32
      %dma_start3A_137 = tpu.memref_slice %arg11[%dma_start3A_135, %dma_start3A_136] : memref<2x40xi32, #tpu.memory_space<vmem>> -> memref<1x40xi32, #tpu.memory_space<vmem>>
      %dma_start3A_138 = tpu.memref_squeeze %dma_start3A_137 : memref<1x40xi32, #tpu.memory_space<vmem>> -> memref<40xi32, #tpu.memory_space<vmem>>
      %dma_start3A_139 = arith.constant 0 : i32
      %dma_start3A_140 = arith.constant 0 : i32
      %dma_start3A_141 = tpu.memref_slice %arg8[%dma_start3A_139, %dma_start3A_140] : memref<10000x128xf32, #tpu.memory_space<vmem_shared>> -> memref<10000x128xf32, #tpu.memory_space<vmem_shared>>
      tpu.enqueue_indirect_dma source(%arg16 : memref<40x128xf32, #tpu.memory_space<vmem>>) target(%dma_start3A_141 : memref<10000x128xf32, #tpu.memory_space<vmem_shared>>) offsets(%dma_start3A_138 : memref<40xi32, #tpu.memory_space<vmem>>) semaphore(%arg27 : memref<!tpu.dma_semaphore, #tpu.memory_space<semaphore_mem>>) {add = true}
      %lt3A_142 = arith.constant 250 : i32
      %lt3A_143 = arith.cmpi slt, %sub3A_127, %lt3A_142 : i32
      %convert_element_type3A_144 = arith.extui %lt3A_143 : i1 to i32
      %cond3A_145 = arith.constant 0 : i32
      %cond3A_146 = arith.cmpi ne, %convert_element_type3A_144, %cond3A_145 : i32
      scf.if %cond3A_146 {
        %dma_wait3A_228 = arith.constant 1 : i32
        %dma_wait3A_229 = arith.constant 0 : i32
        %dma_wait3A_230 = tpu.memref_slice %arg10[%dma_wait3A_228, %dma_wait3A_229] : memref<2x40xi32, #tpu.memory_space<vmem>> -> memref<1x40xi32, #tpu.memory_space<vmem>>
        %dma_wait3A_231 = tpu.memref_squeeze %dma_wait3A_230 : memref<1x40xi32, #tpu.memory_space<vmem>> -> memref<40xi32, #tpu.memory_space<vmem>>
        %dma_wait3A_232 = arith.constant 0 : i32
        %dma_wait3A_233 = arith.constant 0 : i32
        %dma_wait3A_234 = tpu.memref_slice %arg8[%dma_wait3A_232, %dma_wait3A_233] : memref<10000x128xf32, #tpu.memory_space<vmem_shared>> -> memref<10000x128xf32, #tpu.memory_space<vmem_shared>>
        tpu.wait_indirect_dma semaphore(%arg26 : memref<!tpu.dma_semaphore, #tpu.memory_space<semaphore_mem>>) src(%arg15 : memref<40x128xf32, #tpu.memory_space<vmem>>) dst(%dma_wait3A_234 : memref<10000x128xf32, #tpu.memory_space<vmem_shared>>)
        "tpu.region"() ({
          %run_scoped3A_242 = tpu.sem_alloc : memref<!tpu.dma_semaphore, #tpu.memory_space<semaphore_mem>>
          %dma_start3A_243 = arith.constant 0 : i32
          %dma_start3A_244 = arith.constant 0 : i32
          %dma_start3A_245 = tpu.memref_slice %arg3[%add3A, %sub3A_127, %dma_start3A_243, %dma_start3A_244] : memref<32x250x2x40xi32, #tpu.memory_space<hbm>> -> memref<1x1x2x40xi32, #tpu.memory_space<hbm>>
          %dma_start3A_246 = tpu.memref_squeeze %dma_start3A_245 : memref<1x1x2x40xi32, #tpu.memory_space<hbm>> -> memref<2x40xi32, #tpu.memory_space<hbm>>
          %dma_start3A_247 = arith.constant 0 : i32
          %dma_start3A_248 = arith.constant 0 : i32
          %dma_start3A_249 = tpu.memref_slice %arg3[%add3A, %sub3A_127, %dma_start3A_247, %dma_start3A_248] : memref<32x250x2x40xi32, #tpu.memory_space<hbm>> -> memref<1x1x2x40xi32, #tpu.memory_space<hbm>>
          %dma_start3A_250 = tpu.memref_squeeze %dma_start3A_249 : memref<1x1x2x40xi32, #tpu.memory_space<hbm>> -> memref<2x40xi32, #tpu.memory_space<hbm>>
          tpu.enqueue_dma source(%dma_start3A_250 : memref<2x40xi32, #tpu.memory_space<hbm>>) target(%arg10 : memref<2x40xi32, #tpu.memory_space<vmem>>) target_semaphore(%run_scoped3A_242 : memref<!tpu.dma_semaphore, #tpu.memory_space<semaphore_mem>>)
          %dma_wait3A_251 = arith.constant 0 : i32
          %dma_wait3A_252 = arith.constant 0 : i32
          %dma_wait3A_253 = tpu.memref_slice %arg3[%add3A, %sub3A_127, %dma_wait3A_251, %dma_wait3A_252] : memref<32x250x2x40xi32, #tpu.memory_space<hbm>> -> memref<1x1x2x40xi32, #tpu.memory_space<hbm>>
          %dma_wait3A_254 = tpu.memref_squeeze %dma_wait3A_253 : memref<1x1x2x40xi32, #tpu.memory_space<hbm>> -> memref<2x40xi32, #tpu.memory_space<hbm>>
          %dma_wait3A_255 = arith.constant 0 : i32
          %dma_wait3A_256 = arith.constant 0 : i32
          %dma_wait3A_257 = tpu.memref_slice %arg3[%add3A, %sub3A_127, %dma_wait3A_255, %dma_wait3A_256] : memref<32x250x2x40xi32, #tpu.memory_space<hbm>> -> memref<1x1x2x40xi32, #tpu.memory_space<hbm>>
          %dma_wait3A_258 = tpu.memref_squeeze %dma_wait3A_257 : memref<1x1x2x40xi32, #tpu.memory_space<hbm>> -> memref<2x40xi32, #tpu.memory_space<hbm>>
          tpu.wait_dma2 semaphore(%run_scoped3A_242 : memref<!tpu.dma_semaphore, #tpu.memory_space<semaphore_mem>>) src(%dma_wait3A_258 : memref<2x40xi32, #tpu.memory_space<hbm>>) dst(%arg10 : memref<2x40xi32, #tpu.memory_space<vmem>>)
          tpu.yield
        }) : () -> ()
        %dma_start3A_235 = arith.constant 0 : i32
        %dma_start3A_236 = arith.constant 0 : i32
        %dma_start3A_237 = tpu.memref_slice %arg10[%dma_start3A_235, %dma_start3A_236] : memref<2x40xi32, #tpu.memory_space<vmem>> -> memref<1x40xi32, #tpu.memory_space<vmem>>
        %dma_start3A_238 = tpu.memref_squeeze %dma_start3A_237 : memref<1x40xi32, #tpu.memory_space<vmem>> -> memref<40xi32, #tpu.memory_space<vmem>>
        %dma_start3A_239 = arith.constant 0 : i32
        %dma_start3A_240 = arith.constant 0 : i32
        %dma_start3A_241 = tpu.memref_slice %arg2[%dma_start3A_239, %dma_start3A_240] : memref<10000x128xf32, #tpu.memory_space<hbm>> -> memref<10000x128xf32, #tpu.memory_space<hbm>>
        tpu.enqueue_indirect_dma source(%dma_start3A_241 : memref<10000x128xf32, #tpu.memory_space<hbm>>) target(%arg15 : memref<40x128xf32, #tpu.memory_space<vmem>>) offsets(%dma_start3A_238 : memref<40xi32, #tpu.memory_space<vmem>>) semaphore(%arg21 : memref<!tpu.dma_semaphore, #tpu.memory_space<semaphore_mem>>)
      } else {
      }
      %mul3A_147 = arith.constant 5 : i32
      %mul3A_148 = arith.muli %mul3A_147, %scan3A_89 : i32
      %add3A_149 = arith.constant 2 : i32
      %add3A_150 = arith.addi %mul3A_148, %add3A_149 : i32
      %add3A_151 = arith.constant 5 : i32
      %add3A_152 = arith.addi %add3A_150, %add3A_151 : i32
      %sub3A_153 = arith.constant 1 : i32
      %sub3A_154 = arith.subi %add3A_152, %sub3A_153 : i32
      %dma_wait3A_155 = arith.constant 0 : i32
      %dma_wait3A_156 = arith.constant 0 : i32
      %dma_wait3A_157 = tpu.memref_slice %arg12[%dma_wait3A_155, %dma_wait3A_156] : memref<2x40xi32, #tpu.memory_space<vmem>> -> memref<1x40xi32, #tpu.memory_space<vmem>>
      %dma_wait3A_158 = tpu.memref_squeeze %dma_wait3A_157 : memref<1x40xi32, #tpu.memory_space<vmem>> -> memref<40xi32, #tpu.memory_space<vmem>>
      %dma_wait3A_159 = arith.constant 0 : i32
      %dma_wait3A_160 = arith.constant 0 : i32
      %dma_wait3A_161 = tpu.memref_slice %arg2[%dma_wait3A_159, %dma_wait3A_160] : memref<10000x128xf32, #tpu.memory_space<hbm>> -> memref<10000x128xf32, #tpu.memory_space<hbm>>
      tpu.wait_indirect_dma semaphore(%arg23 : memref<!tpu.dma_semaphore, #tpu.memory_space<semaphore_mem>>) src(%dma_wait3A_161 : memref<10000x128xf32, #tpu.memory_space<hbm>>) dst(%arg17 : memref<40x128xf32, #tpu.memory_space<vmem>>)
      %dma_start3A_162 = arith.constant 1 : i32
      %dma_start3A_163 = arith.constant 0 : i32
      %dma_start3A_164 = tpu.memref_slice %arg12[%dma_start3A_162, %dma_start3A_163] : memref<2x40xi32, #tpu.memory_space<vmem>> -> memref<1x40xi32, #tpu.memory_space<vmem>>
      %dma_start3A_165 = tpu.memref_squeeze %dma_start3A_164 : memref<1x40xi32, #tpu.memory_space<vmem>> -> memref<40xi32, #tpu.memory_space<vmem>>
      %dma_start3A_166 = arith.constant 0 : i32
      %dma_start3A_167 = arith.constant 0 : i32
      %dma_start3A_168 = tpu.memref_slice %arg8[%dma_start3A_166, %dma_start3A_167] : memref<10000x128xf32, #tpu.memory_space<vmem_shared>> -> memref<10000x128xf32, #tpu.memory_space<vmem_shared>>
      tpu.enqueue_indirect_dma source(%arg17 : memref<40x128xf32, #tpu.memory_space<vmem>>) target(%dma_start3A_168 : memref<10000x128xf32, #tpu.memory_space<vmem_shared>>) offsets(%dma_start3A_165 : memref<40xi32, #tpu.memory_space<vmem>>) semaphore(%arg28 : memref<!tpu.dma_semaphore, #tpu.memory_space<semaphore_mem>>) {add = true}
      %lt3A_169 = arith.constant 250 : i32
      %lt3A_170 = arith.cmpi slt, %sub3A_154, %lt3A_169 : i32
      %convert_element_type3A_171 = arith.extui %lt3A_170 : i1 to i32
      %cond3A_172 = arith.constant 0 : i32
      %cond3A_173 = arith.cmpi ne, %convert_element_type3A_171, %cond3A_172 : i32
      scf.if %cond3A_173 {
        %dma_wait3A_228 = arith.constant 1 : i32
        %dma_wait3A_229 = arith.constant 0 : i32
        %dma_wait3A_230 = tpu.memref_slice %arg11[%dma_wait3A_228, %dma_wait3A_229] : memref<2x40xi32, #tpu.memory_space<vmem>> -> memref<1x40xi32, #tpu.memory_space<vmem>>
        %dma_wait3A_231 = tpu.memref_squeeze %dma_wait3A_230 : memref<1x40xi32, #tpu.memory_space<vmem>> -> memref<40xi32, #tpu.memory_space<vmem>>
        %dma_wait3A_232 = arith.constant 0 : i32
        %dma_wait3A_233 = arith.constant 0 : i32
        %dma_wait3A_234 = tpu.memref_slice %arg8[%dma_wait3A_232, %dma_wait3A_233] : memref<10000x128xf32, #tpu.memory_space<vmem_shared>> -> memref<10000x128xf32, #tpu.memory_space<vmem_shared>>
        tpu.wait_indirect_dma semaphore(%arg27 : memref<!tpu.dma_semaphore, #tpu.memory_space<semaphore_mem>>) src(%arg16 : memref<40x128xf32, #tpu.memory_space<vmem>>) dst(%dma_wait3A_234 : memref<10000x128xf32, #tpu.memory_space<vmem_shared>>)
        "tpu.region"() ({
          %run_scoped3A_242 = tpu.sem_alloc : memref<!tpu.dma_semaphore, #tpu.memory_space<semaphore_mem>>
          %dma_start3A_243 = arith.constant 0 : i32
          %dma_start3A_244 = arith.constant 0 : i32
          %dma_start3A_245 = tpu.memref_slice %arg3[%add3A, %sub3A_154, %dma_start3A_243, %dma_start3A_244] : memref<32x250x2x40xi32, #tpu.memory_space<hbm>> -> memref<1x1x2x40xi32, #tpu.memory_space<hbm>>
          %dma_start3A_246 = tpu.memref_squeeze %dma_start3A_245 : memref<1x1x2x40xi32, #tpu.memory_space<hbm>> -> memref<2x40xi32, #tpu.memory_space<hbm>>
          %dma_start3A_247 = arith.constant 0 : i32
          %dma_start3A_248 = arith.constant 0 : i32
          %dma_start3A_249 = tpu.memref_slice %arg3[%add3A, %sub3A_154, %dma_start3A_247, %dma_start3A_248] : memref<32x250x2x40xi32, #tpu.memory_space<hbm>> -> memref<1x1x2x40xi32, #tpu.memory_space<hbm>>
          %dma_start3A_250 = tpu.memref_squeeze %dma_start3A_249 : memref<1x1x2x40xi32, #tpu.memory_space<hbm>> -> memref<2x40xi32, #tpu.memory_space<hbm>>
          tpu.enqueue_dma source(%dma_start3A_250 : memref<2x40xi32, #tpu.memory_space<hbm>>) target(%arg11 : memref<2x40xi32, #tpu.memory_space<vmem>>) target_semaphore(%run_scoped3A_242 : memref<!tpu.dma_semaphore, #tpu.memory_space<semaphore_mem>>)
          %dma_wait3A_251 = arith.constant 0 : i32
          %dma_wait3A_252 = arith.constant 0 : i32
          %dma_wait3A_253 = tpu.memref_slice %arg3[%add3A, %sub3A_154, %dma_wait3A_251, %dma_wait3A_252] : memref<32x250x2x40xi32, #tpu.memory_space<hbm>> -> memref<1x1x2x40xi32, #tpu.memory_space<hbm>>
          %dma_wait3A_254 = tpu.memref_squeeze %dma_wait3A_253 : memref<1x1x2x40xi32, #tpu.memory_space<hbm>> -> memref<2x40xi32, #tpu.memory_space<hbm>>
          %dma_wait3A_255 = arith.constant 0 : i32
          %dma_wait3A_256 = arith.constant 0 : i32
          %dma_wait3A_257 = tpu.memref_slice %arg3[%add3A, %sub3A_154, %dma_wait3A_255, %dma_wait3A_256] : memref<32x250x2x40xi32, #tpu.memory_space<hbm>> -> memref<1x1x2x40xi32, #tpu.memory_space<hbm>>
          %dma_wait3A_258 = tpu.memref_squeeze %dma_wait3A_257 : memref<1x1x2x40xi32, #tpu.memory_space<hbm>> -> memref<2x40xi32, #tpu.memory_space<hbm>>
          tpu.wait_dma2 semaphore(%run_scoped3A_242 : memref<!tpu.dma_semaphore, #tpu.memory_space<semaphore_mem>>) src(%dma_wait3A_258 : memref<2x40xi32, #tpu.memory_space<hbm>>) dst(%arg11 : memref<2x40xi32, #tpu.memory_space<vmem>>)
          tpu.yield
        }) : () -> ()
        %dma_start3A_235 = arith.constant 0 : i32
        %dma_start3A_236 = arith.constant 0 : i32
        %dma_start3A_237 = tpu.memref_slice %arg11[%dma_start3A_235, %dma_start3A_236] : memref<2x40xi32, #tpu.memory_space<vmem>> -> memref<1x40xi32, #tpu.memory_space<vmem>>
        %dma_start3A_238 = tpu.memref_squeeze %dma_start3A_237 : memref<1x40xi32, #tpu.memory_space<vmem>> -> memref<40xi32, #tpu.memory_space<vmem>>
        %dma_start3A_239 = arith.constant 0 : i32
        %dma_start3A_240 = arith.constant 0 : i32
        %dma_start3A_241 = tpu.memref_slice %arg2[%dma_start3A_239, %dma_start3A_240] : memref<10000x128xf32, #tpu.memory_space<hbm>> -> memref<10000x128xf32, #tpu.memory_space<hbm>>
        tpu.enqueue_indirect_dma source(%dma_start3A_241 : memref<10000x128xf32, #tpu.memory_space<hbm>>) target(%arg16 : memref<40x128xf32, #tpu.memory_space<vmem>>) offsets(%dma_start3A_238 : memref<40xi32, #tpu.memory_space<vmem>>) semaphore(%arg22 : memref<!tpu.dma_semaphore, #tpu.memory_space<semaphore_mem>>)
      } else {
      }
      %mul3A_174 = arith.constant 5 : i32
      %mul3A_175 = arith.muli %mul3A_174, %scan3A_89 : i32
      %add3A_176 = arith.constant 3 : i32
      %add3A_177 = arith.addi %mul3A_175, %add3A_176 : i32
      %add3A_178 = arith.constant 5 : i32
      %add3A_179 = arith.addi %add3A_177, %add3A_178 : i32
      %sub3A_180 = arith.constant 1 : i32
      %sub3A_181 = arith.subi %add3A_179, %sub3A_180 : i32
      %dma_wait3A_182 = arith.constant 0 : i32
      %dma_wait3A_183 = arith.constant 0 : i32
      %dma_wait3A_184 = tpu.memref_slice %arg13[%dma_wait3A_182, %dma_wait3A_183] : memref<2x40xi32, #tpu.memory_space<vmem>> -> memref<1x40xi32, #tpu.memory_space<vmem>>
      %dma_wait3A_185 = tpu.memref_squeeze %dma_wait3A_184 : memref<1x40xi32, #tpu.memory_space<vmem>> -> memref<40xi32, #tpu.memory_space<vmem>>
      %dma_wait3A_186 = arith.constant 0 : i32
      %dma_wait3A_187 = arith.constant 0 : i32
      %dma_wait3A_188 = tpu.memref_slice %arg2[%dma_wait3A_186, %dma_wait3A_187] : memref<10000x128xf32, #tpu.memory_space<hbm>> -> memref<10000x128xf32, #tpu.memory_space<hbm>>
      tpu.wait_indirect_dma semaphore(%arg24 : memref<!tpu.dma_semaphore, #tpu.memory_space<semaphore_mem>>) src(%dma_wait3A_188 : memref<10000x128xf32, #tpu.memory_space<hbm>>) dst(%arg18 : memref<40x128xf32, #tpu.memory_space<vmem>>)
      %dma_start3A_189 = arith.constant 1 : i32
      %dma_start3A_190 = arith.constant 0 : i32
      %dma_start3A_191 = tpu.memref_slice %arg13[%dma_start3A_189, %dma_start3A_190] : memref<2x40xi32, #tpu.memory_space<vmem>> -> memref<1x40xi32, #tpu.memory_space<vmem>>
      %dma_start3A_192 = tpu.memref_squeeze %dma_start3A_191 : memref<1x40xi32, #tpu.memory_space<vmem>> -> memref<40xi32, #tpu.memory_space<vmem>>
      %dma_start3A_193 = arith.constant 0 : i32
      %dma_start3A_194 = arith.constant 0 : i32
      %dma_start3A_195 = tpu.memref_slice %arg8[%dma_start3A_193, %dma_start3A_194] : memref<10000x128xf32, #tpu.memory_space<vmem_shared>> -> memref<10000x128xf32, #tpu.memory_space<vmem_shared>>
      tpu.enqueue_indirect_dma source(%arg18 : memref<40x128xf32, #tpu.memory_space<vmem>>) target(%dma_start3A_195 : memref<10000x128xf32, #tpu.memory_space<vmem_shared>>) offsets(%dma_start3A_192 : memref<40xi32, #tpu.memory_space<vmem>>) semaphore(%arg29 : memref<!tpu.dma_semaphore, #tpu.memory_space<semaphore_mem>>) {add = true}
      %lt3A_196 = arith.constant 250 : i32
      %lt3A_197 = arith.cmpi slt, %sub3A_181, %lt3A_196 : i32
      %convert_element_type3A_198 = arith.extui %lt3A_197 : i1 to i32
      %cond3A_199 = arith.constant 0 : i32
      %cond3A_200 = arith.cmpi ne, %convert_element_type3A_198, %cond3A_199 : i32
      scf.if %cond3A_200 {
        %dma_wait3A_228 = arith.constant 1 : i32
        %dma_wait3A_229 = arith.constant 0 : i32
        %dma_wait3A_230 = tpu.memref_slice %arg12[%dma_wait3A_228, %dma_wait3A_229] : memref<2x40xi32, #tpu.memory_space<vmem>> -> memref<1x40xi32, #tpu.memory_space<vmem>>
        %dma_wait3A_231 = tpu.memref_squeeze %dma_wait3A_230 : memref<1x40xi32, #tpu.memory_space<vmem>> -> memref<40xi32, #tpu.memory_space<vmem>>
        %dma_wait3A_232 = arith.constant 0 : i32
        %dma_wait3A_233 = arith.constant 0 : i32
        %dma_wait3A_234 = tpu.memref_slice %arg8[%dma_wait3A_232, %dma_wait3A_233] : memref<10000x128xf32, #tpu.memory_space<vmem_shared>> -> memref<10000x128xf32, #tpu.memory_space<vmem_shared>>
        tpu.wait_indirect_dma semaphore(%arg28 : memref<!tpu.dma_semaphore, #tpu.memory_space<semaphore_mem>>) src(%arg17 : memref<40x128xf32, #tpu.memory_space<vmem>>) dst(%dma_wait3A_234 : memref<10000x128xf32, #tpu.memory_space<vmem_shared>>)
        "tpu.region"() ({
          %run_scoped3A_242 = tpu.sem_alloc : memref<!tpu.dma_semaphore, #tpu.memory_space<semaphore_mem>>
          %dma_start3A_243 = arith.constant 0 : i32
          %dma_start3A_244 = arith.constant 0 : i32
          %dma_start3A_245 = tpu.memref_slice %arg3[%add3A, %sub3A_181, %dma_start3A_243, %dma_start3A_244] : memref<32x250x2x40xi32, #tpu.memory_space<hbm>> -> memref<1x1x2x40xi32, #tpu.memory_space<hbm>>
          %dma_start3A_246 = tpu.memref_squeeze %dma_start3A_245 : memref<1x1x2x40xi32, #tpu.memory_space<hbm>> -> memref<2x40xi32, #tpu.memory_space<hbm>>
          %dma_start3A_247 = arith.constant 0 : i32
          %dma_start3A_248 = arith.constant 0 : i32
          %dma_start3A_249 = tpu.memref_slice %arg3[%add3A, %sub3A_181, %dma_start3A_247, %dma_start3A_248] : memref<32x250x2x40xi32, #tpu.memory_space<hbm>> -> memref<1x1x2x40xi32, #tpu.memory_space<hbm>>
          %dma_start3A_250 = tpu.memref_squeeze %dma_start3A_249 : memref<1x1x2x40xi32, #tpu.memory_space<hbm>> -> memref<2x40xi32, #tpu.memory_space<hbm>>
          tpu.enqueue_dma source(%dma_start3A_250 : memref<2x40xi32, #tpu.memory_space<hbm>>) target(%arg12 : memref<2x40xi32, #tpu.memory_space<vmem>>) target_semaphore(%run_scoped3A_242 : memref<!tpu.dma_semaphore, #tpu.memory_space<semaphore_mem>>)
          %dma_wait3A_251 = arith.constant 0 : i32
          %dma_wait3A_252 = arith.constant 0 : i32
          %dma_wait3A_253 = tpu.memref_slice %arg3[%add3A, %sub3A_181, %dma_wait3A_251, %dma_wait3A_252] : memref<32x250x2x40xi32, #tpu.memory_space<hbm>> -> memref<1x1x2x40xi32, #tpu.memory_space<hbm>>
          %dma_wait3A_254 = tpu.memref_squeeze %dma_wait3A_253 : memref<1x1x2x40xi32, #tpu.memory_space<hbm>> -> memref<2x40xi32, #tpu.memory_space<hbm>>
          %dma_wait3A_255 = arith.constant 0 : i32
          %dma_wait3A_256 = arith.constant 0 : i32
          %dma_wait3A_257 = tpu.memref_slice %arg3[%add3A, %sub3A_181, %dma_wait3A_255, %dma_wait3A_256] : memref<32x250x2x40xi32, #tpu.memory_space<hbm>> -> memref<1x1x2x40xi32, #tpu.memory_space<hbm>>
          %dma_wait3A_258 = tpu.memref_squeeze %dma_wait3A_257 : memref<1x1x2x40xi32, #tpu.memory_space<hbm>> -> memref<2x40xi32, #tpu.memory_space<hbm>>
          tpu.wait_dma2 semaphore(%run_scoped3A_242 : memref<!tpu.dma_semaphore, #tpu.memory_space<semaphore_mem>>) src(%dma_wait3A_258 : memref<2x40xi32, #tpu.memory_space<hbm>>) dst(%arg12 : memref<2x40xi32, #tpu.memory_space<vmem>>)
          tpu.yield
        }) : () -> ()
        %dma_start3A_235 = arith.constant 0 : i32
        %dma_start3A_236 = arith.constant 0 : i32
        %dma_start3A_237 = tpu.memref_slice %arg12[%dma_start3A_235, %dma_start3A_236] : memref<2x40xi32, #tpu.memory_space<vmem>> -> memref<1x40xi32, #tpu.memory_space<vmem>>
        %dma_start3A_238 = tpu.memref_squeeze %dma_start3A_237 : memref<1x40xi32, #tpu.memory_space<vmem>> -> memref<40xi32, #tpu.memory_space<vmem>>
        %dma_start3A_239 = arith.constant 0 : i32
        %dma_start3A_240 = arith.constant 0 : i32
        %dma_start3A_241 = tpu.memref_slice %arg2[%dma_start3A_239, %dma_start3A_240] : memref<10000x128xf32, #tpu.memory_space<hbm>> -> memref<10000x128xf32, #tpu.memory_space<hbm>>
        tpu.enqueue_indirect_dma source(%dma_start3A_241 : memref<10000x128xf32, #tpu.memory_space<hbm>>) target(%arg17 : memref<40x128xf32, #tpu.memory_space<vmem>>) offsets(%dma_start3A_238 : memref<40xi32, #tpu.memory_space<vmem>>) semaphore(%arg23 : memref<!tpu.dma_semaphore, #tpu.memory_space<semaphore_mem>>)
      } else {
      }
      %mul3A_201 = arith.constant 5 : i32
      %mul3A_202 = arith.muli %mul3A_201, %scan3A_89 : i32
      %add3A_203 = arith.constant 4 : i32
      %add3A_204 = arith.addi %mul3A_202, %add3A_203 : i32
      %add3A_205 = arith.constant 5 : i32
      %add3A_206 = arith.addi %add3A_204, %add3A_205 : i32
      %sub3A_207 = arith.constant 1 : i32
      %sub3A_208 = arith.subi %add3A_206, %sub3A_207 : i32
      %dma_wait3A_209 = arith.constant 0 : i32
      %dma_wait3A_210 = arith.constant 0 : i32
      %dma_wait3A_211 = tpu.memref_slice %arg14[%dma_wait3A_209, %dma_wait3A_210] : memref<2x40xi32, #tpu.memory_space<vmem>> -> memref<1x40xi32, #tpu.memory_space<vmem>>
      %dma_wait3A_212 = tpu.memref_squeeze %dma_wait3A_211 : memref<1x40xi32, #tpu.memory_space<vmem>> -> memref<40xi32, #tpu.memory_space<vmem>>
      %dma_wait3A_213 = arith.constant 0 : i32
      %dma_wait3A_214 = arith.constant 0 : i32
      %dma_wait3A_215 = tpu.memref_slice %arg2[%dma_wait3A_213, %dma_wait3A_214] : memref<10000x128xf32, #tpu.memory_space<hbm>> -> memref<10000x128xf32, #tpu.memory_space<hbm>>
      tpu.wait_indirect_dma semaphore(%arg25 : memref<!tpu.dma_semaphore, #tpu.memory_space<semaphore_mem>>) src(%dma_wait3A_215 : memref<10000x128xf32, #tpu.memory_space<hbm>>) dst(%arg19 : memref<40x128xf32, #tpu.memory_space<vmem>>)
      %dma_start3A_216 = arith.constant 1 : i32
      %dma_start3A_217 = arith.constant 0 : i32
      %dma_start3A_218 = tpu.memref_slice %arg14[%dma_start3A_216, %dma_start3A_217] : memref<2x40xi32, #tpu.memory_space<vmem>> -> memref<1x40xi32, #tpu.memory_space<vmem>>
      %dma_start3A_219 = tpu.memref_squeeze %dma_start3A_218 : memref<1x40xi32, #tpu.memory_space<vmem>> -> memref<40xi32, #tpu.memory_space<vmem>>
      %dma_start3A_220 = arith.constant 0 : i32
      %dma_start3A_221 = arith.constant 0 : i32
      %dma_start3A_222 = tpu.memref_slice %arg8[%dma_start3A_220, %dma_start3A_221] : memref<10000x128xf32, #tpu.memory_space<vmem_shared>> -> memref<10000x128xf32, #tpu.memory_space<vmem_shared>>
      tpu.enqueue_indirect_dma source(%arg19 : memref<40x128xf32, #tpu.memory_space<vmem>>) target(%dma_start3A_222 : memref<10000x128xf32, #tpu.memory_space<vmem_shared>>) offsets(%dma_start3A_219 : memref<40xi32, #tpu.memory_space<vmem>>) semaphore(%arg30 : memref<!tpu.dma_semaphore, #tpu.memory_space<semaphore_mem>>) {add = true}
      %lt3A_223 = arith.constant 250 : i32
      %lt3A_224 = arith.cmpi slt, %sub3A_208, %lt3A_223 : i32
      %convert_element_type3A_225 = arith.extui %lt3A_224 : i1 to i32
      %cond3A_226 = arith.constant 0 : i32
      %cond3A_227 = arith.cmpi ne, %convert_element_type3A_225, %cond3A_226 : i32
      scf.if %cond3A_227 {
        %dma_wait3A_228 = arith.constant 1 : i32
        %dma_wait3A_229 = arith.constant 0 : i32
        %dma_wait3A_230 = tpu.memref_slice %arg13[%dma_wait3A_228, %dma_wait3A_229] : memref<2x40xi32, #tpu.memory_space<vmem>> -> memref<1x40xi32, #tpu.memory_space<vmem>>
        %dma_wait3A_231 = tpu.memref_squeeze %dma_wait3A_230 : memref<1x40xi32, #tpu.memory_space<vmem>> -> memref<40xi32, #tpu.memory_space<vmem>>
        %dma_wait3A_232 = arith.constant 0 : i32
        %dma_wait3A_233 = arith.constant 0 : i32
        %dma_wait3A_234 = tpu.memref_slice %arg8[%dma_wait3A_232, %dma_wait3A_233] : memref<10000x128xf32, #tpu.memory_space<vmem_shared>> -> memref<10000x128xf32, #tpu.memory_space<vmem_shared>>
        tpu.wait_indirect_dma semaphore(%arg29 : memref<!tpu.dma_semaphore, #tpu.memory_space<semaphore_mem>>) src(%arg18 : memref<40x128xf32, #tpu.memory_space<vmem>>) dst(%dma_wait3A_234 : memref<10000x128xf32, #tpu.memory_space<vmem_shared>>)
        "tpu.region"() ({
          %run_scoped3A_242 = tpu.sem_alloc : memref<!tpu.dma_semaphore, #tpu.memory_space<semaphore_mem>>
          %dma_start3A_243 = arith.constant 0 : i32
          %dma_start3A_244 = arith.constant 0 : i32
          %dma_start3A_245 = tpu.memref_slice %arg3[%add3A, %sub3A_208, %dma_start3A_243, %dma_start3A_244] : memref<32x250x2x40xi32, #tpu.memory_space<hbm>> -> memref<1x1x2x40xi32, #tpu.memory_space<hbm>>
          %dma_start3A_246 = tpu.memref_squeeze %dma_start3A_245 : memref<1x1x2x40xi32, #tpu.memory_space<hbm>> -> memref<2x40xi32, #tpu.memory_space<hbm>>
          %dma_start3A_247 = arith.constant 0 : i32
          %dma_start3A_248 = arith.constant 0 : i32
          %dma_start3A_249 = tpu.memref_slice %arg3[%add3A, %sub3A_208, %dma_start3A_247, %dma_start3A_248] : memref<32x250x2x40xi32, #tpu.memory_space<hbm>> -> memref<1x1x2x40xi32, #tpu.memory_space<hbm>>
          %dma_start3A_250 = tpu.memref_squeeze %dma_start3A_249 : memref<1x1x2x40xi32, #tpu.memory_space<hbm>> -> memref<2x40xi32, #tpu.memory_space<hbm>>
          tpu.enqueue_dma source(%dma_start3A_250 : memref<2x40xi32, #tpu.memory_space<hbm>>) target(%arg13 : memref<2x40xi32, #tpu.memory_space<vmem>>) target_semaphore(%run_scoped3A_242 : memref<!tpu.dma_semaphore, #tpu.memory_space<semaphore_mem>>)
          %dma_wait3A_251 = arith.constant 0 : i32
          %dma_wait3A_252 = arith.constant 0 : i32
          %dma_wait3A_253 = tpu.memref_slice %arg3[%add3A, %sub3A_208, %dma_wait3A_251, %dma_wait3A_252] : memref<32x250x2x40xi32, #tpu.memory_space<hbm>> -> memref<1x1x2x40xi32, #tpu.memory_space<hbm>>
          %dma_wait3A_254 = tpu.memref_squeeze %dma_wait3A_253 : memref<1x1x2x40xi32, #tpu.memory_space<hbm>> -> memref<2x40xi32, #tpu.memory_space<hbm>>
          %dma_wait3A_255 = arith.constant 0 : i32
          %dma_wait3A_256 = arith.constant 0 : i32
          %dma_wait3A_257 = tpu.memref_slice %arg3[%add3A, %sub3A_208, %dma_wait3A_255, %dma_wait3A_256] : memref<32x250x2x40xi32, #tpu.memory_space<hbm>> -> memref<1x1x2x40xi32, #tpu.memory_space<hbm>>
          %dma_wait3A_258 = tpu.memref_squeeze %dma_wait3A_257 : memref<1x1x2x40xi32, #tpu.memory_space<hbm>> -> memref<2x40xi32, #tpu.memory_space<hbm>>
          tpu.wait_dma2 semaphore(%run_scoped3A_242 : memref<!tpu.dma_semaphore, #tpu.memory_space<semaphore_mem>>) src(%dma_wait3A_258 : memref<2x40xi32, #tpu.memory_space<hbm>>) dst(%arg13 : memref<2x40xi32, #tpu.memory_space<vmem>>)
          tpu.yield
        }) : () -> ()
        %dma_start3A_235 = arith.constant 0 : i32
        %dma_start3A_236 = arith.constant 0 : i32
        %dma_start3A_237 = tpu.memref_slice %arg13[%dma_start3A_235, %dma_start3A_236] : memref<2x40xi32, #tpu.memory_space<vmem>> -> memref<1x40xi32, #tpu.memory_space<vmem>>
        %dma_start3A_238 = tpu.memref_squeeze %dma_start3A_237 : memref<1x40xi32, #tpu.memory_space<vmem>> -> memref<40xi32, #tpu.memory_space<vmem>>
        %dma_start3A_239 = arith.constant 0 : i32
        %dma_start3A_240 = arith.constant 0 : i32
        %dma_start3A_241 = tpu.memref_slice %arg2[%dma_start3A_239, %dma_start3A_240] : memref<10000x128xf32, #tpu.memory_space<hbm>> -> memref<10000x128xf32, #tpu.memory_space<hbm>>
        tpu.enqueue_indirect_dma source(%dma_start3A_241 : memref<10000x128xf32, #tpu.memory_space<hbm>>) target(%arg18 : memref<40x128xf32, #tpu.memory_space<vmem>>) offsets(%dma_start3A_238 : memref<40xi32, #tpu.memory_space<vmem>>) semaphore(%arg24 : memref<!tpu.dma_semaphore, #tpu.memory_space<semaphore_mem>>)
      } else {
      }
    }
    %scan3A_43 = arith.constant 50 : i32
    %dma_wait3A = arith.constant 1 : i32
    %dma_wait3A_44 = arith.constant 0 : i32
    %dma_wait3A_45 = tpu.memref_slice %arg10[%dma_wait3A, %dma_wait3A_44] : memref<2x40xi32, #tpu.memory_space<vmem>> -> memref<1x40xi32, #tpu.memory_space<vmem>>
    %dma_wait3A_46 = tpu.memref_squeeze %dma_wait3A_45 : memref<1x40xi32, #tpu.memory_space<vmem>> -> memref<40xi32, #tpu.memory_space<vmem>>
    %dma_wait3A_47 = arith.constant 0 : i32
    %dma_wait3A_48 = arith.constant 0 : i32
    %dma_wait3A_49 = tpu.memref_slice %arg8[%dma_wait3A_47, %dma_wait3A_48] : memref<10000x128xf32, #tpu.memory_space<vmem_shared>> -> memref<10000x128xf32, #tpu.memory_space<vmem_shared>>
    tpu.wait_indirect_dma semaphore(%arg26 : memref<!tpu.dma_semaphore, #tpu.memory_space<semaphore_mem>>) src(%arg15 : memref<40x128xf32, #tpu.memory_space<vmem>>) dst(%dma_wait3A_49 : memref<10000x128xf32, #tpu.memory_space<vmem_shared>>)
    %dma_wait3A_50 = arith.constant 1 : i32
    %dma_wait3A_51 = arith.constant 0 : i32
    %dma_wait3A_52 = tpu.memref_slice %arg11[%dma_wait3A_50, %dma_wait3A_51] : memref<2x40xi32, #tpu.memory_space<vmem>> -> memref<1x40xi32, #tpu.memory_space<vmem>>
    %dma_wait3A_53 = tpu.memref_squeeze %dma_wait3A_52 : memref<1x40xi32, #tpu.memory_space<vmem>> -> memref<40xi32, #tpu.memory_space<vmem>>
    %dma_wait3A_54 = arith.constant 0 : i32
    %dma_wait3A_55 = arith.constant 0 : i32
    %dma_wait3A_56 = tpu.memref_slice %arg8[%dma_wait3A_54, %dma_wait3A_55] : memref<10000x128xf32, #tpu.memory_space<vmem_shared>> -> memref<10000x128xf32, #tpu.memory_space<vmem_shared>>
    tpu.wait_indirect_dma semaphore(%arg27 : memref<!tpu.dma_semaphore, #tpu.memory_space<semaphore_mem>>) src(%arg16 : memref<40x128xf32, #tpu.memory_space<vmem>>) dst(%dma_wait3A_56 : memref<10000x128xf32, #tpu.memory_space<vmem_shared>>)
    %dma_wait3A_57 = arith.constant 1 : i32
    %dma_wait3A_58 = arith.constant 0 : i32
    %dma_wait3A_59 = tpu.memref_slice %arg12[%dma_wait3A_57, %dma_wait3A_58] : memref<2x40xi32, #tpu.memory_space<vmem>> -> memref<1x40xi32, #tpu.memory_space<vmem>>
    %dma_wait3A_60 = tpu.memref_squeeze %dma_wait3A_59 : memref<1x40xi32, #tpu.memory_space<vmem>> -> memref<40xi32, #tpu.memory_space<vmem>>
    %dma_wait3A_61 = arith.constant 0 : i32
    %dma_wait3A_62 = arith.constant 0 : i32
    %dma_wait3A_63 = tpu.memref_slice %arg8[%dma_wait3A_61, %dma_wait3A_62] : memref<10000x128xf32, #tpu.memory_space<vmem_shared>> -> memref<10000x128xf32, #tpu.memory_space<vmem_shared>>
    tpu.wait_indirect_dma semaphore(%arg28 : memref<!tpu.dma_semaphore, #tpu.memory_space<semaphore_mem>>) src(%arg17 : memref<40x128xf32, #tpu.memory_space<vmem>>) dst(%dma_wait3A_63 : memref<10000x128xf32, #tpu.memory_space<vmem_shared>>)
    %dma_wait3A_64 = arith.constant 1 : i32
    %dma_wait3A_65 = arith.constant 0 : i32
    %dma_wait3A_66 = tpu.memref_slice %arg13[%dma_wait3A_64, %dma_wait3A_65] : memref<2x40xi32, #tpu.memory_space<vmem>> -> memref<1x40xi32, #tpu.memory_space<vmem>>
    %dma_wait3A_67 = tpu.memref_squeeze %dma_wait3A_66 : memref<1x40xi32, #tpu.memory_space<vmem>> -> memref<40xi32, #tpu.memory_space<vmem>>
    %dma_wait3A_68 = arith.constant 0 : i32
    %dma_wait3A_69 = arith.constant 0 : i32
    %dma_wait3A_70 = tpu.memref_slice %arg8[%dma_wait3A_68, %dma_wait3A_69] : memref<10000x128xf32, #tpu.memory_space<vmem_shared>> -> memref<10000x128xf32, #tpu.memory_space<vmem_shared>>
    tpu.wait_indirect_dma semaphore(%arg29 : memref<!tpu.dma_semaphore, #tpu.memory_space<semaphore_mem>>) src(%arg18 : memref<40x128xf32, #tpu.memory_space<vmem>>) dst(%dma_wait3A_70 : memref<10000x128xf32, #tpu.memory_space<vmem_shared>>)
    %dma_wait3A_71 = arith.constant 1 : i32
    %dma_wait3A_72 = arith.constant 0 : i32
    %dma_wait3A_73 = tpu.memref_slice %arg14[%dma_wait3A_71, %dma_wait3A_72] : memref<2x40xi32, #tpu.memory_space<vmem>> -> memref<1x40xi32, #tpu.memory_space<vmem>>
    %dma_wait3A_74 = tpu.memref_squeeze %dma_wait3A_73 : memref<1x40xi32, #tpu.memory_space<vmem>> -> memref<40xi32, #tpu.memory_space<vmem>>
    %dma_wait3A_75 = arith.constant 0 : i32
    %dma_wait3A_76 = arith.constant 0 : i32
    %dma_wait3A_77 = tpu.memref_slice %arg8[%dma_wait3A_75, %dma_wait3A_76] : memref<10000x128xf32, #tpu.memory_space<vmem_shared>> -> memref<10000x128xf32, #tpu.memory_space<vmem_shared>>
    tpu.wait_indirect_dma semaphore(%arg30 : memref<!tpu.dma_semaphore, #tpu.memory_space<semaphore_mem>>) src(%arg19 : memref<40x128xf32, #tpu.memory_space<vmem>>) dst(%dma_wait3A_77 : memref<10000x128xf32, #tpu.memory_space<vmem_shared>>)
    %barrier3A_78 = arith.constant 0 : index
    tpu.barrier barrier_id(%barrier3A_78)
    %lt3A_79 = arith.constant 15 : i32
    %lt3A_80 = arith.cmpi slt, %arg1, %lt3A_79 : i32
    %convert_element_type3A_81 = arith.extui %lt3A_80 : i1 to i32
    %cond3A_82 = arith.constant 0 : i32
    %cond3A_83 = arith.cmpi ne, %convert_element_type3A_81, %cond3A_82 : i32
    scf.if %cond3A_83 {
      "tpu.region"() ({
        %run_scoped3A_89 = tpu.sem_alloc : memref<!tpu.dma_semaphore, #tpu.memory_space<semaphore_mem>>
        %dma_start3A_90 = arith.constant 0 : i32
        %dma_start3A_91 = tpu.memref_slice %arg6[%arg0, %mul3A_2, %dma_start3A_90] : memref<2x10000x128xf32, #tpu.memory_space<hbm>> -> memref<1x640x128xf32, #tpu.memory_space<hbm>>
        %dma_start3A_92 = tpu.memref_squeeze %dma_start3A_91 : memref<1x640x128xf32, #tpu.memory_space<hbm>> -> memref<640x128xf32, #tpu.memory_space<hbm>>
        %dma_start3A_93 = arith.constant 0 : i32
        %dma_start3A_94 = tpu.memref_slice %arg8[%mul3A_2, %dma_start3A_93] : memref<10000x128xf32, #tpu.memory_space<vmem_shared>> -> memref<640x128xf32, #tpu.memory_space<vmem_shared>>
        tpu.enqueue_dma source(%dma_start3A_94 : memref<640x128xf32, #tpu.memory_space<vmem_shared>>) target(%dma_start3A_92 : memref<640x128xf32, #tpu.memory_space<hbm>>) target_semaphore(%run_scoped3A_89 : memref<!tpu.dma_semaphore, #tpu.memory_space<semaphore_mem>>)
        %dma_wait3A_95 = arith.constant 0 : i32
        %dma_wait3A_96 = tpu.memref_slice %arg6[%arg0, %mul3A_2, %dma_wait3A_95] : memref<2x10000x128xf32, #tpu.memory_space<hbm>> -> memref<1x640x128xf32, #tpu.memory_space<hbm>>
        %dma_wait3A_97 = tpu.memref_squeeze %dma_wait3A_96 : memref<1x640x128xf32, #tpu.memory_space<hbm>> -> memref<640x128xf32, #tpu.memory_space<hbm>>
        %dma_wait3A_98 = arith.constant 0 : i32
        %dma_wait3A_99 = tpu.memref_slice %arg8[%mul3A_2, %dma_wait3A_98] : memref<10000x128xf32, #tpu.memory_space<vmem_shared>> -> memref<640x128xf32, #tpu.memory_space<vmem_shared>>
        tpu.wait_dma2 semaphore(%run_scoped3A_89 : memref<!tpu.dma_semaphore, #tpu.memory_space<semaphore_mem>>) src(%dma_wait3A_99 : memref<640x128xf32, #tpu.memory_space<vmem_shared>>) dst(%dma_wait3A_97 : memref<640x128xf32, #tpu.memory_space<hbm>>)
        tpu.yield
      }) : () -> ()
    } else {
    }
    %eq3A_84 = arith.constant 15 : i32
    %eq3A_85 = arith.cmpi eq, %arg1, %eq3A_84 : i32
    %convert_element_type3A_86 = arith.extui %eq3A_85 : i1 to i32
    %cond3A_87 = arith.constant 0 : i32
    %cond3A_88 = arith.cmpi ne, %convert_element_type3A_86, %cond3A_87 : i32
    scf.if %cond3A_88 {
      "tpu.region"() ({
        %run_scoped3A_89 = tpu.sem_alloc : memref<!tpu.dma_semaphore, #tpu.memory_space<semaphore_mem>>
        %dma_start3A_90 = arith.constant 0 : i32
        %dma_start3A_91 = tpu.memref_slice %arg6[%arg0, %mul3A_2, %dma_start3A_90] : memref<2x10000x128xf32, #tpu.memory_space<hbm>> -> memref<1x400x128xf32, #tpu.memory_space<hbm>>
        %dma_start3A_92 = tpu.memref_squeeze %dma_start3A_91 : memref<1x400x128xf32, #tpu.memory_space<hbm>> -> memref<400x128xf32, #tpu.memory_space<hbm>>
        %dma_start3A_93 = arith.constant 0 : i32
        %dma_start3A_94 = tpu.memref_slice %arg8[%mul3A_2, %dma_start3A_93] : memref<10000x128xf32, #tpu.memory_space<vmem_shared>> -> memref<400x128xf32, #tpu.memory_space<vmem_shared>>
        tpu.enqueue_dma source(%dma_start3A_94 : memref<400x128xf32, #tpu.memory_space<vmem_shared>>) target(%dma_start3A_92 : memref<400x128xf32, #tpu.memory_space<hbm>>) target_semaphore(%run_scoped3A_89 : memref<!tpu.dma_semaphore, #tpu.memory_space<semaphore_mem>>)
        %dma_wait3A_95 = arith.constant 0 : i32
        %dma_wait3A_96 = tpu.memref_slice %arg6[%arg0, %mul3A_2, %dma_wait3A_95] : memref<2x10000x128xf32, #tpu.memory_space<hbm>> -> memref<1x400x128xf32, #tpu.memory_space<hbm>>
        %dma_wait3A_97 = tpu.memref_squeeze %dma_wait3A_96 : memref<1x400x128xf32, #tpu.memory_space<hbm>> -> memref<400x128xf32, #tpu.memory_space<hbm>>
        %dma_wait3A_98 = arith.constant 0 : i32
        %dma_wait3A_99 = tpu.memref_slice %arg8[%mul3A_2, %dma_wait3A_98] : memref<10000x128xf32, #tpu.memory_space<vmem_shared>> -> memref<400x128xf32, #tpu.memory_space<vmem_shared>>
        tpu.wait_dma2 semaphore(%run_scoped3A_89 : memref<!tpu.dma_semaphore, #tpu.memory_space<semaphore_mem>>) src(%dma_wait3A_99 : memref<400x128xf32, #tpu.memory_space<vmem_shared>>) dst(%dma_wait3A_97 : memref<400x128xf32, #tpu.memory_space<hbm>>)
        tpu.yield
      }) : () -> ()
    } else {
    }
    return
  }
}

module attributes {stable_mosaic.version = 14 : i64} {
  func.func @_layer1_tc_body(%arg0: i32, %arg1: memref<2x1000x128xf32, #tpu.memory_space<vmem>>, %arg2: memref<2x1000x1xf32, #tpu.memory_space<vmem>>, %arg3: memref<1000x128xf32, #tpu.memory_space<vmem>>, %arg4: memref<128x256xf32, #tpu.memory_space<vmem>>, %arg5: memref<128x256xf32, #tpu.memory_space<vmem>>, %arg6: memref<1x256xf32, #tpu.memory_space<vmem>>, %arg7: memref<256x128xf32, #tpu.memory_space<vmem>>, %arg8: memref<1000x256xf32, #tpu.memory_space<vmem>>, %arg9: memref<1000x128xf32, #tpu.memory_space<vmem>>, %arg10: memref<1000x1xf32, #tpu.memory_space<vmem>>) attributes {dimension_semantics = [#tpu.dimension_semantics<arbitrary>], iteration_bounds = array<i64: 10>, scalar_prefetch = 0 : i64, scratch_operands = 0 : i64, tpu.core_type = #tpu.core_type<tc>, window_params = [{transform_indices = @transform_0, window_bounds = array<i64: 2, 1000, 128>}, {transform_indices = @transform_1, window_bounds = array<i64: 2, 1000, 1>}, {transform_indices = @transform_2, window_bounds = array<i64: 1000, 128>}, {pipeline_mode = #tpu.pipeline_mode<synchronous>, transform_indices = @transform_3, window_bounds = array<i64: 128, 256>}, {pipeline_mode = #tpu.pipeline_mode<synchronous>, transform_indices = @transform_4, window_bounds = array<i64: 128, 256>}, {pipeline_mode = #tpu.pipeline_mode<synchronous>, transform_indices = @transform_5, window_bounds = array<i64: 1, 256>}, {pipeline_mode = #tpu.pipeline_mode<synchronous>, transform_indices = @transform_6, window_bounds = array<i64: 256, 128>}, {transform_indices = @transform_7, window_bounds = array<i64: 1000, 256>}, {transform_indices = @transform_8, window_bounds = array<i64: 1000, 128>}, {transform_indices = @transform_9, window_bounds = array<i64: 1000, 1>}]} {
    %get3A = arith.constant 0 : index
    %get3A_0 = arith.constant 0 : index
    %get3A_1 = arith.constant 0 : index
    %get3A_2 = vector.load %arg2[%get3A, %get3A_0, %get3A_1] : memref<2x1000x1xf32, #tpu.memory_space<vmem>>, vector<1x1000x1xf32>
    %get3A_3 = vector.shape_cast %get3A_2 : vector<1x1000x1xf32> to vector<1000x1xf32>
    %get3A_4 = arith.constant 1 : index
    %get3A_5 = arith.constant 0 : index
    %get3A_6 = arith.constant 0 : index
    %get3A_7 = vector.load %arg2[%get3A_4, %get3A_5, %get3A_6] : memref<2x1000x1xf32, #tpu.memory_space<vmem>>, vector<1x1000x1xf32>
    %get3A_8 = vector.shape_cast %get3A_7 : vector<1x1000x1xf32> to vector<1000x1xf32>
    %add3A = arith.addf %get3A_3, %get3A_8 : vector<1000x1xf32>
    %max3A = arith.constant 1.000000e+00 : f32
    %max3A_9 = vector.broadcast %max3A : f32 to vector<1000x1xf32>
    %max3A_10 = arith.maximumf %add3A, %max3A_9 : vector<1000x1xf32>
    %div3A = arith.constant 1.000000e+00 : f32
    %div3A_11 = vector.broadcast %div3A : f32 to vector<1000x1xf32>
    %div3A_12 = arith.divf %div3A_11, %max3A_10 : vector<1000x1xf32>
    %get3A_13 = arith.constant 0 : index
    %get3A_14 = arith.constant 0 : index
    %get3A_15 = arith.constant 0 : index
    %get3A_16 = vector.load %arg1[%get3A_13, %get3A_14, %get3A_15] : memref<2x1000x128xf32, #tpu.memory_space<vmem>>, vector<1x1000x128xf32>
    %get3A_17 = vector.shape_cast %get3A_16 : vector<1x1000x128xf32> to vector<1000x128xf32>
    %get3A_18 = arith.constant 1 : index
    %get3A_19 = arith.constant 0 : index
    %get3A_20 = arith.constant 0 : index
    %get3A_21 = vector.load %arg1[%get3A_18, %get3A_19, %get3A_20] : memref<2x1000x128xf32, #tpu.memory_space<vmem>>, vector<1x1000x128xf32>
    %get3A_22 = vector.shape_cast %get3A_21 : vector<1x1000x128xf32> to vector<1000x128xf32>
    %add3A_23 = arith.addf %get3A_17, %get3A_22 : vector<1000x128xf32>
    %mul3A = vector.broadcast %div3A_12 : vector<1000x1xf32> to vector<1000x128xf32>
    %mul3A_24 = arith.mulf %add3A_23, %mul3A : vector<1000x128xf32>
    %get3A_25 = arith.constant 0 : index
    %get3A_26 = arith.constant 0 : index
    %get3A_27 = vector.load %arg4[%get3A_25, %get3A_26] : memref<128x256xf32, #tpu.memory_space<vmem>>, vector<128x256xf32>
    %dot_general3A = arith.constant dense<0.000000e+00> : vector<1000x256xf32>
    %dot_general3A_28 = tpu.matmul %mul3A_24, %get3A_27, %dot_general3A {dimension_numbers = #tpu.dot_dimension_numbers<[1], [0], [0], [1], [0, 0, 1, 1], [], []>, transpose_lhs_hint = false} : vector<1000x128xf32>, vector<128x256xf32>, vector<1000x256xf32> -> vector<1000x256xf32>
    %get3A_29 = arith.constant 0 : index
    %get3A_30 = arith.constant 0 : index
    %get3A_31 = vector.load %arg6[%get3A_29, %get3A_30] : memref<1x256xf32, #tpu.memory_space<vmem>>, vector<1x256xf32>
    %add3A_32 = vector.broadcast %get3A_31 : vector<1x256xf32> to vector<1000x256xf32>
    %add3A_33 = arith.addf %dot_general3A_28, %add3A_32 : vector<1000x256xf32>
    %get3A_34 = arith.constant 0 : index
    %get3A_35 = arith.constant 0 : index
    %get3A_36 = vector.load %arg3[%get3A_34, %get3A_35] : memref<1000x128xf32, #tpu.memory_space<vmem>>, vector<1000x128xf32>
    %get3A_37 = arith.constant 0 : index
    %get3A_38 = arith.constant 0 : index
    %get3A_39 = vector.load %arg5[%get3A_37, %get3A_38] : memref<128x256xf32, #tpu.memory_space<vmem>>, vector<128x256xf32>
    %dot_general3A_40 = arith.constant dense<0.000000e+00> : vector<1000x256xf32>
    %dot_general3A_41 = tpu.matmul %get3A_36, %get3A_39, %dot_general3A_40 {dimension_numbers = #tpu.dot_dimension_numbers<[1], [0], [0], [1], [0, 0, 1, 1], [], []>, transpose_lhs_hint = false} : vector<1000x128xf32>, vector<128x256xf32>, vector<1000x256xf32> -> vector<1000x256xf32>
    %add3A_42 = arith.addf %add3A_33, %dot_general3A_41 : vector<1000x256xf32>
    %max3A_43 = arith.constant 0.000000e+00 : f32
    %max3A_44 = vector.broadcast %max3A_43 : f32 to vector<1000x256xf32>
    %max3A_45 = arith.maximumf %add3A_42, %max3A_44 : vector<1000x256xf32>
    %swap3A = arith.constant 0 : index
    %swap3A_46 = arith.constant 0 : index
    %swap3A_47 = vector.load %arg8[%swap3A, %swap3A_46] : memref<1000x256xf32, #tpu.memory_space<vmem>>, vector<1000x256xf32>
    tpu.vector_store %arg8[%swap3A, %swap3A_46], %max3A_45 {strides = array<i32>} : memref<1000x256xf32, #tpu.memory_space<vmem>>, vector<1000x256xf32>,
    %get3A_48 = arith.constant 0 : index
    %get3A_49 = arith.constant 0 : index
    %get3A_50 = vector.load %arg7[%get3A_48, %get3A_49] : memref<256x128xf32, #tpu.memory_space<vmem>>, vector<256x128xf32>
    %dot_general3A_51 = arith.constant dense<0.000000e+00> : vector<1000x128xf32>
    %dot_general3A_52 = tpu.matmul %max3A_45, %get3A_50, %dot_general3A_51 {dimension_numbers = #tpu.dot_dimension_numbers<[1], [0], [0], [1], [0, 0, 1, 1], [], []>, transpose_lhs_hint = false} : vector<1000x256xf32>, vector<256x128xf32>, vector<1000x128xf32> -> vector<1000x128xf32>
    %swap3A_53 = arith.constant 0 : index
    %swap3A_54 = arith.constant 0 : index
    %swap3A_55 = vector.load %arg9[%swap3A_53, %swap3A_54] : memref<1000x128xf32, #tpu.memory_space<vmem>>, vector<1000x128xf32>
    tpu.vector_store %arg9[%swap3A_53, %swap3A_54], %dot_general3A_52 {strides = array<i32>} : memref<1000x128xf32, #tpu.memory_space<vmem>>, vector<1000x128xf32>,
    %swap3A_56 = arith.constant 0 : index
    %swap3A_57 = arith.constant 0 : index
    %swap3A_58 = vector.load %arg10[%swap3A_56, %swap3A_57] : memref<1000x1xf32, #tpu.memory_space<vmem>>, vector<1000x1xf32>
    tpu.vector_store %arg10[%swap3A_56, %swap3A_57], %div3A_12 {strides = array<i32>} : memref<1000x1xf32, #tpu.memory_space<vmem>>, vector<1000x1xf32>,
    return
  }
  func.func @transform_0(%arg0: i32) -> (i32, i32, i32) {
    %c0_i32 = arith.constant 0 : i32
    %c0_i32_0 = arith.constant 0 : i32
    %c0_i32_1 = arith.constant 0 : i32
    return %c0_i32, %arg0, %c0_i32_0 : i32, i32, i32
  }
  func.func @transform_1(%arg0: i32) -> (i32, i32, i32) {
    %c0_i32 = arith.constant 0 : i32
    %c0_i32_0 = arith.constant 0 : i32
    %c0_i32_1 = arith.constant 0 : i32
    return %c0_i32, %arg0, %c0_i32_0 : i32, i32, i32
  }
  func.func @transform_2(%arg0: i32) -> (i32, i32) {
    %c0_i32 = arith.constant 0 : i32
    %c0_i32_0 = arith.constant 0 : i32
    return %arg0, %c0_i32 : i32, i32
  }
  func.func @transform_3(%arg0: i32) -> (i32, i32) {
    %c0_i32 = arith.constant 0 : i32
    %c0_i32_0 = arith.constant 0 : i32
    %c0_i32_1 = arith.constant 0 : i32
    return %c0_i32, %c0_i32_0 : i32, i32
  }
  func.func @transform_4(%arg0: i32) -> (i32, i32) {
    %c0_i32 = arith.constant 0 : i32
    %c0_i32_0 = arith.constant 0 : i32
    %c0_i32_1 = arith.constant 0 : i32
    return %c0_i32, %c0_i32_0 : i32, i32
  }
  func.func @transform_5(%arg0: i32) -> (i32, i32) {
    %c0_i32 = arith.constant 0 : i32
    %c0_i32_0 = arith.constant 0 : i32
    %c0_i32_1 = arith.constant 0 : i32
    return %c0_i32, %c0_i32_0 : i32, i32
  }
  func.func @transform_6(%arg0: i32) -> (i32, i32) {
    %c0_i32 = arith.constant 0 : i32
    %c0_i32_0 = arith.constant 0 : i32
    %c0_i32_1 = arith.constant 0 : i32
    return %c0_i32, %c0_i32_0 : i32, i32
  }
  func.func @transform_7(%arg0: i32) -> (i32, i32) {
    %c0_i32 = arith.constant 0 : i32
    %c0_i32_0 = arith.constant 0 : i32
    return %arg0, %c0_i32 : i32, i32
  }
  func.func @transform_8(%arg0: i32) -> (i32, i32) {
    %c0_i32 = arith.constant 0 : i32
    %c0_i32_0 = arith.constant 0 : i32
    return %arg0, %c0_i32 : i32, i32
  }
  func.func @transform_9(%arg0: i32) -> (i32, i32) {
    %c0_i32 = arith.constant 0 : i32
    %c0_i32_0 = arith.constant 0 : i32
    return %arg0, %c0_i32 : i32, i32
  }
}

module attributes {stable_mosaic.version = 14 : i64} {
  func.func @_layer2_tc_body(%arg0: i32, %arg1: memref<2x1000x128xf32, #tpu.memory_space<vmem>>, %arg2: memref<1000x1xf32, #tpu.memory_space<vmem>>, %arg3: memref<1000x256xf32, #tpu.memory_space<vmem>>, %arg4: memref<256x128xf32, #tpu.memory_space<vmem>>, %arg5: memref<1x128xf32, #tpu.memory_space<vmem>>, %arg6: memref<1000x100xf32, #tpu.memory_space<vmem>>) attributes {dimension_semantics = [#tpu.dimension_semantics<arbitrary>], iteration_bounds = array<i64: 10>, scalar_prefetch = 0 : i64, scratch_operands = 0 : i64, tpu.core_type = #tpu.core_type<tc>, window_params = [{transform_indices = @transform_0, window_bounds = array<i64: 2, 1000, 128>}, {transform_indices = @transform_1, window_bounds = array<i64: 1000, 1>}, {transform_indices = @transform_2, window_bounds = array<i64: 1000, 256>}, {pipeline_mode = #tpu.pipeline_mode<synchronous>, transform_indices = @transform_3, window_bounds = array<i64: 256, 128>}, {pipeline_mode = #tpu.pipeline_mode<synchronous>, transform_indices = @transform_4, window_bounds = array<i64: 1, 128>}, {transform_indices = @transform_5, window_bounds = array<i64: 1000, 100>}]} {
    %get3A = arith.constant 0 : index
    %get3A_0 = arith.constant 0 : index
    %get3A_1 = arith.constant 0 : index
    %get3A_2 = vector.load %arg1[%get3A, %get3A_0, %get3A_1] : memref<2x1000x128xf32, #tpu.memory_space<vmem>>, vector<1x1000x128xf32>
    %get3A_3 = vector.shape_cast %get3A_2 : vector<1x1000x128xf32> to vector<1000x128xf32>
    %get3A_4 = arith.constant 1 : index
    %get3A_5 = arith.constant 0 : index
    %get3A_6 = arith.constant 0 : index
    %get3A_7 = vector.load %arg1[%get3A_4, %get3A_5, %get3A_6] : memref<2x1000x128xf32, #tpu.memory_space<vmem>>, vector<1x1000x128xf32>
    %get3A_8 = vector.shape_cast %get3A_7 : vector<1x1000x128xf32> to vector<1000x128xf32>
    %add3A = arith.addf %get3A_3, %get3A_8 : vector<1000x128xf32>
    %get3A_9 = arith.constant 0 : index
    %get3A_10 = arith.constant 0 : index
    %get3A_11 = vector.load %arg2[%get3A_9, %get3A_10] : memref<1000x1xf32, #tpu.memory_space<vmem>>, vector<1000x1xf32>
    %mul3A = vector.broadcast %get3A_11 : vector<1000x1xf32> to vector<1000x128xf32>
    %mul3A_12 = arith.mulf %add3A, %mul3A : vector<1000x128xf32>
    %get3A_13 = arith.constant 0 : index
    %get3A_14 = arith.constant 0 : index
    %get3A_15 = vector.load %arg3[%get3A_13, %get3A_14] : memref<1000x256xf32, #tpu.memory_space<vmem>>, vector<1000x256xf32>
    %get3A_16 = arith.constant 0 : index
    %get3A_17 = arith.constant 0 : index
    %get3A_18 = vector.load %arg4[%get3A_16, %get3A_17] : memref<256x128xf32, #tpu.memory_space<vmem>>, vector<256x128xf32>
    %dot_general3A = arith.constant dense<0.000000e+00> : vector<1000x128xf32>
    %dot_general3A_19 = tpu.matmul %get3A_15, %get3A_18, %dot_general3A {dimension_numbers = #tpu.dot_dimension_numbers<[1], [0], [0], [1], [0, 0, 1, 1], [], []>, transpose_lhs_hint = false} : vector<1000x256xf32>, vector<256x128xf32>, vector<1000x128xf32> -> vector<1000x128xf32>
    %add3A_20 = arith.addf %mul3A_12, %dot_general3A_19 : vector<1000x128xf32>
    %get3A_21 = arith.constant 0 : index
    %get3A_22 = arith.constant 0 : index
    %get3A_23 = vector.load %arg5[%get3A_21, %get3A_22] : memref<1x128xf32, #tpu.memory_space<vmem>>, vector<1x128xf32>
    %add3A_24 = vector.broadcast %get3A_23 : vector<1x128xf32> to vector<1000x128xf32>
    %add3A_25 = arith.addf %add3A_20, %add3A_24 : vector<1000x128xf32>
    %logistic3A = arith.negf %add3A_25 : vector<1000x128xf32>
    %logistic3A_26 = math.exp %logistic3A : vector<1000x128xf32>
    %logistic3A_27 = arith.constant 1.000000e+00 : f32
    %logistic3A_28 = vector.broadcast %logistic3A_27 : f32 to vector<1000x128xf32>
    %logistic3A_29 = arith.addf %logistic3A_28, %logistic3A_26 : vector<1000x128xf32>
    %logistic3A_30 = arith.divf %logistic3A_28, %logistic3A_29 : vector<1000x128xf32>
    %slice3A = vector.extract_strided_slice %logistic3A_30 {offsets = [0, 0], sizes = [1000, 100], strides = [1, 1]} : vector<1000x128xf32> to vector<1000x100xf32>
    %swap3A = arith.constant 0 : index
    %swap3A_31 = arith.constant 0 : index
    %swap3A_32 = vector.load %arg6[%swap3A, %swap3A_31] : memref<1000x100xf32, #tpu.memory_space<vmem>>, vector<1000x100xf32>
    tpu.vector_store %arg6[%swap3A, %swap3A_31], %slice3A {strides = array<i32>} : memref<1000x100xf32, #tpu.memory_space<vmem>>, vector<1000x100xf32>,
    return
  }
  func.func @transform_0(%arg0: i32) -> (i32, i32, i32) {
    %c0_i32 = arith.constant 0 : i32
    %c0_i32_0 = arith.constant 0 : i32
    %c0_i32_1 = arith.constant 0 : i32
    return %c0_i32, %arg0, %c0_i32_0 : i32, i32, i32
  }
  func.func @transform_1(%arg0: i32) -> (i32, i32) {
    %c0_i32 = arith.constant 0 : i32
    %c0_i32_0 = arith.constant 0 : i32
    return %arg0, %c0_i32 : i32, i32
  }
  func.func @transform_2(%arg0: i32) -> (i32, i32) {
    %c0_i32 = arith.constant 0 : i32
    %c0_i32_0 = arith.constant 0 : i32
    return %arg0, %c0_i32 : i32, i32
  }
  func.func @transform_3(%arg0: i32) -> (i32, i32) {
    %c0_i32 = arith.constant 0 : i32
    %c0_i32_0 = arith.constant 0 : i32
    %c0_i32_1 = arith.constant 0 : i32
    return %c0_i32, %c0_i32_0 : i32, i32
  }
  func.func @transform_4(%arg0: i32) -> (i32, i32) {
    %c0_i32 = arith.constant 0 : i32
    %c0_i32_0 = arith.constant 0 : i32
    %c0_i32_1 = arith.constant 0 : i32
    return %c0_i32, %c0_i32_0 : i32, i32
  }
  func.func @transform_5(%arg0: i32) -> (i32, i32) {
    %c0_i32 = arith.constant 0 : i32
    %c0_i32_0 = arith.constant 0 : i32
    return %arg0, %c0_i32 : i32, i32
  }
}

</mosaic_0001>

<sc_bundles>
// kernel: kernel.6.cloned.1.call-start
scs
__scs_entry_jumppad:
0x0: {  	(pc) =	sbr.rel $0x88, $3  }
0x1: {  	(tag) =	ssettag $0x0;
	lr =	simm.s32 $0x1  }
0x2: {  	[smem:$0x3F99] =	sst lr;
	_ =	strace $0xD0000000  }
0x3: {  	_ = 	snop  }
0x4: {  	_ = 	snop  }
0x5: {  	_ = 	snop  }
0x6: {  	_ = 	snop  }
0x7: {  	_ = 	snop  }
__scs_overlays_trampoline_lowered:
0x8: {  	[smem:$0x3FA8] =	sst s0  }
0x9: {  	[smem:$0x3FA9] =	sst s1  }
0xa: {  	[smem:$0x3FAA] =	sst s2  }
0xb: {  	[smem:$0x3FAB] =	sst s3  }
0xc: {  	[smem:$0x3FAC] =	sst s4  }
0xd: {  	[smem:$0x3FAD] =	sst s5  }
0xe: {  	[smem:$0x3FAE] =	sst s6  }
0xf: {  	[smem:$0x3FAF] =	sst s7  }
0x10: {  	[smem:$0x3FB0] =	sst s8  }
0x11: {  	[smem:$0x3FB1] =	sst s9;
	s0 =	simm.s32 @!p0 $0x0  }
0x12: {  	s1 =	sld [smem:$0x3F97];
	s0 =	simm.s32 @p0 $0x1  }
0x13: {  	[smem:$0x3FB2] =	sst s0;
	s0 =	simm.s32 @!p1 $0x0  }
0x14: {  	s2 =	sld [smem:$0x3F96];
	s0 =	simm.s32 @p1 $0x1  }
0x15: {  	[smem:$0x3FB3] =	sst s0;
	s0 =	simm.s32 @!p2 $0x0  }
0x16: {  	s3 =	sld [smem:$0x3FDB];
	s0 =	simm.s32 @p2 $0x1  }
0x17: {  	s4 =	simm.s32 $0x1BF5;
	[smem:$0x3FB5] =	sst s0  }
0x18: {  	s0 =	sld [smem:$0x3F98];
	_ =	swait.ge [sflag:s4], $0x0  }
0x19: {  	s7 =	sld [smem:$0x3F99]  }
0x1a: {  	s8 =	sadd.s32 $0xFFFFE003, lr  }
0x1b: {  	s9 =	sadd.s32 $0xFFFFFEF7, lr;
	s5 =	simm.s32 $0xFFFFFFFF;
	p2 =	slt.u32 s8, $0xFFFFF086  }
0x1c: {  	p1 =	slt.u32 s9, $0xF7A;
	s5 =	simm.s32 @!p2 $0x0  }
0x1d: {  	s5 =	simm.s32 @p1 $0x1;
	p0 =	seq.s32 s7, s2  }
0x1e: {  	s7 =	smul.u32 @!p0 $0xF7A, s2;
	p2 =	seq.s32 @!p0 s5, $0x0  }
0x1f: {  	s9 =	smul.u32 $0xF7A, s1;
	s8 =	simm.s32 @!p0 $0x1BF5;
	p2 =	por !p2, p0  }
0x20: {  	[sflag:s8] =	ssyncset.s32 @!p0 $0xFFFFF086;
	s6 =	sadd.s32 @!p0 s3, s7;
	s7 =	simm.s32 @!p0 $0x108  }
0x21: {  	s3 =	sadd.s32 s3, s9;
	s6 =	sadd.s32 @!p0 $0x88, s6;
	s7 =	simm.s32 @p2 $0x1082  }
0x22: {  	[simem:s7], [sflag:s8] =	dma.local @!p0 [hbm:s6], $0xF7A  }
0x23: {  	s9 =	sor.u32 $0xD0000000, s2;
	s6 =	simm.s32 $0x108;
	_ =	swait.ge @!p0 [sflag:s8], $0x0  }
0x24: {  	s3 =	sadd.s32 $0x88, s3;
	s6 =	simm.s32 @!p1 $0x1082;
	[sflag:s4] =	ssyncset.s32 $0xFFFFF086  }
0x25: {  	[simem:s6], [sflag:s4] =	dma.local [hbm:s3], $0xF7A  }
0x26: {  	[smem:$0x3F99] =	sst s1;
	(tag) =	ssettag s2;
	_ =	strace s9  }
0x27: {  	s1 =	sld [smem:$0x3FA9]  }
0x28: {  	s2 =	sld [smem:$0x3FAA]  }
0x29: {  	s4 =	sld [smem:$0x3FAC]  }
0x2a: {  	p0 =	seq.s32 s5, $0x0;
	s5 =	sld [smem:$0x3FAD]  }
0x2b: {  	s6 =	sld [smem:$0x3FAE]  }
0x2c: {  	s7 =	sld [smem:$0x3FAF]  }
0x2d: {  	s3 =	simm.s32 $0x108;
	s8 =	sld [smem:$0x3FB0]  }
0x2e: {  	s3 =	simm.s32 @!p0 $0x1082;
	s9 =	sld [smem:$0x3FB1]  }
0x2f: {  	lr =	sadd.s32 s0, s3;
	s0 =	sld [smem:$0x3FA8]  }
0x30: {  	s3 =	sld [smem:$0x3FAB]  }
0x31: {  	[smem:$0x3FB4] =	sst s10  }
0x32: {  	s10 =	sld [smem:$0x3FB2];
	_ =	sdelay $0x3  }
0x33: {  	p0 =	seq.s32 s10, $0x1;
	s10 =	sld [smem:$0x3FB4];
	_ =	sdelay $0x3  }
0x34: {  	[smem:$0x3FB4] =	sst s10  }
0x35: {  	s10 =	sld [smem:$0x3FB3];
	_ =	sdelay $0x3  }
0x36: {  	p1 =	seq.s32 s10, $0x1;
	s10 =	sld [smem:$0x3FB4];
	_ =	sdelay $0x3  }
0x37: {  	[smem:$0x3FB4] =	sst s10  }
0x38: {  	s10 =	sld [smem:$0x3FB5]  }
0x39: {  	_ = 	snop;
	(pc) =	sbr.ind lr, $3  }
0x3a: {  	_ = 	snop  }
0x3b: {  	_ = 	snop  }
0x3c: {  	p2 =	seq.s32 s10, $0x1;
	s10 =	sld [smem:$0x3FB4]  }
0x3d: {  	_ =	shalt  }
0x3e: {  	_ =	shalt  }
0x3f: {  	_ =	shalt  }
0x40: {  	_ =	shalt  }
0x41: {  	_ =	shalt  }
0x42: {  	_ =	shalt  }
0x43: {  	_ =	shalt  }
0x44: {  	_ =	shalt  }
0x45: {  	_ =	shalt  }
0x46: {  	_ =	shalt  }
0x47: {  	_ =	shalt  }
0x48: {  	_ =	shalt  }
0x49: {  	_ =	shalt  }
0x4a: {  	_ =	shalt  }
0x4b: {  	_ =	shalt  }
0x4c: {  	_ =	shalt  }
0x4d: {  	_ =	shalt  }
0x4e: {  	_ =	shalt  }
0x4f: {  	_ =	shalt  }
0x50: {  	_ =	shalt  }
0x51: {  	_ =	shalt  }
0x52: {  	_ =	shalt  }
0x53: {  	_ =	shalt  }
0x54: {  	_ =	shalt  }
0x55: {  	_ =	shalt  }
0x56: {  	_ =	shalt  }
0x57: {  	_ =	shalt  }
0x58: {  	_ =	shalt  }
0x59: {  	_ =	shalt  }
0x5a: {  	_ =	shalt  }
0x5b: {  	_ =	shalt  }
0x5c: {  	_ =	shalt  }
0x5d: {  	_ =	shalt  }
0x5e: {  	_ =	shalt  }
0x5f: {  	_ =	shalt  }
0x60: {  	_ =	shalt  }
0x61: {  	_ =	shalt  }
0x62: {  	_ =	shalt  }
0x63: {  	_ =	shalt  }
0x64: {  	_ =	shalt  }
0x65: {  	_ =	shalt  }
0x66: {  	_ =	shalt  }
0x67: {  	_ =	shalt  }
0x68: {  	_ =	shalt  }
0x69: {  	_ =	shalt  }
0x6a: {  	_ =	shalt  }
0x6b: {  	_ =	shalt  }
0x6c: {  	_ =	shalt  }
0x6d: {  	_ =	shalt  }
0x6e: {  	_ =	shalt  }
0x6f: {  	_ =	shalt  }
0x70: {  	_ =	shalt  }
0x71: {  	_ =	shalt  }
0x72: {  	_ =	shalt  }
0x73: {  	_ =	shalt  }
0x74: {  	_ =	shalt  }
0x75: {  	_ =	shalt  }
0x76: {  	_ =	shalt  }
0x77: {  	_ =	shalt  }
0x78: {  	_ =	shalt  }
0x79: {  	_ =	shalt  }
0x7a: {  	_ =	shalt  }
0x7b: {  	_ =	shalt  }
0x7c: {  	_ =	shalt  }
0x7d: {  	_ =	shalt  }
0x7e: {  	_ =	shalt  }
0x7f: {  	_ =	shalt  }
0x80: {  	_ =	shalt  }
0x81: {  	_ =	shalt  }
0x82: {  	_ =	shalt  }
0x83: {  	_ =	shalt  }
0x84: {  	_ =	shalt  }
0x85: {  	_ =	shalt  }
0x86: {  	_ =	shalt  }
0x87: {  	_ =	shalt  }
.Lfunc_end0:
.L_simem_size_0:
called_computation_lowered:
.L_overlay_start_0:
0x88: {  	s2 =	sld [smem:$0x3FD9]  }
0x89: {  	s3 =	sld [smem:$0x3FFE];
	_ =	sdelay $0x1  }
0x8a: {  	s1 =	srdreg.scid  }
0x8b: {  	s0 =	sand.u32 $0x1, s1  }
0x8c: {  	s17 =	sshll.u32 s0, $0xA;
	s2 =	sadd.s32 s3, s2  }
0x8d: {  	s2 =	sadd.s32 s2, s17  }
0x8e: {  	[smem:$0x3FC0] =	sst s2  }
0x8f: {  	_ = 	snop  }
0x90: {  	s2 =	sld [smem:$0x3FC9]  }
0x91: {  	s18 =	sld [smem:$0x3FD0];
	(tm) =	ssettm $0x1  }
0x92: {  	s4 =	sld [smem:$0x3FFB];
	_ =	sdelay $0x3  }
0x93: {  	_ =	strace s4  }
0x94: {  	s4 =	sld [smem:$0x3FFC];
	_ =	sdelay $0x3  }
0x95: {  	_ =	strace s4  }
0x96: {  	s4 =	sld [smem:$0x3FFD];
	_ =	sdelay $0x3  }
0x97: {  	_ =	strace s4  }
0x98: {  	_ =	strace $0x8FFFFFFF  }
0x99: {  	s19 =	sld [smem:$0x3FDB];
	_ =	sdelay $0x1  }
0x9a: {  	s5 =	simm.s32 $_scs_section_size  }
0x9b: {  	s6 =	simm.s32 $_size__tile_overlayer_lowered;
	s7 =	simm.s32 $_tile_overlayer_lowered  }
0x9c: {  	s22 =	simm.s32 $0x1BFF;
	s21 =	sshll.u32 s7, $0x1;
	s4 =	sadd.s32 s5, s19  }
0x9d: {  	s8 =	simm.s32 $0x0;
	s20 =	sshll.u32 s6, $0x1;
	s6 =	sadd.s32 s21, s4  }
0x9e: {  	[timem:s8], [sflag:s22] =	dma.local [hbm:s6], s20  }
0x9f: {  	_ =	swait.ge [sflag:s22], s20  }
0xa0: {  	s5 =	ssub.s32 $0x0, s20;
	[sflag:s22] =	ssyncset.done $0x0  }
0xa1: {  	[sflag:s22] =	ssyncadd.s32 s5;
	_ =	sdelay $0x1  }
0xa2: {  	s23 =	simm.s32 $0x1B8B  }
0xa3: {  	_ =	swait.ge [sflag:s23], $0x1  }
0xa4: {  	[sflag:s23] =	ssyncset.done $0x0  }
0xa5: {  	s25 =	simm.s32 $0x1B8E;
	s24 =	sld [smem:$0x3FFE];
	[sflag:s23] =	ssyncadd.s32 $0xFFFFFFFF  }
0xa6: {  	s26 =	simm.s32 $execute0_lowered;
	[smem:$0x3FD2] =	sst s25  }
0xa7: {  	s6 =	sshll.u32 s26, $0x1;
	_ =	strace $0x80000046;
	[dreg:$0x1] =	wrdreg $0xFFFFFFFF  }
0xa8: {  	s28 =	simm.s32 $_size_execute0_lowered;
	s4 =	sadd.s32 s4, s6;
	[dreg:$0x0] =	wrdreg $0x0  }
0xa9: {  	s6 =	sshll.u32 s28, $0x1;
	[dreg:$0x2] =	wrdreg s4  }
0xaa: {  	[dreg:$0x3] =	wrdreg s6  }
0xab: {  	[dreg:$0x4] =	wrdreg $0xC0  }
0xac: {  	_ =	task [dreg:s8], $0x5FFFF  }
0xad: {  	[dreg:$0x1] =	wrdreg $0xFFFFFFFF  }
0xae: {  	[dreg:$0x0] =	wrdreg $0x60  }
0xaf: {  	[dreg:$0x2] =	wrdreg s2  }
0xb0: {  	[dreg:$0x3] =	wrdreg s24  }
0xb1: {  	[dreg:$0x4] =	wrdreg s18  }
0xb2: {  	[dreg:$0x5] =	wrdreg $0x0  }
0xb3: {  	[dreg:$0x6] =	wrdreg $0x138800  }
0xb4: {  	[dreg:$0x7] =	wrdreg $0x9  }
0xb5: {  	_ =	task.clear_ibuf [dreg:s8], $0x8FFFF;
	_ =	strace $0x90000046  }
0xb6: {  	s29 =	simm.s32 $0x9;
	_ =	strace $0x80000048  }
0xb7: {  	_ =	swait.ge [sflag:s29], $0x1  }
0xb8: {  	[sflag:s29] =	ssyncadd.s32 $0xFFFFFFFF  }
0xb9: {  	_ =	strace $0x90000048  }
0xba: {  	_ =	sfence  }
0xbb: {  	s30 =	sld [smem:$0x0];
	_ =	sdelay $0x2  }
0xbc: {  	s31 =	sshll.u32 s1, $0xD;
	s1 =	sshrl.u32 s1, $0x2  }
0xbd: {  	s3 =	sand.u32 $0x4000, s31;
	s1 =	sadd.s32 s1, s30  }
0xbe: {  	s0 =	sor.u32 s3, s0;
	s1 =	sshll.u32 s1, $0x11  }
0xbf: {  	s0 =	sor.u32 s1, s0  }
0xc0: {  	s0 =	sadd.s32 $0x8F2B, s0  }
0xc1: {  	[sflag:s0] =	ssyncadd.remote.s32 $0x1  }
0xc2: {  	_ =	sfence.sel $0xFFFF  }
0xc3: {  	[dreg:$0x0] =	wrdreg $0xFFFFFFFF;
	(pc) =	sbr.abs _section_cstart, $3  }
0xc4: {  	[dreg:$0x1] =	wrdreg $0xFFFFFFFF  }
0xc5: {  	_ =	task.clear_ibuf [dreg:s8], $0x2FFFF;
	_ =	strace $0x9FFFFFFF  }
0xc6: {  	(tm) =	ssettm $0x7FFFFFFF  }
0xc7: {  	_ =	shalt  }
tec
execute0_lowered:
.L_overlay_start_1:
0x0: {  	(tag) =	ssettag $0x1  }
0x1: {  	s1 =	rddreg [dreg:$0x0]  }
0x2: {  	s0 =	rddreg [dreg:$0x1]  }
0x3: {  	s3 =	rddreg [dreg:$0x2]  }
0x4: {  	s2 =	rddreg [dreg:$0x3]  }
0x5: {  	s4 =	rddreg [dreg:$0x4];
	s5 =	simm.s32 $0x0  }
0x6: {  	s22 =	stileid.u32;
	s8 =	srdreg.scid;
	s28 =	simm.s32 $0x28  }
0x7: {  	s30 =	simm.s32 $0x13F78;
	[smem:$0x7FF] =	sst s5;
	s7 =	smul.u32 $0x2800, s22  }
0x8: {  	s6 =	sadd.s32 $0x2A00, s0;
	s8 =	sand.u32 $0x1, s8;
	s10 =	smul.u32 $0x50000, s22  }
0x9: {  	s9 =	sadd.s32 $0x68400, s0;
	s11 =	sadd.s32 $0x68A00, s0;
	s25 =	smul.u32 $0x14000, s22  }
0xa: {  	s21 =	sadd.s32 $0x12C000, s2;
	s16 =	smul.u32 $0xFA00, s22;
	p0 =	sne.s32 s22, $0xF  }
0xb: {  	p3 =	seq.s32 s22, $0xF;
	_ =	strace $0x80000047;
	[dreg:$0x6] =	wrdreg s9  }
0xc: {  	s19 =	sshll.u32 s8, $0x4;
	s12 =	ssub.s32 $0x2, s8;
	s23 =	smul.u32 $0x138800, s8  }
0xd: {  	s31 =	smul.u32 $0xFA000, s8;
	p2 =	sne.s32 @p0 s22, $0x0;
	s9 =	simm.s32 $0x13DF8  }
0xe: {  	s8 =	simm.s32 $0x9;
	[dreg:$0x9] =	wrdreg s21;
	s7 =	sadd.s32 s7, s0  }
0xf: {  	s13 =	sor.u32 s22, s19;
	s14 =	sshrl.u32 s12, $0x1;
	s10 =	sshrl.u32 s10, $0x2  }
0x10: {  	s0 =	sadd.s32 $0x66A00, s0;
	s18 =	sadd.s32 s3, s19;
	p1 =	por p2, !p0  }
0x11: {  	p2 =	por !p2, !p0;
	s3 =	simm.s32 $0x8;
	s13 =	smul.u32 $0xFA00, s13  }
0x12: {  	s12 =	ssub.s32 s12, s14;
	s29 =	sadd.s32 s10, s2;
	[dreg:$0xa] =	wrdreg s0  }
0x13: {  	s7 =	sadd.s32 $0x41200, s7;
	s0 =	sadd.s32 s25, s23;
	[dreg:$0x12] =	wrdreg s18  }
0x14: {  	s10 =	sshrl.u32 s23, $0x3;
	[dreg:$0x8] =	wrdreg s7;
	s0 =	sshrl.u32 s0, $0x3  }
0x15: {  	[dreg:$0x7] =	wrdreg s29;
	s20 =	sshrl.u32 s13, $0x3;
	s13 =	sadd.s32 $0x400, s13  }
0x16: {  	s14 =	simm.s32 $0x13B78;
	s0 =	sadd.s32 s11, s0;
	[dreg:$0xf] =	wrdreg s13  }
0x17: {  	s17 =	sadd.s32 s11, s10;
	s24 =	sadd.s32 s6, s20;
	[dreg:$0x10] =	wrdreg s0  }
0x18: {  	s18 =	simm.s32 $0x18FF8;
	s0 =	sadd.s32 $0x25800, s17;
	[dreg:$0xb] =	wrdreg s24  }
0x19: {  	s11 =	simm.s32 $0x17BF8;
	s20 =	smax.u32 s12, $0x1;
	[dreg:$0x11] =	wrdreg s0  }
0x1a: {  	s13 =	simm.s32 $0x1;
	s7 =	sadd.s32 $0x20, s24;
	[dreg:$0x13] =	wrdreg s20  }
0x1b: {  	s17 =	simm.s32 $0x13EF8;
	s26 =	sadd.s32 $0x40, s24;
	[dreg:$0xc] =	wrdreg s7  }
0x1c: {  	s12 =	simm.s32 $0x13E78;
	s15 =	sadd.s32 $0x60, s24;
	[dreg:$0xd] =	wrdreg s26  }
0x1d: {  	s20 =	simm.s32 $0x13C78;
	[dreg:$0xe] =	wrdreg s15;
	s7 =	sadd.s32 s16, s31  }
0x1e: {  	s15 =	simm.s32 $0x1A3F8;
	s16 =	simm.s32 $0x0;
	s19 =	sadd.s32 $0x800, s7  }
0x1f: {  	s23 =	sadd.s32 $0x700, s7;
	s25 =	sadd.s32 $0x600, s7;
	s31 =	sadd.s32 $0x500, s7  }
.Ltmp0:
0x20: {  	s0 =	sshrl.u32 s19, $0x3;
	s24 =	sshrl.u32 s23, $0x3;
	(pc) =	sbr.rel .LBB2_1-.Ltmp0, $4  }
0x21: {  	s26 =	sshrl.u32 s25, $0x3;
	[dreg:$0x16] =	wrdreg s31;
	s19 =	simm.s32 $0x2  }
0x22: {  	s25 =	simm.s32 $0x4;
	s0 =	sadd.s32 s0, s6;
	s23 =	sadd.s32 s26, s6  }
0x23: {  	s26 =	simm.s32 $0xB;
	[dreg:$0x14] =	wrdreg s0;
	s0 =	sadd.s32 s24, s6  }
0x24: {  	v0 =	vimm.f32 $1.000000000e+00;
	s24 =	simm.s32 $0x5;
	[dreg:$0x15] =	wrdreg s0;
	s0 =	simm.s32 $0x13CF8  }
.LBB2_4:
0x25: {  	_ =	swait.ge [sflag:s24], $0x1400  }
0x26: {  	[sflag:s24] =	ssyncset.done $0x0  }
0x27: {  	[sflag:s24] =	ssyncadd.s32 $0xFFFFEC00  }
0x28: {  	[spmem:s2] =	stream.indirect.scatter.add.f32 [tilespmem:s18], [sflag:$0xA], $0x80, s30, s28, $0xb8;
	[tilespmem:$0x1A478] =	vst v63  }
0x29: {  	_ = 	snop  }
0x2a: {  	[spmem:s4] =	stream.indirect.scatter.add.f32 [tilespmem:s15], [sflag:$0xB], $0x1, s30, s28, $0xb8;
	[tilespmem:$0x1A478] =	vst v63  }
0x2b: {  	_ =	swait.ge [sflag:s26], $0x28  }
0x2c: {  	[sflag:s26] =	ssyncset.done $0x0  }
0x2d: {  	s7 =	simm.s32 $0x6;
	[sflag:s26] =	ssyncadd.s32 $0xFFFFFFD8  }
0x2e: {  	_ =	swait.ge [sflag:s7], $0x1400  }
0x2f: {  	[sflag:s7] =	ssyncset.done $0x0  }
0x30: {  	s22 =	simm.s32 $0x7;
	[sflag:s7] =	ssyncadd.s32 $0xFFFFEC00  }
0x31: {  	_ =	swait.ge [sflag:s22], $0x1400  }
0x32: {  	[sflag:s22] =	ssyncset.done $0x0  }
0x33: {  	[sflag:s22] =	ssyncadd.s32 $0xFFFFEC00  }
0x34: {  	_ =	swait.ge [sflag:s3], $0x1400  }
0x35: {  	[sflag:s3] =	ssyncset.done $0x0  }
0x36: {  	[sflag:s3] =	ssyncadd.s32 $0xFFFFEC00  }
0x37: {  	_ =	swait.ge [sflag:s8], $0x1400  }
0x38: {  	[sflag:s8] =	ssyncset.done $0x0  }
0x39: {  	s31 =	simm.s32 $0xA;
	[sflag:s8] =	ssyncadd.s32 $0xFFFFEC00  }
0x3a: {  	_ =	swait.ge [sflag:s31], $0x1400  }
0x3b: {  	[sflag:s31] =	ssyncset.done $0x0  }
0x3c: {  	[sflag:s31] =	ssyncadd.s32 $0xFFFFEC00  }
0x3d: {  	[bflag:$0x0] =	sbarrier.arrive $0xFFFF  }
0x3e: {  	s7 =	rddreg [dreg:$0x9]  }
0x3f: {  	s10 =	simm.s32 @p3 $0x1FCB;
	s16 =	rddreg [dreg:$0x11];
	s7 =	sshrl.u32 @p3 s7, $0x3  }
0x40: {  	[hbm:s16], [sflag:s10] =	dma.local @p3 [spmem:s7], $0x1900  }
0x41: {  	s7 =	simm.s32 @p3 $0xB  }
0x42: {  	_ =	swait.ge @p3 [sflag:s7], $0x1900  }
0x43: {  	s22 =	stileid.u32;
	[sflag:s7] =	ssyncset.done @p3 $0x0  }
0x44: {  	s10 =	sshll.u32 @!p3 s22, $0x6;
	[sflag:s7] =	ssyncadd.s32 @p3 $0xFFFFE700;
	s7 =	rddreg [dreg:$0x7]  }
0x45: {  	s29 =	sor.u32 @!p3 $0x1C0B, s10;
	s16 =	rddreg [dreg:$0x10];
	s10 =	sshrl.u32 @!p3 s7, $0x3  }
0x46: {  	[hbm:s16], [sflag:s29] =	dma.local @!p3 [spmem:s10], $0x2800  }
0x47: {  	s31 =	simm.s32 @p4 $0x20;
	s16 =	simm.s32 @!p3 $0xB  }
0x48: {  	s10 =	sshll.u32 @p4 s22, $0x6;
	s22 =	simm.s32 @p4 $0x10;
	_ =	swait.ge @!p3 [sflag:s16], $0x2800  }
0x49: {  	s29 =	simm.s32 @p4 $0x1;
	s21 =	sor.u32 @p4 $0x1C0B, s10;
	[sflag:s16] =	ssyncset.done @!p3 $0x0  }
0x4a: {  	s10 =	sshrl.u32 @p4 s4, $0x3;
	[sflag:s16] =	ssyncadd.s32 @!p3 $0xFFFFD800;
	s16 =	rddreg [dreg:$0x12]  }
0x4b: {  	[hbm:s16@s31], [sflag:s21] =	dma.strided @p4 [spmem:s10@s22], $0x4F0, s29, $0x10   }
0x4c: {  	s29 =	smov.u32 s7;
	s7 =	simm.s32 @p4 $0xB  }
0x4d: {  	s21 =	rddreg [dreg:$0x9];
	_ =	swait.ge @p4 [sflag:s7], $0x4F0  }
0x4e: {  	s10 =	rddreg [dreg:$0x17]  }
0x4f: {  	s31 =	rddreg [dreg:$0x13];
	s16 =	sadd.s32 $0x1, s10  }
0x50: {  	p5 =	sne.s32 s16, s31  }
.Ltmp1:
0x51: {  	_ = 	snop;
	(pc) =	sbr.rel @!p5 .LBB2_5-.Ltmp1, $3  }
0x52: {  	_ =	sdelay $0x1  }
0x53: {  	[sflag:s7] =	ssyncset.done @p4 $0x0  }
0x54: {  	s22 =	stileid.u32;
	[sflag:s7] =	ssyncadd.s32 @p4 $0xFFFFFB10  }
.LBB2_1:
0x55: {  	[tilespmem:$0x1A3F8] =	vst v0  }
0x56: {  	[dreg:$0x17] =	wrdreg s16;
	[tilespmem:$0x1A408] =	vst v0;
	s7 =	sshll.u32 @p0 s22, $0x6  }
0x57: {  	s10 =	sshrl.u32 @p0 s29, $0x3;
	s16 =	rddreg [dreg:$0x8];
	[tilespmem:$0x1A410] =	vst v0;
	s7 =	sor.u32 @p0 $0x1C0B, s7  }
0x58: {  	[spmem:s10], [sflag:s7] =	dma.local @p0 [hbm:s16], $0x2800  }
0x59: {  	s7 =	simm.s32 @p0 $0xB  }
0x5a: {  	_ =	swait.ge @p0 [sflag:s7], $0x2800  }
0x5b: {  	s10 =	simm.s32 @!p1 $0x1C0B;
	[sflag:s7] =	ssyncset.done @p0 $0x0  }
0x5c: {  	s16 =	rddreg [dreg:$0x6];
	[sflag:s7] =	ssyncadd.s32 @p0 $0xFFFFD800;
	s7 =	sshrl.u32 @!p1 s4, $0x3  }
0x5d: {  	[spmem:s7], [sflag:s10] =	dma.local @!p1 [hbm:s16], $0x4F0  }
0x5e: {  	s7 =	simm.s32 @!p1 $0xB  }
0x5f: {  	_ =	swait.ge @!p1 [sflag:s7], $0x4F0  }
0x60: {  	s10 =	simm.s32 @!p0 $0x1FCB;
	[sflag:s7] =	ssyncset.done @!p1 $0x0  }
0x61: {  	s16 =	rddreg [dreg:$0xa];
	[sflag:s7] =	ssyncadd.s32 @!p1 $0xFFFFFB10;
	s7 =	sshrl.u32 @!p0 s21, $0x3  }
0x62: {  	[spmem:s7], [sflag:s10] =	dma.local @!p0 [hbm:s16], $0x1900  }
0x63: {  	s7 =	simm.s32 @!p0 $0xB  }
0x64: {  	_ =	swait.ge @!p0 [sflag:s7], $0x1900  }
0x65: {  	[sflag:s7] =	ssyncset.done @!p0 $0x0  }
0x66: {  	[sflag:s7] =	ssyncadd.s32 @!p0 $0xFFFFE700  }
0x67: {  	[bflag:$0x0] =	sbarrier.arrive $0xFFFF  }
0x68: {  	s29 =	simm.s32 $0x13AF8;
	s22 =	rddreg [dreg:$0xb]  }
0x69: {  	[tilespmem:s29], [sflag:$0xB] =	stream.linear.gather [hbm4b:s22+s5], $0x100, $0x38;
	[tilespmem:$0x1A478] =	vst v63  }
0x6a: {  	_ =	swait.ge [sflag:s26], $0x100  }
0x6b: {  	[sflag:s26] =	ssyncset.done $0x0  }
0x6c: {  	s31 =	simm.s32 $0x13FF8;
	[sflag:s26] =	ssyncadd.s32 $0xFFFFFF00  }
0x6d: {  	[tilespmem:s31], [sflag:$0x1] =	stream.indirect.gather [hbm4b:s1+s28], $0x80, s29, s28, $0xb8;
	[tilespmem:$0x1A478] =	vst v63  }
0x6e: {  	s16 =	simm.s32 $0x13BF8;
	s10 =	rddreg [dreg:$0xc]  }
0x6f: {  	[tilespmem:s16], [sflag:$0xB] =	stream.linear.gather [hbm4b:s10+s5], $0x100, $0x38;
	[tilespmem:$0x1A478] =	vst v63  }
0x70: {  	_ =	swait.ge [sflag:s26], $0x100  }
0x71: {  	[sflag:s26] =	ssyncset.done $0x0  }
0x72: {  	s21 =	simm.s32 $0x153F8;
	[sflag:s26] =	ssyncadd.s32 $0xFFFFFF00  }
0x73: {  	[tilespmem:s21], [sflag:$0x2] =	stream.indirect.gather [hbm4b:s1+s28], $0x80, s16, s28, $0xb8;
	[tilespmem:$0x1A478] =	vst v63  }
0x74: {  	s22 =	rddreg [dreg:$0xd]  }
0x75: {  	[tilespmem:s0], [sflag:$0xB] =	stream.linear.gather [hbm4b:s22+s5], $0x100, $0x38;
	[tilespmem:$0x1A478] =	vst v63  }
0x76: {  	_ =	swait.ge [sflag:s26], $0x100  }
0x77: {  	[sflag:s26] =	ssyncset.done $0x0  }
0x78: {  	s29 =	simm.s32 $0x167F8;
	[sflag:s26] =	ssyncadd.s32 $0xFFFFFF00  }
0x79: {  	[tilespmem:s29], [sflag:$0x3] =	stream.indirect.gather [hbm4b:s1+s28], $0x80, s0, s28, $0xb8;
	[tilespmem:$0x1A478] =	vst v63  }
0x7a: {  	p5 =	por @p0 $0x0, $0x0;
	p4 =	por @!p1 $0x1, $0x1;
	s31 =	rddreg [dreg:$0xe]  }
0x7b: {  	[tilespmem:s9], [sflag:$0xB] =	stream.linear.gather [hbm4b:s31+s5], $0x100, $0x38;
	[tilespmem:$0x1A478] =	vst v63  }
0x7c: {  	p4 =	por @!p2 p5, p5;
	p5 =	por @!p0 $0x0, $0x0;
	_ =	swait.ge [sflag:s26], $0x100  }
0x7d: {  	p4 =	por @!p0 p5, p5;
	[sflag:s26] =	ssyncset.done $0x0  }
0x7e: {  	s7 =	simm.s32 $0x0;
	s10 =	rddreg [dreg:$0x16];
	[sflag:s26] =	ssyncadd.s32 $0xFFFFFF00  }
0x7f: {  	[tilespmem:s11], [sflag:$0x4] =	stream.indirect.gather [hbm4b:s1+s28], $0x80, s9, s28, $0xb8;
	[tilespmem:$0x1A478] =	vst v63  }
.LBB2_2:
0x80: {  	_ =	swait.ge [sflag:s13], $0x1400  }
0x81: {  	[sflag:s13] =	ssyncset.done $0x0  }
0x82: {  	s16 =	simm.s32 $0x13FF8;
	[sflag:s13] =	ssyncadd.s32 $0xFFFFEC00  }
0x83: {  	[spmem:s2] =	stream.indirect.scatter.add.f32 [tilespmem:s16], [sflag:$0x6], $0x80, s14, s28, $0xb8;
	[tilespmem:$0x1A478] =	vst v63  }
0x84: {  	_ = 	snop  }
0x85: {  	[spmem:s4] =	stream.indirect.scatter.add.f32 [tilespmem:s15], [sflag:$0xB], $0x1, s14, s28, $0xb8;
	[tilespmem:$0x1A478] =	vst v63  }
0x86: {  	_ =	swait.ge [sflag:s26], $0x28  }
0x87: {  	p5 =	seq.s32 s7, $0x0;
	[sflag:s26] =	ssyncset.done $0x0  }
0x88: {  	s29 =	simm.s32 @!p5 $0xA;
	[sflag:s26] =	ssyncadd.s32 $0xFFFFFFD8  }
0x89: {  	_ =	swait.ge @!p5 [sflag:s29], $0x1400  }
0x8a: {  	s31 =	sadd.s32 @!p5 $0xFFFFFF00, s10;
	s16 =	rddreg [dreg:$0xf]  }
0x8b: {  	s31 =	smov.u32 @p5 s16  }
0x8c: {  	[sflag:s29] =	ssyncset.done @!p5 $0x0;
	s31 =	sshrl.u32 s31, $0x3  }
0x8d: {  	[sflag:s29] =	ssyncadd.s32 @!p5 $0xFFFFEC00;
	s22 =	sadd.s32 s6, s31  }
0x8e: {  	[tilespmem:s17], [sflag:$0xB] =	stream.linear.gather [hbm4b:s22+s5], $0x100, $0x38;
	[tilespmem:$0x1A478] =	vst v63  }
0x8f: {  	_ =	swait.ge [sflag:s26], $0x100  }
0x90: {  	[sflag:s26] =	ssyncset.done $0x0  }
0x91: {  	[sflag:s26] =	ssyncadd.s32 $0xFFFFFF00  }
0x92: {  	[tilespmem:s18], [sflag:$0x5] =	stream.indirect.gather [hbm4b:s1+s28], $0x80, s17, s28, $0xb8;
	[tilespmem:$0x1A478] =	vst v63  }
0x93: {  	_ =	swait.ge [sflag:s19], $0x1400  }
0x94: {  	[sflag:s19] =	ssyncset.done $0x0  }
0x95: {  	s31 =	simm.s32 $0x153F8;
	[sflag:s19] =	ssyncadd.s32 $0xFFFFEC00  }
0x96: {  	[spmem:s2] =	stream.indirect.scatter.add.f32 [tilespmem:s31], [sflag:$0x7], $0x80, s20, s28, $0xb8;
	[tilespmem:$0x1A478] =	vst v63  }
0x97: {  	_ = 	snop  }
0x98: {  	[spmem:s4] =	stream.indirect.scatter.add.f32 [tilespmem:s15], [sflag:$0xB], $0x1, s20, s28, $0xb8;
	[tilespmem:$0x1A478] =	vst v63  }
0x99: {  	_ =	swait.ge [sflag:s26], $0x28  }
0x9a: {  	p5 =	seq.s32 s7, $0x1EA0;
	[sflag:s26] =	ssyncset.done $0x0  }
0x9b: {  	s29 =	simm.s32 @p5 $0x3;
	[sflag:s26] =	ssyncadd.s32 $0xFFFFFFD8  }
0x9c: {  	_ =	swait.ge @p5 [sflag:s29], $0x1400  }
0x9d: {  	s16 =	simm.s32 @p5 $0x167F8;
	[sflag:s29] =	ssyncset.done @p5 $0x0  }
0x9e: {  	s31 =	simm.s32 @p5 $0x13D78;
	[sflag:s29] =	ssyncadd.s32 @p5 $0xFFFFEC00;
	s29 =	simm.s32 @p5 $0x28  }
0x9f: {  	[spmem:s2] =	stream.indirect.scatter.add.f32 @p5 [tilespmem:s16], [sflag:$0x8], $0x80, s31, s29, $0xb8;
	[tilespmem:$0x1A478] =	vst v63  }
0xa0: {  	s16 =	simm.s32 @p5 $0x1A3F8  }
0xa1: {  	[spmem:s4] =	stream.indirect.scatter.add.f32 @p5 [tilespmem:s16], [sflag:$0xB], $0x1, s31, s29, $0xb8;
	[tilespmem:$0x1A478] =	vst v63  }
0xa2: {  	s16 =	simm.s32 @p5 $0xB  }
0xa3: {  	_ =	swait.ge @p5 [sflag:s16], $0x28  }
0xa4: {  	[sflag:s16] =	ssyncset.done @p5 $0x0  }
0xa5: {  	[sflag:s16] =	ssyncadd.s32 @p5 $0xFFFFFFD8;
	s16 =	simm.s32 @!p5 $0x6  }
0xa6: {  	_ =	swait.ge @!p5 [sflag:s16], $0x1400  }
0xa7: {  	[sflag:s16] =	ssyncset.done @!p5 $0x0  }
0xa8: {  	[sflag:s16] =	ssyncadd.s32 @!p5 $0xFFFFEC00;
	s16 =	sshrl.u32 @!p5 s10, $0x3  }
0xa9: {  	s29 =	simm.s32 @!p5 $0x0;
	s31 =	simm.s32 @!p5 $0x13AF8;
	s16 =	sadd.s32 @!p5 s6, s16  }
0xaa: {  	[tilespmem:s31], [sflag:$0xB] =	stream.linear.gather @!p5 [hbm4b:s16+s29], $0x100, $0x38;
	[tilespmem:$0x1A478] =	vst v63  }
0xab: {  	s16 =	simm.s32 @!p5 $0xB  }
0xac: {  	_ =	swait.ge @!p5 [sflag:s16], $0x100  }
0xad: {  	[sflag:s16] =	ssyncset.done @!p5 $0x0  }
0xae: {  	s21 =	simm.s32 @!p5 $0x28;
	s22 =	simm.s32 @!p5 $0x13FF8;
	[sflag:s16] =	ssyncadd.s32 @!p5 $0xFFFFFF00  }
0xaf: {  	[tilespmem:s22], [sflag:$0x1] =	stream.indirect.gather @!p5 [hbm4b:s1+s21], $0x80, s31, s21, $0xb8;
	[tilespmem:$0x1A478] =	vst v63  }
0xb0: {  	s22 =	simm.s32 @!p5 $0x3  }
0xb1: {  	_ =	swait.ge @!p5 [sflag:s22], $0x1400  }
0xb2: {  	[sflag:s22] =	ssyncset.done @!p5 $0x0  }
0xb3: {  	s31 =	simm.s32 @!p5 $0x167F8;
	[sflag:s22] =	ssyncadd.s32 @!p5 $0xFFFFEC00;
	s22 =	simm.s32 @!p5 $0x13D78  }
0xb4: {  	[spmem:s2] =	stream.indirect.scatter.add.f32 @!p5 [tilespmem:s31], [sflag:$0x8], $0x80, s22, s21, $0xb8;
	[tilespmem:$0x1A478] =	vst v63  }
0xb5: {  	s31 =	simm.s32 @!p5 $0x1A3F8  }
0xb6: {  	[spmem:s4] =	stream.indirect.scatter.add.f32 @!p5 [tilespmem:s31], [sflag:$0xB], $0x1, s22, s21, $0xb8;
	[tilespmem:$0x1A478] =	vst v63  }
0xb7: {  	_ =	swait.ge @!p5 [sflag:s16], $0x28  }
0xb8: {  	[sflag:s16] =	ssyncset.done @!p5 $0x0  }
0xb9: {  	s22 =	simm.s32 @!p5 $0x7;
	[sflag:s16] =	ssyncadd.s32 @!p5 $0xFFFFFFD8  }
0xba: {  	_ =	swait.ge @!p5 [sflag:s22], $0x1400  }
0xbb: {  	[sflag:s22] =	ssyncset.done @!p5 $0x0  }
0xbc: {  	s31 =	simm.s32 @!p5 $0x13BF8;
	[sflag:s22] =	ssyncadd.s32 @!p5 $0xFFFFEC00;
	s22 =	sadd.s32 @!p5 s7, s23  }
0xbd: {  	[tilespmem:s31], [sflag:$0xB] =	stream.linear.gather @!p5 [hbm4b:s22+s29], $0x100, $0x38;
	[tilespmem:$0x1A478] =	vst v63  }
0xbe: {  	_ =	swait.ge @!p5 [sflag:s16], $0x100  }
0xbf: {  	[sflag:s16] =	ssyncset.done @!p5 $0x0  }
0xc0: {  	[sflag:s16] =	ssyncadd.s32 @!p5 $0xFFFFFF00;
	s16 =	simm.s32 @!p5 $0x153F8  }
0xc1: {  	[tilespmem:s16], [sflag:$0x2] =	stream.indirect.gather @!p5 [hbm4b:s1+s21], $0x80, s31, s21, $0xb8;
	[tilespmem:$0x1A478] =	vst v63  }
0xc2: {  	_ =	swait.ge [sflag:s25], $0x1400  }
0xc3: {  	[sflag:s25] =	ssyncset.done $0x0  }
0xc4: {  	[sflag:s25] =	ssyncadd.s32 $0xFFFFEC00  }
0xc5: {  	[spmem:s2] =	stream.indirect.scatter.add.f32 [tilespmem:s11], [sflag:$0x9], $0x80, s12, s28, $0xb8;
	[tilespmem:$0x1A478] =	vst v63  }
.Ltmp2:
0xc6: {  	_ = 	snop;
	(pc) =	sbr.rel @p5 .LBB2_4-.Ltmp2, $4  }
0xc7: {  	[spmem:s4] =	stream.indirect.scatter.add.f32 [tilespmem:s15], [sflag:$0xB], $0x1, s12, s28, $0xb8;
	[tilespmem:$0x1A478] =	vst v63  }
0xc8: {  	_ =	swait.ge [sflag:s26], $0x28  }
0xc9: {  	[sflag:s26] =	ssyncset.done $0x0  }
0xca: {  	[sflag:s26] =	ssyncadd.s32 $0xFFFFFFD8  }
0xcb: {  	_ =	swait.ge [sflag:s3], $0x1400  }
0xcc: {  	[sflag:s3] =	ssyncset.done $0x0;
	s16 =	rddreg [dreg:$0x15]  }
0xcd: {  	[sflag:s3] =	ssyncadd.s32 $0xFFFFEC00;
	s16 =	sadd.s32 s7, s16  }
0xce: {  	[tilespmem:s0], [sflag:$0xB] =	stream.linear.gather [hbm4b:s16+s5], $0x100, $0x38;
	[tilespmem:$0x1A478] =	vst v63  }
0xcf: {  	_ =	swait.ge [sflag:s26], $0x100  }
0xd0: {  	[sflag:s26] =	ssyncset.done $0x0  }
0xd1: {  	s29 =	simm.s32 $0x167F8;
	[sflag:s26] =	ssyncadd.s32 $0xFFFFFF00  }
0xd2: {  	[tilespmem:s29], [sflag:$0x3] =	stream.indirect.gather [hbm4b:s1+s28], $0x80, s0, s28, $0xb8;
	[tilespmem:$0x1A478] =	vst v63  }
0xd3: {  	_ =	swait.ge [sflag:s24], $0x1400  }
0xd4: {  	[sflag:s24] =	ssyncset.done $0x0  }
0xd5: {  	[sflag:s24] =	ssyncadd.s32 $0xFFFFEC00  }
0xd6: {  	[spmem:s2] =	stream.indirect.scatter.add.f32 [tilespmem:s18], [sflag:$0xA], $0x80, s30, s28, $0xb8;
	[tilespmem:$0x1A478] =	vst v63  }
0xd7: {  	_ = 	snop  }
0xd8: {  	[spmem:s4] =	stream.indirect.scatter.add.f32 [tilespmem:s15], [sflag:$0xB], $0x1, s30, s28, $0xb8;
	[tilespmem:$0x1A478] =	vst v63  }
0xd9: {  	_ =	swait.ge [sflag:s26], $0x28  }
0xda: {  	[sflag:s26] =	ssyncset.done $0x0  }
0xdb: {  	[sflag:s26] =	ssyncadd.s32 $0xFFFFFFD8  }
0xdc: {  	_ =	swait.ge [sflag:s8], $0x1400  }
0xdd: {  	[sflag:s8] =	ssyncset.done $0x0;
	s31 =	rddreg [dreg:$0x14]  }
0xde: {  	[sflag:s8] =	ssyncadd.s32 $0xFFFFEC00;
	s16 =	sadd.s32 s7, s31  }
0xdf: {  	[tilespmem:s9], [sflag:$0xB] =	stream.linear.gather [hbm4b:s16+s5], $0x100, $0x38;
	[tilespmem:$0x1A478] =	vst v63  }
.Ltmp3:
0xe0: {  	_ = 	snop;
	(pc) =	sbr.rel .LBB2_2-.Ltmp3, $4  }
0xe1: {  	_ =	swait.ge [sflag:s26], $0x100  }
0xe2: {  	[sflag:s26] =	ssyncset.done $0x0  }
0xe3: {  	s10 =	sadd.s32 $0x500, s10;
	s7 =	sadd.s32 $0xA0, s7;
	[sflag:s26] =	ssyncadd.s32 $0xFFFFFF00  }
0xe4: {  	[tilespmem:s11], [sflag:$0x4] =	stream.indirect.gather [hbm4b:s1+s28], $0x80, s9, s28, $0xb8;
	[tilespmem:$0x1A478] =	vst v63  }
.LBB2_5:
0xe5: {  	_ =	sfence.sel $0x180000  }
0xe6: {  	[bflag:$0x0] =	sbarrier.arrive $0xFFFF  }
0xe7: {  	_ =	strace $0x90000047  }
0xe8: {  	[bflag:$0x2] =	sbarrier.arrive $0xFFFF  }
0xe9: {  	p0 =	sne.s32 s22, $0x0;
	s0 =	rddreg [dreg:$0x5]  }
0xea: {  	s0 =	sadd.s32 @!p0 $0x100000, s0  }
0xeb: {  	[sflag:s0] =	ssyncadd.tile.s32 @!p0 $0x1;
	_ =	shalt  }
.Lfunc_end2:
_tile_overlayer_lowered:
.L_overlay_start_2:
0xec: {  	(tag) =	ssettag $0x2  }
0xed: {  	s0 =	rddreg [dreg:$0x0];
	s2 =	stileid.u32  }
0xee: {  	s1 =	rddreg [dreg:$0x1];
	p0 =	sne.s32 s2, $0x0  }
0xef: {  	s3 =	rddreg [dreg:$0x2];
	[bflag:$0x3] =	sbarrier.arrive $0xFFFF;
	s2 =	simm.s32 @!p0 $0x1C0B  }
0xf0: {  	[timem:s3], [sflag:s2] =	dma.local @!p0 [hbm:s0], s1  }
0xf1: {  	s0 =	simm.s32 @!p0 $0xB  }
0xf2: {  	_ =	swait.ge @!p0 [sflag:s0], s1  }
0xf3: {  	s1 =	ssub.s32 @!p0 $0x0, s1;
	[sflag:s0] =	ssyncset.done @!p0 $0x0  }
0xf4: {  	[sflag:s0] =	ssyncadd.s32 @!p0 s1  }
0xf5: {  	[bflag:$0x3] =	sbarrier.arrive $0xFFFF  }
0xf6: {  	_ =	shalt  }

// kernel: kernel.9.cloned.1.call-start
scs
__scs_entry_jumppad:
0x0: {  	(pc) =	sbr.rel $0x88, $3  }
0x1: {  	(tag) =	ssettag $0x0;
	lr =	simm.s32 $0x1  }
0x2: {  	[smem:$0x3F99] =	sst lr;
	_ =	strace $0xD0000000  }
0x3: {  	_ = 	snop  }
0x4: {  	_ = 	snop  }
0x5: {  	_ = 	snop  }
0x6: {  	_ = 	snop  }
0x7: {  	_ = 	snop  }
__scs_overlays_trampoline_lowered:
0x8: {  	[smem:$0x3FA8] =	sst s0  }
0x9: {  	[smem:$0x3FA9] =	sst s1  }
0xa: {  	[smem:$0x3FAA] =	sst s2  }
0xb: {  	[smem:$0x3FAB] =	sst s3  }
0xc: {  	[smem:$0x3FAC] =	sst s4  }
0xd: {  	[smem:$0x3FAD] =	sst s5  }
0xe: {  	[smem:$0x3FAE] =	sst s6  }
0xf: {  	[smem:$0x3FAF] =	sst s7  }
0x10: {  	[smem:$0x3FB0] =	sst s8  }
0x11: {  	[smem:$0x3FB1] =	sst s9;
	s0 =	simm.s32 @!p0 $0x0  }
0x12: {  	s1 =	sld [smem:$0x3F97];
	s0 =	simm.s32 @p0 $0x1  }
0x13: {  	[smem:$0x3FB2] =	sst s0;
	s0 =	simm.s32 @!p1 $0x0  }
0x14: {  	s2 =	sld [smem:$0x3F96];
	s0 =	simm.s32 @p1 $0x1  }
0x15: {  	[smem:$0x3FB3] =	sst s0;
	s0 =	simm.s32 @!p2 $0x0  }
0x16: {  	s3 =	sld [smem:$0x3FDB];
	s0 =	simm.s32 @p2 $0x1  }
0x17: {  	s4 =	simm.s32 $0x1BF5;
	[smem:$0x3FB5] =	sst s0  }
0x18: {  	s0 =	sld [smem:$0x3F98];
	_ =	swait.ge [sflag:s4], $0x0  }
0x19: {  	s7 =	sld [smem:$0x3F99]  }
0x1a: {  	s8 =	sadd.s32 $0xFFFFE003, lr  }
0x1b: {  	s9 =	sadd.s32 $0xFFFFFEF7, lr;
	s5 =	simm.s32 $0xFFFFFFFF;
	p2 =	slt.u32 s8, $0xFFFFF086  }
0x1c: {  	p1 =	slt.u32 s9, $0xF7A;
	s5 =	simm.s32 @!p2 $0x0  }
0x1d: {  	s5 =	simm.s32 @p1 $0x1;
	p0 =	seq.s32 s7, s2  }
0x1e: {  	s7 =	smul.u32 @!p0 $0xF7A, s2;
	p2 =	seq.s32 @!p0 s5, $0x0  }
0x1f: {  	s9 =	smul.u32 $0xF7A, s1;
	s8 =	simm.s32 @!p0 $0x1BF5;
	p2 =	por !p2, p0  }
0x20: {  	[sflag:s8] =	ssyncset.s32 @!p0 $0xFFFFF086;
	s6 =	sadd.s32 @!p0 s3, s7;
	s7 =	simm.s32 @!p0 $0x108  }
0x21: {  	s3 =	sadd.s32 s3, s9;
	s6 =	sadd.s32 @!p0 $0x88, s6;
	s7 =	simm.s32 @p2 $0x1082  }
0x22: {  	[simem:s7], [sflag:s8] =	dma.local @!p0 [hbm:s6], $0xF7A  }
0x23: {  	s9 =	sor.u32 $0xD0000000, s2;
	s6 =	simm.s32 $0x108;
	_ =	swait.ge @!p0 [sflag:s8], $0x0  }
0x24: {  	s3 =	sadd.s32 $0x88, s3;
	s6 =	simm.s32 @!p1 $0x1082;
	[sflag:s4] =	ssyncset.s32 $0xFFFFF086  }
0x25: {  	[simem:s6], [sflag:s4] =	dma.local [hbm:s3], $0xF7A  }
0x26: {  	[smem:$0x3F99] =	sst s1;
	(tag) =	ssettag s2;
	_ =	strace s9  }
0x27: {  	s1 =	sld [smem:$0x3FA9]  }
0x28: {  	s2 =	sld [smem:$0x3FAA]  }
0x29: {  	s4 =	sld [smem:$0x3FAC]  }
0x2a: {  	p0 =	seq.s32 s5, $0x0;
	s5 =	sld [smem:$0x3FAD]  }
0x2b: {  	s6 =	sld [smem:$0x3FAE]  }
0x2c: {  	s7 =	sld [smem:$0x3FAF]  }
0x2d: {  	s3 =	simm.s32 $0x108;
	s8 =	sld [smem:$0x3FB0]  }
0x2e: {  	s3 =	simm.s32 @!p0 $0x1082;
	s9 =	sld [smem:$0x3FB1]  }
0x2f: {  	lr =	sadd.s32 s0, s3;
	s0 =	sld [smem:$0x3FA8]  }
0x30: {  	s3 =	sld [smem:$0x3FAB]  }
0x31: {  	[smem:$0x3FB4] =	sst s10  }
0x32: {  	s10 =	sld [smem:$0x3FB2];
	_ =	sdelay $0x3  }
0x33: {  	p0 =	seq.s32 s10, $0x1;
	s10 =	sld [smem:$0x3FB4];
	_ =	sdelay $0x3  }
0x34: {  	[smem:$0x3FB4] =	sst s10  }
0x35: {  	s10 =	sld [smem:$0x3FB3];
	_ =	sdelay $0x3  }
0x36: {  	p1 =	seq.s32 s10, $0x1;
	s10 =	sld [smem:$0x3FB4];
	_ =	sdelay $0x3  }
0x37: {  	[smem:$0x3FB4] =	sst s10  }
0x38: {  	s10 =	sld [smem:$0x3FB5]  }
0x39: {  	_ = 	snop;
	(pc) =	sbr.ind lr, $3  }
0x3a: {  	_ = 	snop  }
0x3b: {  	_ = 	snop  }
0x3c: {  	p2 =	seq.s32 s10, $0x1;
	s10 =	sld [smem:$0x3FB4]  }
0x3d: {  	_ =	shalt  }
0x3e: {  	_ =	shalt  }
0x3f: {  	_ =	shalt  }
0x40: {  	_ =	shalt  }
0x41: {  	_ =	shalt  }
0x42: {  	_ =	shalt  }
0x43: {  	_ =	shalt  }
0x44: {  	_ =	shalt  }
0x45: {  	_ =	shalt  }
0x46: {  	_ =	shalt  }
0x47: {  	_ =	shalt  }
0x48: {  	_ =	shalt  }
0x49: {  	_ =	shalt  }
0x4a: {  	_ =	shalt  }
0x4b: {  	_ =	shalt  }
0x4c: {  	_ =	shalt  }
0x4d: {  	_ =	shalt  }
0x4e: {  	_ =	shalt  }
0x4f: {  	_ =	shalt  }
0x50: {  	_ =	shalt  }
0x51: {  	_ =	shalt  }
0x52: {  	_ =	shalt  }
0x53: {  	_ =	shalt  }
0x54: {  	_ =	shalt  }
0x55: {  	_ =	shalt  }
0x56: {  	_ =	shalt  }
0x57: {  	_ =	shalt  }
0x58: {  	_ =	shalt  }
0x59: {  	_ =	shalt  }
0x5a: {  	_ =	shalt  }
0x5b: {  	_ =	shalt  }
0x5c: {  	_ =	shalt  }
0x5d: {  	_ =	shalt  }
0x5e: {  	_ =	shalt  }
0x5f: {  	_ =	shalt  }
0x60: {  	_ =	shalt  }
0x61: {  	_ =	shalt  }
0x62: {  	_ =	shalt  }
0x63: {  	_ =	shalt  }
0x64: {  	_ =	shalt  }
0x65: {  	_ =	shalt  }
0x66: {  	_ =	shalt  }
0x67: {  	_ =	shalt  }
0x68: {  	_ =	shalt  }
0x69: {  	_ =	shalt  }
0x6a: {  	_ =	shalt  }
0x6b: {  	_ =	shalt  }
0x6c: {  	_ =	shalt  }
0x6d: {  	_ =	shalt  }
0x6e: {  	_ =	shalt  }
0x6f: {  	_ =	shalt  }
0x70: {  	_ =	shalt  }
0x71: {  	_ =	shalt  }
0x72: {  	_ =	shalt  }
0x73: {  	_ =	shalt  }
0x74: {  	_ =	shalt  }
0x75: {  	_ =	shalt  }
0x76: {  	_ =	shalt  }
0x77: {  	_ =	shalt  }
0x78: {  	_ =	shalt  }
0x79: {  	_ =	shalt  }
0x7a: {  	_ =	shalt  }
0x7b: {  	_ =	shalt  }
0x7c: {  	_ =	shalt  }
0x7d: {  	_ =	shalt  }
0x7e: {  	_ =	shalt  }
0x7f: {  	_ =	shalt  }
0x80: {  	_ =	shalt  }
0x81: {  	_ =	shalt  }
0x82: {  	_ =	shalt  }
0x83: {  	_ =	shalt  }
0x84: {  	_ =	shalt  }
0x85: {  	_ =	shalt  }
0x86: {  	_ =	shalt  }
0x87: {  	_ =	shalt  }
.Lfunc_end0:
.L_simem_size_0:
called_computation.1_lowered:
.L_overlay_start_0:
0x88: {  	s2 =	sld [smem:$0x3FD9]  }
0x89: {  	s3 =	sld [smem:$0x3FFE];
	_ =	sdelay $0x1  }
0x8a: {  	s1 =	srdreg.scid  }
0x8b: {  	s0 =	sand.u32 $0x1, s1  }
0x8c: {  	s16 =	sshll.u32 s0, $0xA;
	s2 =	sadd.s32 s3, s2  }
0x8d: {  	s2 =	sadd.s32 s2, s16  }
0x8e: {  	[smem:$0x3FC0] =	sst s2  }
0x8f: {  	_ = 	snop  }
0x90: {  	(tm) =	ssettm $0x1  }
0x91: {  	s17 =	sld [smem:$0x3FFB];
	_ =	sdelay $0x3  }
0x92: {  	_ =	strace s17  }
0x93: {  	s2 =	sld [smem:$0x3FFC];
	_ =	sdelay $0x3  }
0x94: {  	_ =	strace s2  }
0x95: {  	s2 =	sld [smem:$0x3FFD];
	_ =	sdelay $0x3  }
0x96: {  	_ =	strace s2  }
0x97: {  	_ =	strace $0x8FFFFFFF  }
0x98: {  	s18 =	sld [smem:$0x3FDB];
	_ =	sdelay $0x1  }
0x99: {  	s19 =	simm.s32 $_scs_section_size  }
0x9a: {  	s4 =	simm.s32 $_size__tile_overlayer_lowered;
	s5 =	simm.s32 $_tile_overlayer_lowered  }
0x9b: {  	s22 =	simm.s32 $0x1BFF;
	s21 =	sshll.u32 s5, $0x1;
	s2 =	sadd.s32 s19, s18  }
0x9c: {  	s6 =	simm.s32 $0x0;
	s20 =	sshll.u32 s4, $0x1;
	s4 =	sadd.s32 s21, s2  }
0x9d: {  	[timem:s6], [sflag:s22] =	dma.local [hbm:s4], s20  }
0x9e: {  	_ =	swait.ge [sflag:s22], s20  }
0x9f: {  	s3 =	ssub.s32 $0x0, s20;
	[sflag:s22] =	ssyncset.done $0x0  }
0xa0: {  	[sflag:s22] =	ssyncadd.s32 s3;
	_ =	sdelay $0x1  }
0xa1: {  	s23 =	simm.s32 $0x1B8B  }
0xa2: {  	_ =	swait.ge [sflag:s23], $0x1  }
0xa3: {  	[sflag:s23] =	ssyncset.done $0x0  }
0xa4: {  	s25 =	simm.s32 $0x1B8E;
	s24 =	sld [smem:$0x3FFE];
	[sflag:s23] =	ssyncadd.s32 $0xFFFFFFFF  }
0xa5: {  	s26 =	simm.s32 $execute0_lowered;
	[smem:$0x3FD2] =	sst s25  }
0xa6: {  	s4 =	sshll.u32 s26, $0x1;
	_ =	strace $0x80000049;
	[dreg:$0x1] =	wrdreg $0xFFFFFFFF  }
0xa7: {  	s28 =	simm.s32 $_size_execute0_lowered;
	s2 =	sadd.s32 s2, s4;
	[dreg:$0x0] =	wrdreg $0x0  }
0xa8: {  	s4 =	sshll.u32 s28, $0x1;
	[dreg:$0x2] =	wrdreg s2  }
0xa9: {  	[dreg:$0x3] =	wrdreg s4  }
0xaa: {  	[dreg:$0x4] =	wrdreg $0xC0  }
0xab: {  	_ =	task [dreg:s6], $0x5FFFF  }
0xac: {  	[dreg:$0x1] =	wrdreg $0xFFFFFFFF  }
0xad: {  	[dreg:$0x0] =	wrdreg $0x60  }
0xae: {  	[dreg:$0x2] =	wrdreg s24  }
0xaf: {  	[dreg:$0x3] =	wrdreg $0x0  }
0xb0: {  	[dreg:$0x4] =	wrdreg $0x9  }
0xb1: {  	_ =	task.clear_ibuf [dreg:s6], $0x5FFFF;
	_ =	strace $0x90000049  }
0xb2: {  	s29 =	simm.s32 $0x9;
	_ =	strace $0x8000004B  }
0xb3: {  	_ =	swait.ge [sflag:s29], $0x1  }
0xb4: {  	[sflag:s29] =	ssyncadd.s32 $0xFFFFFFFF  }
0xb5: {  	_ =	strace $0x9000004B  }
0xb6: {  	_ =	sfence  }
0xb7: {  	s30 =	sld [smem:$0x0];
	_ =	sdelay $0x2  }
0xb8: {  	s31 =	sshll.u32 s1, $0xD;
	s1 =	sshrl.u32 s1, $0x2  }
0xb9: {  	s3 =	sand.u32 $0x4000, s31;
	s1 =	sadd.s32 s1, s30  }
0xba: {  	s0 =	sor.u32 s3, s0;
	s1 =	sshll.u32 s1, $0x11  }
0xbb: {  	s0 =	sor.u32 s1, s0  }
0xbc: {  	s0 =	sadd.s32 $0x8F2B, s0  }
0xbd: {  	[sflag:s0] =	ssyncadd.remote.s32 $0x1  }
0xbe: {  	_ =	sfence.sel $0xFFFF  }
0xbf: {  	[dreg:$0x0] =	wrdreg $0xFFFFFFFF;
	(pc) =	sbr.abs _section_cstart, $3  }
0xc0: {  	[dreg:$0x1] =	wrdreg $0xFFFFFFFF  }
0xc1: {  	_ =	task.clear_ibuf [dreg:s6], $0x2FFFF;
	_ =	strace $0x9FFFFFFF  }
0xc2: {  	(tm) =	ssettm $0x7FFFFFFF  }
0xc3: {  	_ =	shalt  }
tec
execute0_lowered:
.L_overlay_start_1:
0x0: {  	(tag) =	ssettag $0x1  }
0x1: {  	s0 =	rddreg [dreg:$0x0]  }
0x2: {  	s2 =	rddreg [dreg:$0x1];
	s3 =	simm.s32 $0x0;
	s12 =	stileid.u32  }
0x3: {  	s6 =	srdreg.scid;
	s30 =	simm.s32 $0x13A80;
	s14 =	simm.s32 $0x4  }
0x4: {  	s15 =	simm.s32 $0x13C00;
	s28 =	simm.s32 $0x8;
	s1 =	smul.u32 $0x2800, s12  }
0x5: {  	[smem:$0x7FF] =	sst s3;
	s4 =	sadd.s32 $0x68A00, s0;
	s8 =	smul.u32 $0x50000, s12  }
0x6: {  	s5 =	sadd.s32 $0x2A00, s0;
	s6 =	sand.u32 $0x1, s6;
	s18 =	smul.u32 $0x14000, s12  }
0x7: {  	s9 =	sadd.s32 $0x8FC00, s0;
	s20 =	smul.u32 $0xFA00, s12;
	p0 =	seq.s32 s12, $0xF  }
0x8: {  	_ =	strace $0x8000004A;
	s7 =	sshll.u32 s6, $0x4;
	s17 =	smul.u32 $0x138800, s6  }
0x9: {  	s10 =	ssub.s32 $0x2, s6;
	s6 =	smul.u32 $0xFA000, s6;
	s1 =	sadd.s32 s1, s0  }
0xa: {  	s7 =	sor.u32 s12, s7;
	s11 =	sshrl.u32 s10, $0x1;
	s8 =	sshrl.u32 s8, $0x2  }
0xb: {  	s0 =	sadd.s32 $0x66A00, s0;
	s7 =	smul.u32 $0xFA00, s7;
	s10 =	ssub.s32 s10, s11  }
0xc: {  	s8 =	sadd.s32 s8, s2;
	s1 =	sadd.s32 $0x41200, s1;
	[dreg:$0x5] =	wrdreg s0  }
0xd: {  	s0 =	sadd.s32 s18, s17;
	s21 =	sshrl.u32 s17, $0x3;
	[dreg:$0x3] =	wrdreg s8  }
0xe: {  	s6 =	sadd.s32 s20, s6;
	s11 =	simm.s32 $0x2;
	[dreg:$0x4] =	wrdreg s1  }
0xf: {  	s1 =	sadd.s32 $0x12C000, s2;
	s0 =	sshrl.u32 s0, $0x3;
	s22 =	sadd.s32 s9, s21  }
0x10: {  	s23 =	smax.u32 s10, $0x1;
	s24 =	sadd.s32 $0x800, s6;
	s25 =	sadd.s32 $0x700, s6  }
0x11: {  	s31 =	sadd.s32 $0x500, s6;
	s10 =	simm.s32 $0x18D80;
	s21 =	simm.s32 $0x0  }
0x12: {  	s16 =	sshrl.u32 s7, $0x3;
	s0 =	sadd.s32 s9, s0;
	[dreg:$0xc] =	wrdreg s23  }
0x13: {  	s26 =	sshrl.u32 s25, $0x3;
	[dreg:$0xd] =	wrdreg s31;
	s25 =	simm.s32 $0x28  }
0x14: {  	s9 =	simm.s32 $0x13D00;
	s8 =	sadd.s32 s5, s16;
	[dreg:$0xa] =	wrdreg s0  }
0x15: {  	s23 =	simm.s32 $0x9;
	s0 =	sadd.s32 $0x25800, s22;
	[dreg:$0x6] =	wrdreg s8  }
0x16: {  	s18 =	sadd.s32 s26, s5;
	s22 =	sshrl.u32 @p0 s1, $0x3;
	[dreg:$0xb] =	wrdreg s0  }
0x17: {  	s1 =	simm.s32 $0x17980;
	s13 =	sadd.s32 $0x20, s8;
	[dreg:$0xe] =	wrdreg s22  }
0x18: {  	s16 =	simm.s32 $0x5;
	s19 =	sadd.s32 $0x40, s8;
	[dreg:$0x7] =	wrdreg s13  }
0x19: {  	s8 =	sadd.s32 $0x60, s8;
	s0 =	sshrl.u32 s24, $0x3;
	[dreg:$0x8] =	wrdreg s19  }
.Ltmp0:
0x1a: {  	s24 =	simm.s32 $0xB;
	[dreg:$0x9] =	wrdreg s8;
	(pc) =	sbr.rel .LBB2_1-.Ltmp0, $4  }
0x1b: {  	s13 =	sadd.s32 $0x400, s7;
	s8 =	sadd.s32 $0x600, s6;
	s17 =	sadd.s32 s0, s5  }
0x1c: {  	s0 =	sshll.u32 @!p0 s12, $0x6;
	s6 =	simm.s32 $0x1;
	s12 =	simm.s32 $0x13A00  }
0x1d: {  	s29 =	sshrl.u32 s8, $0x3;
	s26 =	sor.u32 @!p0 $0x1C0B, s0;
	s0 =	simm.s32 $0x13B80  }
0x1e: {  	s8 =	simm.s32 $0x13C80;
	s19 =	sadd.s32 s29, s5;
	[dreg:$0xf] =	wrdreg s26  }
.LBB2_4:
0x1f: {  	_ =	swait.ge [sflag:s16], $0x1400  }
0x20: {  	[sflag:s16] =	ssyncset.done $0x0  }
0x21: {  	s7 =	simm.s32 $0x6;
	[sflag:s16] =	ssyncadd.s32 $0xFFFFEC00  }
0x22: {  	[spmem:s2] =	stream.indirect.scatter.add.f32 [tilespmem:s10], [sflag:$0xA], $0x80, s9, s25, $0xb8;
	[tilespmem:$0x1A180] =	vst v63  }
0x23: {  	_ =	swait.ge [sflag:s7], $0x1400  }
0x24: {  	[sflag:s7] =	ssyncset.done $0x0  }
0x25: {  	s26 =	simm.s32 $0x7;
	[sflag:s7] =	ssyncadd.s32 $0xFFFFEC00  }
0x26: {  	_ =	swait.ge [sflag:s26], $0x1400  }
0x27: {  	[sflag:s26] =	ssyncset.done $0x0  }
0x28: {  	[sflag:s26] =	ssyncadd.s32 $0xFFFFEC00  }
0x29: {  	_ =	swait.ge [sflag:s28], $0x1400  }
0x2a: {  	[sflag:s28] =	ssyncset.done $0x0  }
0x2b: {  	[sflag:s28] =	ssyncadd.s32 $0xFFFFEC00  }
0x2c: {  	_ =	swait.ge [sflag:s23], $0x1400  }
0x2d: {  	[sflag:s23] =	ssyncset.done $0x0  }
0x2e: {  	s29 =	simm.s32 $0xA;
	[sflag:s23] =	ssyncadd.s32 $0xFFFFEC00  }
0x2f: {  	_ =	swait.ge [sflag:s29], $0x1400  }
0x30: {  	[sflag:s29] =	ssyncset.done $0x0  }
0x31: {  	[sflag:s29] =	ssyncadd.s32 $0xFFFFEC00  }
0x32: {  	[bflag:$0x0] =	sbarrier.arrive $0xFFFF  }
0x33: {  	s20 =	rddreg [dreg:$0xb]  }
0x34: {  	s7 =	simm.s32 @p0 $0x1FCB;
	s22 =	rddreg [dreg:$0xe]  }
0x35: {  	[hbm:s20], [sflag:s7] =	dma.local @p0 [spmem:s22], $0x1900  }
0x36: {  	s7 =	simm.s32 @p0 $0xB  }
0x37: {  	_ =	swait.ge @p0 [sflag:s7], $0x1900  }
0x38: {  	s26 =	rddreg [dreg:$0xf]  }
0x39: {  	[sflag:s7] =	ssyncset.done @p0 $0x0;
	s20 =	rddreg [dreg:$0x11]  }
0x3a: {  	[sflag:s7] =	ssyncadd.s32 @p0 $0xFFFFE700;
	s7 =	rddreg [dreg:$0xa]  }
0x3b: {  	[hbm:s7], [sflag:s26] =	dma.local @!p0 [spmem:s20], $0x2800  }
0x3c: {  	s7 =	simm.s32 @!p0 $0xB  }
0x3d: {  	_ =	swait.ge @!p0 [sflag:s7], $0x2800  }
0x3e: {  	s21 =	rddreg [dreg:$0x10]  }
0x3f: {  	s31 =	rddreg [dreg:$0xc];
	s21 =	sadd.s32 $0x1, s21  }
0x40: {  	p1 =	sne.s32 s21, s31  }
.Ltmp1:
0x41: {  	_ = 	snop;
	(pc) =	sbr.rel @!p1 .LBB2_5-.Ltmp1, $3  }
0x42: {  	_ =	sdelay $0x1  }
0x43: {  	[sflag:s7] =	ssyncset.done @!p0 $0x0  }
0x44: {  	[sflag:s7] =	ssyncadd.s32 @!p0 $0xFFFFD800  }
.LBB2_1:
0x45: {  	[dreg:$0x10] =	wrdreg s21  }
0x46: {  	s21 =	simm.s32 @p0 $0x1FCB;
	s7 =	rddreg [dreg:$0x5]  }
0x47: {  	[spmem:s22], [sflag:s21] =	dma.local @p0 [hbm:s7], $0x1900  }
0x48: {  	s21 =	simm.s32 @p0 $0xB  }
0x49: {  	_ =	swait.ge @p0 [sflag:s21], $0x1900  }
0x4a: {  	s7 =	rddreg [dreg:$0x3]  }
0x4b: {  	[sflag:s21] =	ssyncset.done @p0 $0x0;
	s20 =	sshrl.u32 @!p0 s7, $0x3;
	s7 =	rddreg [dreg:$0x4]  }
0x4c: {  	[sflag:s21] =	ssyncadd.s32 @p0 $0xFFFFE700;
	s21 =	simm.s32 @!p0 $0xB;
	[dreg:$0x11] =	wrdreg s20  }
0x4d: {  	[spmem:s20], [sflag:s26] =	dma.local @!p0 [hbm:s7], $0x2800  }
0x4e: {  	_ =	swait.ge @!p0 [sflag:s21], $0x2800  }
0x4f: {  	[sflag:s21] =	ssyncset.done @!p0 $0x0  }
0x50: {  	[sflag:s21] =	ssyncadd.s32 @!p0 $0xFFFFD800  }
0x51: {  	[bflag:$0x0] =	sbarrier.arrive $0xFFFF  }
0x52: {  	s29 =	simm.s32 $0x13880;
	s26 =	rddreg [dreg:$0x6]  }
0x53: {  	[tilespmem:s29], [sflag:$0xB] =	stream.linear.gather [hbm4b:s26+s3], $0x100, $0x38;
	[tilespmem:$0x1A180] =	vst v63  }
0x54: {  	_ =	swait.ge [sflag:s24], $0x100  }
0x55: {  	[sflag:s24] =	ssyncset.done $0x0  }
0x56: {  	s31 =	simm.s32 $0x13D80;
	[sflag:s24] =	ssyncadd.s32 $0xFFFFFF00  }
0x57: {  	[tilespmem:s31], [sflag:$0x1] =	stream.indirect.gather [hbm4b:s4+s25], $0x80, s29, s25, $0xb8;
	[tilespmem:$0x1A180] =	vst v63  }
0x58: {  	s21 =	simm.s32 $0x13980;
	s20 =	rddreg [dreg:$0x7]  }
0x59: {  	[tilespmem:s21], [sflag:$0xB] =	stream.linear.gather [hbm4b:s20+s3], $0x100, $0x38;
	[tilespmem:$0x1A180] =	vst v63  }
0x5a: {  	_ =	swait.ge [sflag:s24], $0x100  }
0x5b: {  	[sflag:s24] =	ssyncset.done $0x0  }
0x5c: {  	s22 =	simm.s32 $0x15180;
	[sflag:s24] =	ssyncadd.s32 $0xFFFFFF00  }
0x5d: {  	[tilespmem:s22], [sflag:$0x2] =	stream.indirect.gather [hbm4b:s4+s25], $0x80, s21, s25, $0xb8;
	[tilespmem:$0x1A180] =	vst v63  }
0x5e: {  	s26 =	rddreg [dreg:$0x8]  }
0x5f: {  	[tilespmem:s30], [sflag:$0xB] =	stream.linear.gather [hbm4b:s26+s3], $0x100, $0x38;
	[tilespmem:$0x1A180] =	vst v63  }
0x60: {  	_ =	swait.ge [sflag:s24], $0x100  }
0x61: {  	[sflag:s24] =	ssyncset.done $0x0  }
0x62: {  	s29 =	simm.s32 $0x16580;
	[sflag:s24] =	ssyncadd.s32 $0xFFFFFF00  }
0x63: {  	[tilespmem:s29], [sflag:$0x3] =	stream.indirect.gather [hbm4b:s4+s25], $0x80, s30, s25, $0xb8;
	[tilespmem:$0x1A180] =	vst v63  }
0x64: {  	s31 =	rddreg [dreg:$0x9]  }
0x65: {  	[tilespmem:s0], [sflag:$0xB] =	stream.linear.gather [hbm4b:s31+s3], $0x100, $0x38;
	[tilespmem:$0x1A180] =	vst v63  }
0x66: {  	_ =	swait.ge [sflag:s24], $0x100  }
0x67: {  	[sflag:s24] =	ssyncset.done $0x0  }
0x68: {  	s21 =	simm.s32 $0x0;
	s22 =	rddreg [dreg:$0xd];
	[sflag:s24] =	ssyncadd.s32 $0xFFFFFF00  }
0x69: {  	[tilespmem:s1], [sflag:$0x4] =	stream.indirect.gather [hbm4b:s4+s25], $0x80, s0, s25, $0xb8;
	[tilespmem:$0x1A180] =	vst v63  }
.LBB2_2:
0x6a: {  	_ =	swait.ge [sflag:s6], $0x1400  }
0x6b: {  	s7 =	simm.s32 $0x13D80;
	[sflag:s6] =	ssyncset.done $0x0  }
0x6c: {  	s20 =	simm.s32 $0x13900;
	p1 =	seq.s32 s21, $0x0;
	[sflag:s6] =	ssyncadd.s32 $0xFFFFEC00  }
0x6d: {  	[spmem:s2] =	stream.indirect.scatter.add.f32 [tilespmem:s7], [sflag:$0x6], $0x80, s20, s25, $0xb8;
	[tilespmem:$0x1A180] =	vst v63  }
0x6e: {  	s31 =	sadd.s32 @!p1 $0xFFFFFF00, s22;
	s20 =	simm.s32 @!p1 $0xA  }
0x6f: {  	s31 =	smov.u32 @p1 s13;
	_ =	swait.ge @!p1 [sflag:s20], $0x1400  }
0x70: {  	s31 =	sshrl.u32 s31, $0x3;
	[sflag:s20] =	ssyncset.done @!p1 $0x0  }
0x71: {  	s29 =	sadd.s32 s5, s31;
	[sflag:s20] =	ssyncadd.s32 @!p1 $0xFFFFEC00  }
0x72: {  	[tilespmem:s8], [sflag:$0xB] =	stream.linear.gather [hbm4b:s29+s3], $0x100, $0x38;
	[tilespmem:$0x1A180] =	vst v63  }
0x73: {  	_ =	swait.ge [sflag:s24], $0x100  }
0x74: {  	[sflag:s24] =	ssyncset.done $0x0  }
0x75: {  	[sflag:s24] =	ssyncadd.s32 $0xFFFFFF00  }
0x76: {  	[tilespmem:s10], [sflag:$0x5] =	stream.indirect.gather [hbm4b:s4+s25], $0x80, s8, s25, $0xb8;
	[tilespmem:$0x1A180] =	vst v63  }
0x77: {  	_ =	swait.ge [sflag:s11], $0x1400  }
0x78: {  	p1 =	seq.s32 s21, $0x1EA0;
	[sflag:s11] =	ssyncset.done $0x0  }
0x79: {  	s31 =	simm.s32 $0x15180;
	s20 =	simm.s32 @p1 $0x3;
	[sflag:s11] =	ssyncadd.s32 $0xFFFFEC00  }
0x7a: {  	[spmem:s2] =	stream.indirect.scatter.add.f32 [tilespmem:s31], [sflag:$0x7], $0x80, s12, s25, $0xb8;
	[tilespmem:$0x1A180] =	vst v63  }
0x7b: {  	_ =	swait.ge @p1 [sflag:s20], $0x1400  }
0x7c: {  	s26 =	simm.s32 @p1 $0x16580;
	[sflag:s20] =	ssyncset.done @p1 $0x0  }
0x7d: {  	s31 =	simm.s32 @p1 $0x13B00;
	[sflag:s20] =	ssyncadd.s32 @p1 $0xFFFFEC00;
	s20 =	simm.s32 @p1 $0x28  }
0x7e: {  	[spmem:s2] =	stream.indirect.scatter.add.f32 @p1 [tilespmem:s26], [sflag:$0x8], $0x80, s31, s20, $0xb8;
	[tilespmem:$0x1A180] =	vst v63  }
0x7f: {  	s20 =	simm.s32 @!p1 $0x6  }
0x80: {  	_ =	swait.ge @!p1 [sflag:s20], $0x1400  }
0x81: {  	[sflag:s20] =	ssyncset.done @!p1 $0x0  }
0x82: {  	[sflag:s20] =	ssyncadd.s32 @!p1 $0xFFFFEC00;
	s20 =	sshrl.u32 @!p1 s22, $0x3  }
0x83: {  	s26 =	simm.s32 @!p1 $0x0;
	s31 =	simm.s32 @!p1 $0x13880;
	s20 =	sadd.s32 @!p1 s5, s20  }
0x84: {  	[tilespmem:s31], [sflag:$0xB] =	stream.linear.gather @!p1 [hbm4b:s20+s26], $0x100, $0x38;
	[tilespmem:$0x1A180] =	vst v63  }
0x85: {  	s20 =	simm.s32 @!p1 $0xB  }
0x86: {  	_ =	swait.ge @!p1 [sflag:s20], $0x100  }
0x87: {  	[sflag:s20] =	ssyncset.done @!p1 $0x0  }
0x88: {  	s7 =	simm.s32 @!p1 $0x28;
	s29 =	simm.s32 @!p1 $0x13D80;
	[sflag:s20] =	ssyncadd.s32 @!p1 $0xFFFFFF00  }
0x89: {  	[tilespmem:s29], [sflag:$0x1] =	stream.indirect.gather @!p1 [hbm4b:s4+s7], $0x80, s31, s7, $0xb8;
	[tilespmem:$0x1A180] =	vst v63  }
0x8a: {  	s29 =	simm.s32 @!p1 $0x3  }
0x8b: {  	_ =	swait.ge @!p1 [sflag:s29], $0x1400  }
0x8c: {  	[sflag:s29] =	ssyncset.done @!p1 $0x0  }
0x8d: {  	s31 =	simm.s32 @!p1 $0x16580;
	[sflag:s29] =	ssyncadd.s32 @!p1 $0xFFFFEC00;
	s29 =	simm.s32 @!p1 $0x13B00  }
0x8e: {  	[spmem:s2] =	stream.indirect.scatter.add.f32 @!p1 [tilespmem:s31], [sflag:$0x8], $0x80, s29, s7, $0xb8;
	[tilespmem:$0x1A180] =	vst v63  }
0x8f: {  	s29 =	simm.s32 @!p1 $0x7  }
0x90: {  	_ =	swait.ge @!p1 [sflag:s29], $0x1400  }
0x91: {  	[sflag:s29] =	ssyncset.done @!p1 $0x0  }
0x92: {  	s31 =	simm.s32 @!p1 $0x13980;
	[sflag:s29] =	ssyncadd.s32 @!p1 $0xFFFFEC00;
	s29 =	sadd.s32 @!p1 s21, s19  }
0x93: {  	[tilespmem:s31], [sflag:$0xB] =	stream.linear.gather @!p1 [hbm4b:s29+s26], $0x100, $0x38;
	[tilespmem:$0x1A180] =	vst v63  }
0x94: {  	_ =	swait.ge @!p1 [sflag:s20], $0x100  }
0x95: {  	[sflag:s20] =	ssyncset.done @!p1 $0x0  }
0x96: {  	[sflag:s20] =	ssyncadd.s32 @!p1 $0xFFFFFF00;
	s20 =	simm.s32 @!p1 $0x15180  }
0x97: {  	[tilespmem:s20], [sflag:$0x2] =	stream.indirect.gather @!p1 [hbm4b:s4+s7], $0x80, s31, s7, $0xb8;
	[tilespmem:$0x1A180] =	vst v63  }
.Ltmp2:
0x98: {  	_ = 	snop;
	(pc) =	sbr.rel @p1 .LBB2_4-.Ltmp2, $4  }
0x99: {  	_ =	swait.ge [sflag:s14], $0x1400  }
0x9a: {  	[sflag:s14] =	ssyncset.done $0x0  }
0x9b: {  	[sflag:s14] =	ssyncadd.s32 $0xFFFFEC00  }
0x9c: {  	[spmem:s2] =	stream.indirect.scatter.add.f32 [tilespmem:s1], [sflag:$0x9], $0x80, s15, s25, $0xb8;
	[tilespmem:$0x1A180] =	vst v63  }
0x9d: {  	_ =	swait.ge [sflag:s28], $0x1400  }
0x9e: {  	[sflag:s28] =	ssyncset.done $0x0  }
0x9f: {  	s7 =	sadd.s32 s21, s18;
	[sflag:s28] =	ssyncadd.s32 $0xFFFFEC00  }
0xa0: {  	[tilespmem:s30], [sflag:$0xB] =	stream.linear.gather [hbm4b:s7+s3], $0x100, $0x38;
	[tilespmem:$0x1A180] =	vst v63  }
0xa1: {  	_ =	swait.ge [sflag:s24], $0x100  }
0xa2: {  	[sflag:s24] =	ssyncset.done $0x0  }
0xa3: {  	s29 =	simm.s32 $0x16580;
	[sflag:s24] =	ssyncadd.s32 $0xFFFFFF00  }
0xa4: {  	[tilespmem:s29], [sflag:$0x3] =	stream.indirect.gather [hbm4b:s4+s25], $0x80, s30, s25, $0xb8;
	[tilespmem:$0x1A180] =	vst v63  }
0xa5: {  	_ =	swait.ge [sflag:s16], $0x1400  }
0xa6: {  	[sflag:s16] =	ssyncset.done $0x0  }
0xa7: {  	[sflag:s16] =	ssyncadd.s32 $0xFFFFEC00  }
0xa8: {  	[spmem:s2] =	stream.indirect.scatter.add.f32 [tilespmem:s10], [sflag:$0xA], $0x80, s9, s25, $0xb8;
	[tilespmem:$0x1A180] =	vst v63  }
0xa9: {  	_ =	swait.ge [sflag:s23], $0x1400  }
0xaa: {  	[sflag:s23] =	ssyncset.done $0x0  }
0xab: {  	s31 =	sadd.s32 s21, s17;
	[sflag:s23] =	ssyncadd.s32 $0xFFFFEC00  }
0xac: {  	[tilespmem:s0], [sflag:$0xB] =	stream.linear.gather [hbm4b:s31+s3], $0x100, $0x38;
	[tilespmem:$0x1A180] =	vst v63  }
.Ltmp3:
0xad: {  	_ = 	snop;
	(pc) =	sbr.rel .LBB2_2-.Ltmp3, $4  }
0xae: {  	_ =	swait.ge [sflag:s24], $0x100  }
0xaf: {  	[sflag:s24] =	ssyncset.done $0x0  }
0xb0: {  	s21 =	sadd.s32 $0xA0, s21;
	s22 =	sadd.s32 $0x500, s22;
	[sflag:s24] =	ssyncadd.s32 $0xFFFFFF00  }
0xb1: {  	[tilespmem:s1], [sflag:$0x4] =	stream.indirect.gather [hbm4b:s4+s25], $0x80, s0, s25, $0xb8;
	[tilespmem:$0x1A180] =	vst v63  }
.LBB2_5:
0xb2: {  	_ =	sfence.sel $0x180000  }
0xb3: {  	[bflag:$0x0] =	sbarrier.arrive $0xFFFF  }
0xb4: {  	_ =	strace $0x9000004A  }
0xb5: {  	s0 =	stileid.u32;
	[bflag:$0x2] =	sbarrier.arrive $0xFFFF  }
0xb6: {  	p0 =	sne.s32 s0, $0x0;
	s0 =	rddreg [dreg:$0x2]  }
0xb7: {  	s0 =	sadd.s32 @!p0 $0x100000, s0  }
0xb8: {  	[sflag:s0] =	ssyncadd.tile.s32 @!p0 $0x1;
	_ =	shalt  }
.Lfunc_end2:
_tile_overlayer_lowered:
.L_overlay_start_2:
0xb9: {  	(tag) =	ssettag $0x2  }
0xba: {  	s0 =	rddreg [dreg:$0x0];
	s2 =	stileid.u32  }
0xbb: {  	s1 =	rddreg [dreg:$0x1];
	p0 =	sne.s32 s2, $0x0  }
0xbc: {  	s3 =	rddreg [dreg:$0x2];
	[bflag:$0x3] =	sbarrier.arrive $0xFFFF;
	s2 =	simm.s32 @!p0 $0x1C0B  }
0xbd: {  	[timem:s3], [sflag:s2] =	dma.local @!p0 [hbm:s0], s1  }
0xbe: {  	s0 =	simm.s32 @!p0 $0xB  }
0xbf: {  	_ =	swait.ge @!p0 [sflag:s0], s1  }
0xc0: {  	s1 =	ssub.s32 @!p0 $0x0, s1;
	[sflag:s0] =	ssyncset.done @!p0 $0x0  }
0xc1: {  	[sflag:s0] =	ssyncadd.s32 @!p0 s1  }
0xc2: {  	[bflag:$0x3] =	sbarrier.arrive $0xFFFF  }
0xc3: {  	_ =	shalt  }

</sc_bundles>
